<compile_context>
chip_gen: v7x
topology: tpu7x:2x2x1
jax: 0.10.2.dev20260603
libtpu: 0.0.44.dev20260713+nightly
codegen_flags: <defaults>
</compile_context>

<pallas_src>
import functools

import jax
import jax.numpy as jnp
from jax import lax
from jax.experimental import pallas as pl
from jax.experimental.pallas import tpu as pltpu
from jax.experimental.pallas import tpu_sc as plsc

NC = 2
NS = 16
NW = NC * NS
CHUNK = 125
IB = 16
NPAD = 10112
STRIPE = NPAD // NS
ZROWS = 8



def _sc_mesh():
    return plsc.VectorSubcoreMesh(core_axis_name="c", subcore_axis_name="s",
                                  num_cores=NC, num_subcores=NS)


def _make_deg_kernel(nchunk):
    @functools.partial(
        pl.kernel,
        out_type=jax.ShapeDtypeStruct((NC, NPAD, 16), jnp.float32),
        mesh=_sc_mesh(),
        scratch_types=[
            pltpu.VMEM((nchunk, CHUNK), jnp.int32),
            pltpu.VMEM((ZROWS, 16), jnp.float32),
            pltpu.VMEM((CHUNK, 16), jnp.float32),
            pltpu.VMEM_SHARED((NPAD, 16), jnp.float32),
        ],
    )
    def deg_k(dst_hbm, out_hbm, dst_v, zbuf, ones, acc):
        cid = lax.axis_index("c")
        sid = lax.axis_index("s")
        wid = sid * NC + cid

        def zrow(r, _):
            zbuf[r, :] = jnp.zeros((16,), jnp.float32)
            return 0
        lax.fori_loop(0, ZROWS, zrow, 0)

        def zcopy(k, _):
            pltpu.sync_copy(zbuf, acc.at[pl.ds(sid * STRIPE + k * ZROWS, ZROWS)])
            return 0
        lax.fori_loop(0, STRIPE // ZROWS, zcopy, 0)

        def orow(r, _):
            ones[r, :] = jnp.ones((16,), jnp.float32)
            return 0
        lax.fori_loop(0, CHUNK, orow, 0)

        pltpu.sync_copy(dst_hbm.at[wid], dst_v)
        plsc.subcore_barrier()

        def body(j, _):
            pltpu.sync_copy(ones, acc.at[dst_v.at[j]], add=True)
            return 0
        lax.fori_loop(0, nchunk, body, 0)

        plsc.subcore_barrier()
        pltpu.sync_copy(acc.at[pl.ds(sid * STRIPE, STRIPE)],
                        out_hbm.at[cid, pl.ds(sid * STRIPE, STRIPE)])

    return deg_k


def _make_scatter_kernel(d, nchunk):
    ngroup = nchunk // IB

    @functools.partial(
        pl.kernel,
        out_type=jax.ShapeDtypeStruct((NC, NPAD, d), jnp.float32),
        mesh=_sc_mesh(),
        scratch_types=[
            pltpu.VMEM((IB, CHUNK), jnp.int32),
            pltpu.VMEM((IB, CHUNK), jnp.int32),
            pltpu.VMEM((ZROWS, d), jnp.float32),
            pltpu.VMEM((CHUNK, d), jnp.float32),
            pltpu.VMEM((CHUNK, d), jnp.float32),
            pltpu.VMEM_SHARED((NPAD, d), jnp.float32),
            pltpu.SemaphoreType.DMA,
            pltpu.SemaphoreType.DMA,
        ],
    )
    def scatter_k(src_hbm, dst_hbm, g_hbm, out_hbm,
                  src_v, dst_v, zbuf, bufa, bufb, acc, sema, semb):
        cid = lax.axis_index("c")
        sid = lax.axis_index("s")
        wid = sid * NC + cid

        def zrow(r, _):
            for c in range(d // 16):
                zbuf[r, pl.ds(c * 16, 16)] = jnp.zeros((16,), jnp.float32)
            return 0
        lax.fori_loop(0, ZROWS, zrow, 0)

        def zcopy(k, _):
            pltpu.sync_copy(zbuf, acc.at[pl.ds(sid * STRIPE + k * ZROWS, ZROWS)])
            return 0
        lax.fori_loop(0, STRIPE // ZROWS, zcopy, 0)
        plsc.subcore_barrier()

        def group(gi, _):
            pltpu.sync_copy(src_hbm.at[wid, pl.ds(gi * IB, IB)], src_v)
            pltpu.sync_copy(dst_hbm.at[wid, pl.ds(gi * IB, IB)], dst_v)
            pltpu.async_copy(g_hbm.at[src_v.at[0]], bufa, sema)

            def body(jj, _):
                j = jj * 2
                pltpu.async_copy(g_hbm.at[src_v.at[j + 1]], bufb, semb)
                pltpu.make_async_copy(g_hbm.at[src_v.at[j]], bufa, sema).wait()
                pltpu.sync_copy(bufa, acc.at[dst_v.at[j]], add=True)

                @pl.when(jj + 1 < IB // 2)
                def _():
                    pltpu.async_copy(g_hbm.at[src_v.at[j + 2]], bufa, sema)

                pltpu.make_async_copy(g_hbm.at[src_v.at[j + 1]], bufb,
                                      semb).wait()
                pltpu.sync_copy(bufb, acc.at[dst_v.at[j + 1]], add=True)
                return 0
            lax.fori_loop(0, IB // 2, body, 0)
            return 0
        lax.fori_loop(0, ngroup, group, 0)

        plsc.subcore_barrier()
        pltpu.sync_copy(acc.at[pl.ds(sid * STRIPE, STRIPE)],
                        out_hbm.at[cid, pl.ds(sid * STRIPE, STRIPE)])

    return scatter_k



_BLK = 1000


def _tc_in_body(x, dinv, w, o):
    o[...] = dinv[...] * jnp.dot(x[...], w[...],
                                 preferred_element_type=jnp.float32)


def _tc_mid_body(p0, p1, g, dinv, b, w, o):
    h = dinv[...] * (p0[...] + p1[...] + g[...]) + b[...]
    h = jnp.maximum(h, 0.0)
    o[...] = dinv[...] * jnp.dot(h, w[...], preferred_element_type=jnp.float32)


def _tc_out_body(p0, p1, g, dinv, b, w, bout, o):
    h = dinv[...] * (p0[...] + p1[...] + g[...]) + b[...]
    h = jnp.maximum(h, 0.0)
    logits = jnp.dot(h, w[...], preferred_element_type=jnp.float32) + bout[...]
    m = jnp.max(logits, axis=1, keepdims=True)
    e = jnp.exp(logits - m)
    o[...] = e / jnp.sum(e, axis=1, keepdims=True)


def _row_spec(d):
    return pl.BlockSpec((_BLK, d), lambda i: (i, 0))


def _full_spec(r, c):
    return pl.BlockSpec((r, c), lambda i: (0, 0))



def kernel(x, edge_index, batch, W0, b0, W1, b1, W2, b2, Wout, bout):
    n, d = x.shape
    h = W0.shape[1]
    e = edge_index.shape[1]
    nchunk = e // NW // CHUNK

    src3 = edge_index[0].reshape(NW, nchunk, CHUNK)
    dst3 = edge_index[1].reshape(NW, nchunk, CHUNK)

    deg_k = _make_deg_kernel(nchunk)
    scat_k = _make_scatter_kernel(h, nchunk)

    degp = deg_k(dst3)
    deg = degp[0, :n, 0] + degp[1, :n, 0] + 1.0
    dinv = lax.rsqrt(deg).reshape(n, 1)

    t_in = pl.pallas_call(
        _tc_in_body,
        grid=(n // _BLK,),
        in_specs=[_row_spec(d), _row_spec(1), _full_spec(d, h)],
        out_specs=_row_spec(h),
        out_shape=jax.ShapeDtypeStruct((n, h), jnp.float32),
    )

    t_mid = pl.pallas_call(
        _tc_mid_body,
        grid=(n // _BLK,),
        in_specs=[_row_spec(h), _row_spec(h), _row_spec(h), _row_spec(1),
                  _full_spec(1, h), _full_spec(h, h)],
        out_specs=_row_spec(h),
        out_shape=jax.ShapeDtypeStruct((n, h), jnp.float32),
    )

    t_out = pl.pallas_call(
        _tc_out_body,
        grid=(n // _BLK,),
        in_specs=[_row_spec(h), _row_spec(h), _row_spec(h), _row_spec(1),
                  _full_spec(1, h), _full_spec(h, d), _full_spec(1, d)],
        out_specs=_row_spec(d),
        out_shape=jax.ShapeDtypeStruct((n, d), jnp.float32),
    )

    g = t_in(x, dinv, W0)
    p = scat_k(src3, dst3, g)
    g = t_mid(p[0, :n], p[1, :n], g, dinv, b0.reshape(1, h), W1)
    p = scat_k(src3, dst3, g)
    g = t_mid(p[0, :n], p[1, :n], g, dinv, b1.reshape(1, h), W2)
    p = scat_k(src3, dst3, g)
    return t_out(p[0, :n], p[1, :n], g, dinv, b2.reshape(1, h), Wout,
                 bout.reshape(1, d))

# --- scband reference (transcript-rebuilt; emitter-appended) ---
"""Pipeline reference for scband-gcn-l-73203422593432 (READ-ONLY COPY).

The authoritative reference and input builder live on the scoring server;
editing this copy changes nothing except your own understanding.
"""

import jax, jax.numpy as jnp
import numpy as np

N = 10000
E = 320000
D = 128
H = 128

def setup_inputs(seed: int = 0):
    key = jax.random.key(seed)
    ks = jax.random.split(key, 12)
    x = jax.random.normal(ks[0], (N, D), dtype=jnp.float32)
    edge_index = jax.random.randint(ks[1], (2, E), 0, N, dtype=jnp.int32)
    batch = jnp.zeros((N,), dtype=jnp.int32)
    s = 0.05
    W0 = jax.random.normal(ks[2], (D, H), dtype=jnp.float32) * s
    b0 = jnp.zeros((H,), dtype=jnp.float32)
    W1 = jax.random.normal(ks[3], (H, H), dtype=jnp.float32) * s
    b1 = jnp.zeros((H,), dtype=jnp.float32)
    W2 = jax.random.normal(ks[4], (H, H), dtype=jnp.float32) * s
    b2 = jnp.zeros((H,), dtype=jnp.float32)
    Wout = jax.random.normal(ks[5], (H, D), dtype=jnp.float32) * s
    bout = jnp.zeros((D,), dtype=jnp.float32)
    return {"x": x, "edge_index": edge_index, "batch": batch,
            "W0": W0, "b0": b0, "W1": W1, "b1": b1, "W2": W2, "b2": b2,
            "Wout": Wout, "bout": bout}

def _gcn_norm(edge_index, n):
    # add self loops (GCNConv default) and compute symmetric normalization
    loop = jnp.arange(n, dtype=edge_index.dtype)
    src = jnp.concatenate([edge_index[0], loop])
    dst = jnp.concatenate([edge_index[1], loop])
    deg = jax.ops.segment_sum(jnp.ones_like(src, dtype=jnp.float32), dst, num_segments=n)
    dinv = jnp.where(deg > 0, 1.0 / jnp.sqrt(deg), 0.0)
    norm = dinv[src] * dinv[dst]
    return src, dst, norm

def _gcn_layer(x, src, dst, norm, W, b, n):
    h = x @ W
    msg = h[src] * norm[:, None]
    out = jax.ops.segment_sum(msg, dst, num_segments=n)
    return out + b

def reference(x, edge_index, batch, W0, b0, W1, b1, W2, b2, Wout, bout):
    n = x.shape[0]
    src, dst, norm = _gcn_norm(edge_index, n)
    h = x
    for (W, b) in ((W0, b0), (W1, b1), (W2, b2)):
        h = _gcn_layer(h, src, dst, norm, W, b, n)
        h = jax.nn.relu(h)
        # dropout p=0.0 (eval) -> identity
    logits = h @ Wout + bout
    return jax.nn.softmax(logits, axis=1)

if __name__ == "__main__":
    import jax
    _d = setup_inputs()
    print(jax.jit(kernel)(*tuple(_d.values())))

</pallas_src>

<mosaic_0001>
#map = affine_map<(d0, d1) -> (0, 0, 0)>
#map1 = affine_map<(d0, d1) -> (0, 0)>
module attributes {stable_mosaic.version = 14 : i64} {
  func.func @scatter_k(%arg0: i32, %arg1: i32, %arg2: memref<32x80x125xi32, #tpu.memory_space<hbm>>, %arg3: memref<32x80x125xi32, #tpu.memory_space<hbm>>, %arg4: memref<10000x128xf32, #tpu.memory_space<hbm>>, %arg5: memref<2x10112x128xf32, #tpu.memory_space<hbm>>, %arg6: memref<16x125xi32, #tpu.memory_space<vmem>>, %arg7: memref<16x125xi32, #tpu.memory_space<vmem>>, %arg8: memref<8x128xf32, #tpu.memory_space<vmem>>, %arg9: memref<125x128xf32, #tpu.memory_space<vmem>>, %arg10: memref<125x128xf32, #tpu.memory_space<vmem>>, %arg11: memref<10112x128xf32, #tpu.memory_space<vmem_shared>>, %arg12: memref<!tpu.dma_semaphore, #tpu.memory_space<semaphore_mem>>, %arg13: memref<!tpu.dma_semaphore, #tpu.memory_space<semaphore_mem>>) attributes {dimension_semantics = [#tpu.dimension_semantics<core_parallel>, #tpu.dimension_semantics<subcore_parallel>], iteration_bounds = array<i64: 2, 16>, scalar_prefetch = 0 : i64, scratch_operands = 8 : i64, tpu.core_type = #tpu.core_type<sc_vector_subcore>, window_params = [{transform_indices = #map}, {transform_indices = #map}, {transform_indices = #map1}, {transform_indices = #map}]} {
    %mul3A = arith.constant 2 : i32
    %mul3A_0 = arith.muli %arg1, %mul3A : i32
    %add3A = arith.addi %mul3A_0, %arg0 : i32
    %scan3A = arith.constant 0 : i32
    %scan3A_1 = arith.constant 0 : i32
    %scan3A_2 = arith.constant 8 : i32
    %scan3A_3 = arith.addi %scan3A_1, %scan3A_2 : i32
    %scan3A_4 = arith.constant 1 : i32
    %scan3A_5 = scf.for %scan3A_26 = %scan3A_1 to %scan3A_3 step %scan3A_4 iter_args(%scan3A_27 = %scan3A) -> (i32)  : i32 {
      %broadcast_in_dim3A = arith.constant 0.000000e+00 : f32
      %broadcast_in_dim3A_28 = vector.broadcast %broadcast_in_dim3A : f32 to vector<16xf32>
      %swap3A = arith.index_cast %scan3A_26 : i32 to index
      %swap3A_29 = arith.constant 0 : index
      %swap3A_30 = tpu.vector_load %arg8[%swap3A, %swap3A_29] {strides = array<i32>} : memref<8x128xf32, #tpu.memory_space<vmem>>, vector<1x16xf32>,
      %swap3A_31 = vector.shape_cast %swap3A_30 : vector<1x16xf32> to vector<16xf32>
      %swap3A_32 = vector.shape_cast %broadcast_in_dim3A_28 : vector<16xf32> to vector<1x16xf32>
      tpu.vector_store %arg8[%swap3A, %swap3A_29], %swap3A_32 {strides = array<i32>} : memref<8x128xf32, #tpu.memory_space<vmem>>, vector<1x16xf32>,
      %broadcast_in_dim3A_33 = arith.constant 0.000000e+00 : f32
      %broadcast_in_dim3A_34 = vector.broadcast %broadcast_in_dim3A_33 : f32 to vector<16xf32>
      %swap3A_35 = arith.index_cast %scan3A_26 : i32 to index
      %swap3A_36 = arith.constant 16 : index
      %swap3A_37 = tpu.vector_load %arg8[%swap3A_35, %swap3A_36] {strides = array<i32>} : memref<8x128xf32, #tpu.memory_space<vmem>>, vector<1x16xf32>,
      %swap3A_38 = vector.shape_cast %swap3A_37 : vector<1x16xf32> to vector<16xf32>
      %swap3A_39 = vector.shape_cast %broadcast_in_dim3A_34 : vector<16xf32> to vector<1x16xf32>
      tpu.vector_store %arg8[%swap3A_35, %swap3A_36], %swap3A_39 {strides = array<i32>} : memref<8x128xf32, #tpu.memory_space<vmem>>, vector<1x16xf32>,
      %broadcast_in_dim3A_40 = arith.constant 0.000000e+00 : f32
      %broadcast_in_dim3A_41 = vector.broadcast %broadcast_in_dim3A_40 : f32 to vector<16xf32>
      %swap3A_42 = arith.index_cast %scan3A_26 : i32 to index
      %swap3A_43 = arith.constant 32 : index
      %swap3A_44 = tpu.vector_load %arg8[%swap3A_42, %swap3A_43] {strides = array<i32>} : memref<8x128xf32, #tpu.memory_space<vmem>>, vector<1x16xf32>,
      %swap3A_45 = vector.shape_cast %swap3A_44 : vector<1x16xf32> to vector<16xf32>
      %swap3A_46 = vector.shape_cast %broadcast_in_dim3A_41 : vector<16xf32> to vector<1x16xf32>
      tpu.vector_store %arg8[%swap3A_42, %swap3A_43], %swap3A_46 {strides = array<i32>} : memref<8x128xf32, #tpu.memory_space<vmem>>, vector<1x16xf32>,
      %broadcast_in_dim3A_47 = arith.constant 0.000000e+00 : f32
      %broadcast_in_dim3A_48 = vector.broadcast %broadcast_in_dim3A_47 : f32 to vector<16xf32>
      %swap3A_49 = arith.index_cast %scan3A_26 : i32 to index
      %swap3A_50 = arith.constant 48 : index
      %swap3A_51 = tpu.vector_load %arg8[%swap3A_49, %swap3A_50] {strides = array<i32>} : memref<8x128xf32, #tpu.memory_space<vmem>>, vector<1x16xf32>,
      %swap3A_52 = vector.shape_cast %swap3A_51 : vector<1x16xf32> to vector<16xf32>
      %swap3A_53 = vector.shape_cast %broadcast_in_dim3A_48 : vector<16xf32> to vector<1x16xf32>
      tpu.vector_store %arg8[%swap3A_49, %swap3A_50], %swap3A_53 {strides = array<i32>} : memref<8x128xf32, #tpu.memory_space<vmem>>, vector<1x16xf32>,
      %broadcast_in_dim3A_54 = arith.constant 0.000000e+00 : f32
      %broadcast_in_dim3A_55 = vector.broadcast %broadcast_in_dim3A_54 : f32 to vector<16xf32>
      %swap3A_56 = arith.index_cast %scan3A_26 : i32 to index
      %swap3A_57 = arith.constant 64 : index
      %swap3A_58 = tpu.vector_load %arg8[%swap3A_56, %swap3A_57] {strides = array<i32>} : memref<8x128xf32, #tpu.memory_space<vmem>>, vector<1x16xf32>,
      %swap3A_59 = vector.shape_cast %swap3A_58 : vector<1x16xf32> to vector<16xf32>
      %swap3A_60 = vector.shape_cast %broadcast_in_dim3A_55 : vector<16xf32> to vector<1x16xf32>
      tpu.vector_store %arg8[%swap3A_56, %swap3A_57], %swap3A_60 {strides = array<i32>} : memref<8x128xf32, #tpu.memory_space<vmem>>, vector<1x16xf32>,
      %broadcast_in_dim3A_61 = arith.constant 0.000000e+00 : f32
      %broadcast_in_dim3A_62 = vector.broadcast %broadcast_in_dim3A_61 : f32 to vector<16xf32>
      %swap3A_63 = arith.index_cast %scan3A_26 : i32 to index
      %swap3A_64 = arith.constant 80 : index
      %swap3A_65 = tpu.vector_load %arg8[%swap3A_63, %swap3A_64] {strides = array<i32>} : memref<8x128xf32, #tpu.memory_space<vmem>>, vector<1x16xf32>,
      %swap3A_66 = vector.shape_cast %swap3A_65 : vector<1x16xf32> to vector<16xf32>
      %swap3A_67 = vector.shape_cast %broadcast_in_dim3A_62 : vector<16xf32> to vector<1x16xf32>
      tpu.vector_store %arg8[%swap3A_63, %swap3A_64], %swap3A_67 {strides = array<i32>} : memref<8x128xf32, #tpu.memory_space<vmem>>, vector<1x16xf32>,
      %broadcast_in_dim3A_68 = arith.constant 0.000000e+00 : f32
      %broadcast_in_dim3A_69 = vector.broadcast %broadcast_in_dim3A_68 : f32 to vector<16xf32>
      %swap3A_70 = arith.index_cast %scan3A_26 : i32 to index
      %swap3A_71 = arith.constant 96 : index
      %swap3A_72 = tpu.vector_load %arg8[%swap3A_70, %swap3A_71] {strides = array<i32>} : memref<8x128xf32, #tpu.memory_space<vmem>>, vector<1x16xf32>,
      %swap3A_73 = vector.shape_cast %swap3A_72 : vector<1x16xf32> to vector<16xf32>
      %swap3A_74 = vector.shape_cast %broadcast_in_dim3A_69 : vector<16xf32> to vector<1x16xf32>
      tpu.vector_store %arg8[%swap3A_70, %swap3A_71], %swap3A_74 {strides = array<i32>} : memref<8x128xf32, #tpu.memory_space<vmem>>, vector<1x16xf32>,
      %broadcast_in_dim3A_75 = arith.constant 0.000000e+00 : f32
      %broadcast_in_dim3A_76 = vector.broadcast %broadcast_in_dim3A_75 : f32 to vector<16xf32>
      %swap3A_77 = arith.index_cast %scan3A_26 : i32 to index
      %swap3A_78 = arith.constant 112 : index
      %swap3A_79 = tpu.vector_load %arg8[%swap3A_77, %swap3A_78] {strides = array<i32>} : memref<8x128xf32, #tpu.memory_space<vmem>>, vector<1x16xf32>,
      %swap3A_80 = vector.shape_cast %swap3A_79 : vector<1x16xf32> to vector<16xf32>
      %swap3A_81 = vector.shape_cast %broadcast_in_dim3A_76 : vector<16xf32> to vector<1x16xf32>
      tpu.vector_store %arg8[%swap3A_77, %swap3A_78], %swap3A_81 {strides = array<i32>} : memref<8x128xf32, #tpu.memory_space<vmem>>, vector<1x16xf32>,
      %scan3A_82 = arith.constant 0 : i32
      scf.yield %scan3A_82 : i32
    }
    %scan3A_6 = arith.constant 8 : i32
    %scan3A_7 = arith.constant 0 : i32
    %scan3A_8 = arith.constant 0 : i32
    %scan3A_9 = arith.constant 79 : i32
    %scan3A_10 = arith.addi %scan3A_8, %scan3A_9 : i32
    %scan3A_11 = arith.constant 1 : i32
    %scan3A_12 = scf.for %scan3A_26 = %scan3A_8 to %scan3A_10 step %scan3A_11 iter_args(%scan3A_27 = %scan3A_7) -> (i32)  : i32 {
      %mul3A_28 = arith.constant 632 : i32
      %mul3A_29 = arith.muli %arg1, %mul3A_28 : i32
      %mul3A_30 = arith.constant 8 : i32
      %mul3A_31 = arith.muli %scan3A_26, %mul3A_30 : i32
      %add3A_32 = arith.addi %mul3A_29, %mul3A_31 : i32
      "tpu.region"() ({
        %run_scoped3A = tpu.sem_alloc : memref<!tpu.dma_semaphore, #tpu.memory_space<semaphore_mem>>
        %dma_start3A = arith.constant 0 : i32
        %dma_start3A_34 = tpu.memref_slice %arg11[%add3A_32, %dma_start3A] : memref<10112x128xf32, #tpu.memory_space<vmem_shared>> -> memref<8x128xf32, #tpu.memory_space<vmem_shared>>
        %dma_start3A_35 = arith.constant 0 : i32
        %dma_start3A_36 = tpu.memref_slice %arg11[%add3A_32, %dma_start3A_35] : memref<10112x128xf32, #tpu.memory_space<vmem_shared>> -> memref<8x128xf32, #tpu.memory_space<vmem_shared>>
        tpu.enqueue_dma source(%arg8 : memref<8x128xf32, #tpu.memory_space<vmem>>) target(%dma_start3A_36 : memref<8x128xf32, #tpu.memory_space<vmem_shared>>) target_semaphore(%run_scoped3A : memref<!tpu.dma_semaphore, #tpu.memory_space<semaphore_mem>>)
        %dma_wait3A = arith.constant 0 : i32
        %dma_wait3A_37 = tpu.memref_slice %arg11[%add3A_32, %dma_wait3A] : memref<10112x128xf32, #tpu.memory_space<vmem_shared>> -> memref<8x128xf32, #tpu.memory_space<vmem_shared>>
        %dma_wait3A_38 = arith.constant 0 : i32
        %dma_wait3A_39 = tpu.memref_slice %arg11[%add3A_32, %dma_wait3A_38] : memref<10112x128xf32, #tpu.memory_space<vmem_shared>> -> memref<8x128xf32, #tpu.memory_space<vmem_shared>>
        tpu.wait_dma2 semaphore(%run_scoped3A : memref<!tpu.dma_semaphore, #tpu.memory_space<semaphore_mem>>) src(%arg8 : memref<8x128xf32, #tpu.memory_space<vmem>>) dst(%dma_wait3A_39 : memref<8x128xf32, #tpu.memory_space<vmem_shared>>)
        tpu.yield
      }) : () -> ()
      %scan3A_33 = arith.constant 0 : i32
      scf.yield %scan3A_33 : i32
    }
    %scan3A_13 = arith.constant 79 : i32
    %barrier3A = arith.constant 0 : index
    tpu.barrier barrier_id(%barrier3A)
    %scan3A_14 = arith.constant 0 : i32
    %scan3A_15 = arith.constant 0 : i32
    %scan3A_16 = arith.constant 5 : i32
    %scan3A_17 = arith.addi %scan3A_15, %scan3A_16 : i32
    %scan3A_18 = arith.constant 1 : i32
    %scan3A_19 = scf.for %scan3A_26 = %scan3A_15 to %scan3A_17 step %scan3A_18 iter_args(%scan3A_27 = %scan3A_14) -> (i32)  : i32 {
      %mul3A_28 = arith.constant 16 : i32
      %mul3A_29 = arith.muli %scan3A_26, %mul3A_28 : i32
      "tpu.region"() ({
        %run_scoped3A = tpu.sem_alloc : memref<!tpu.dma_semaphore, #tpu.memory_space<semaphore_mem>>
        %dma_start3A_46 = arith.constant 0 : i32
        %dma_start3A_47 = tpu.memref_slice %arg2[%add3A, %mul3A_29, %dma_start3A_46] : memref<32x80x125xi32, #tpu.memory_space<hbm>> -> memref<1x16x125xi32, #tpu.memory_space<hbm>>
        %dma_start3A_48 = tpu.memref_squeeze %dma_start3A_47 : memref<1x16x125xi32, #tpu.memory_space<hbm>> -> memref<16x125xi32, #tpu.memory_space<hbm>>
        %dma_start3A_49 = arith.constant 0 : i32
        %dma_start3A_50 = tpu.memref_slice %arg2[%add3A, %mul3A_29, %dma_start3A_49] : memref<32x80x125xi32, #tpu.memory_space<hbm>> -> memref<1x16x125xi32, #tpu.memory_space<hbm>>
        %dma_start3A_51 = tpu.memref_squeeze %dma_start3A_50 : memref<1x16x125xi32, #tpu.memory_space<hbm>> -> memref<16x125xi32, #tpu.memory_space<hbm>>
        tpu.enqueue_dma source(%dma_start3A_51 : memref<16x125xi32, #tpu.memory_space<hbm>>) target(%arg6 : memref<16x125xi32, #tpu.memory_space<vmem>>) target_semaphore(%run_scoped3A : memref<!tpu.dma_semaphore, #tpu.memory_space<semaphore_mem>>)
        %dma_wait3A = arith.constant 0 : i32
        %dma_wait3A_52 = tpu.memref_slice %arg2[%add3A, %mul3A_29, %dma_wait3A] : memref<32x80x125xi32, #tpu.memory_space<hbm>> -> memref<1x16x125xi32, #tpu.memory_space<hbm>>
        %dma_wait3A_53 = tpu.memref_squeeze %dma_wait3A_52 : memref<1x16x125xi32, #tpu.memory_space<hbm>> -> memref<16x125xi32, #tpu.memory_space<hbm>>
        %dma_wait3A_54 = arith.constant 0 : i32
        %dma_wait3A_55 = tpu.memref_slice %arg2[%add3A, %mul3A_29, %dma_wait3A_54] : memref<32x80x125xi32, #tpu.memory_space<hbm>> -> memref<1x16x125xi32, #tpu.memory_space<hbm>>
        %dma_wait3A_56 = tpu.memref_squeeze %dma_wait3A_55 : memref<1x16x125xi32, #tpu.memory_space<hbm>> -> memref<16x125xi32, #tpu.memory_space<hbm>>
        tpu.wait_dma2 semaphore(%run_scoped3A : memref<!tpu.dma_semaphore, #tpu.memory_space<semaphore_mem>>) src(%dma_wait3A_56 : memref<16x125xi32, #tpu.memory_space<hbm>>) dst(%arg6 : memref<16x125xi32, #tpu.memory_space<vmem>>)
        tpu.yield
      }) : () -> ()
      %mul3A_30 = arith.constant 16 : i32
      %mul3A_31 = arith.muli %scan3A_26, %mul3A_30 : i32
      "tpu.region"() ({
        %run_scoped3A = tpu.sem_alloc : memref<!tpu.dma_semaphore, #tpu.memory_space<semaphore_mem>>
        %dma_start3A_46 = arith.constant 0 : i32
        %dma_start3A_47 = tpu.memref_slice %arg3[%add3A, %mul3A_31, %dma_start3A_46] : memref<32x80x125xi32, #tpu.memory_space<hbm>> -> memref<1x16x125xi32, #tpu.memory_space<hbm>>
        %dma_start3A_48 = tpu.memref_squeeze %dma_start3A_47 : memref<1x16x125xi32, #tpu.memory_space<hbm>> -> memref<16x125xi32, #tpu.memory_space<hbm>>
        %dma_start3A_49 = arith.constant 0 : i32
        %dma_start3A_50 = tpu.memref_slice %arg3[%add3A, %mul3A_31, %dma_start3A_49] : memref<32x80x125xi32, #tpu.memory_space<hbm>> -> memref<1x16x125xi32, #tpu.memory_space<hbm>>
        %dma_start3A_51 = tpu.memref_squeeze %dma_start3A_50 : memref<1x16x125xi32, #tpu.memory_space<hbm>> -> memref<16x125xi32, #tpu.memory_space<hbm>>
        tpu.enqueue_dma source(%dma_start3A_51 : memref<16x125xi32, #tpu.memory_space<hbm>>) target(%arg7 : memref<16x125xi32, #tpu.memory_space<vmem>>) target_semaphore(%run_scoped3A : memref<!tpu.dma_semaphore, #tpu.memory_space<semaphore_mem>>)
        %dma_wait3A = arith.constant 0 : i32
        %dma_wait3A_52 = tpu.memref_slice %arg3[%add3A, %mul3A_31, %dma_wait3A] : memref<32x80x125xi32, #tpu.memory_space<hbm>> -> memref<1x16x125xi32, #tpu.memory_space<hbm>>
        %dma_wait3A_53 = tpu.memref_squeeze %dma_wait3A_52 : memref<1x16x125xi32, #tpu.memory_space<hbm>> -> memref<16x125xi32, #tpu.memory_space<hbm>>
        %dma_wait3A_54 = arith.constant 0 : i32
        %dma_wait3A_55 = tpu.memref_slice %arg3[%add3A, %mul3A_31, %dma_wait3A_54] : memref<32x80x125xi32, #tpu.memory_space<hbm>> -> memref<1x16x125xi32, #tpu.memory_space<hbm>>
        %dma_wait3A_56 = tpu.memref_squeeze %dma_wait3A_55 : memref<1x16x125xi32, #tpu.memory_space<hbm>> -> memref<16x125xi32, #tpu.memory_space<hbm>>
        tpu.wait_dma2 semaphore(%run_scoped3A : memref<!tpu.dma_semaphore, #tpu.memory_space<semaphore_mem>>) src(%dma_wait3A_56 : memref<16x125xi32, #tpu.memory_space<hbm>>) dst(%arg7 : memref<16x125xi32, #tpu.memory_space<vmem>>)
        tpu.yield
      }) : () -> ()
      %dma_start3A = arith.constant 0 : i32
      %dma_start3A_32 = arith.constant 0 : i32
      %dma_start3A_33 = tpu.memref_slice %arg6[%dma_start3A, %dma_start3A_32] : memref<16x125xi32, #tpu.memory_space<vmem>> -> memref<1x125xi32, #tpu.memory_space<vmem>>
      %dma_start3A_34 = tpu.memref_squeeze %dma_start3A_33 : memref<1x125xi32, #tpu.memory_space<vmem>> -> memref<125xi32, #tpu.memory_space<vmem>>
      %dma_start3A_35 = arith.constant 0 : i32
      %dma_start3A_36 = arith.constant 0 : i32
      %dma_start3A_37 = tpu.memref_slice %arg4[%dma_start3A_35, %dma_start3A_36] : memref<10000x128xf32, #tpu.memory_space<hbm>> -> memref<10000x128xf32, #tpu.memory_space<hbm>>
      tpu.enqueue_indirect_dma source(%dma_start3A_37 : memref<10000x128xf32, #tpu.memory_space<hbm>>) target(%arg9 : memref<125x128xf32, #tpu.memory_space<vmem>>) offsets(%dma_start3A_34 : memref<125xi32, #tpu.memory_space<vmem>>) semaphore(%arg12 : memref<!tpu.dma_semaphore, #tpu.memory_space<semaphore_mem>>)
      %scan3A_38 = arith.constant 0 : i32
      %scan3A_39 = arith.constant 0 : i32
      %scan3A_40 = arith.constant 8 : i32
      %scan3A_41 = arith.addi %scan3A_39, %scan3A_40 : i32
      %scan3A_42 = arith.constant 1 : i32
      %scan3A_43 = scf.for %scan3A_46 = %scan3A_39 to %scan3A_41 step %scan3A_42 iter_args(%scan3A_47 = %scan3A_38) -> (i32)  : i32 {
        %mul3A_48 = arith.constant 2 : i32
        %mul3A_49 = arith.muli %scan3A_46, %mul3A_48 : i32
        %add3A_50 = arith.constant 1 : i32
        %add3A_51 = arith.addi %mul3A_49, %add3A_50 : i32
        %dma_start3A_52 = arith.constant 0 : i32
        %dma_start3A_53 = tpu.memref_slice %arg6[%add3A_51, %dma_start3A_52] : memref<16x125xi32, #tpu.memory_space<vmem>> -> memref<1x125xi32, #tpu.memory_space<vmem>>
        %dma_start3A_54 = tpu.memref_squeeze %dma_start3A_53 : memref<1x125xi32, #tpu.memory_space<vmem>> -> memref<125xi32, #tpu.memory_space<vmem>>
        %dma_start3A_55 = arith.constant 0 : i32
        %dma_start3A_56 = arith.constant 0 : i32
        %dma_start3A_57 = tpu.memref_slice %arg4[%dma_start3A_55, %dma_start3A_56] : memref<10000x128xf32, #tpu.memory_space<hbm>> -> memref<10000x128xf32, #tpu.memory_space<hbm>>
        tpu.enqueue_indirect_dma source(%dma_start3A_57 : memref<10000x128xf32, #tpu.memory_space<hbm>>) target(%arg10 : memref<125x128xf32, #tpu.memory_space<vmem>>) offsets(%dma_start3A_54 : memref<125xi32, #tpu.memory_space<vmem>>) semaphore(%arg13 : memref<!tpu.dma_semaphore, #tpu.memory_space<semaphore_mem>>)
        %dma_wait3A = arith.constant 0 : i32
        %dma_wait3A_58 = tpu.memref_slice %arg6[%mul3A_49, %dma_wait3A] : memref<16x125xi32, #tpu.memory_space<vmem>> -> memref<1x125xi32, #tpu.memory_space<vmem>>
        %dma_wait3A_59 = tpu.memref_squeeze %dma_wait3A_58 : memref<1x125xi32, #tpu.memory_space<vmem>> -> memref<125xi32, #tpu.memory_space<vmem>>
        %dma_wait3A_60 = arith.constant 0 : i32
        %dma_wait3A_61 = arith.constant 0 : i32
        %dma_wait3A_62 = tpu.memref_slice %arg4[%dma_wait3A_60, %dma_wait3A_61] : memref<10000x128xf32, #tpu.memory_space<hbm>> -> memref<10000x128xf32, #tpu.memory_space<hbm>>
        tpu.wait_indirect_dma semaphore(%arg12 : memref<!tpu.dma_semaphore, #tpu.memory_space<semaphore_mem>>) src(%dma_wait3A_62 : memref<10000x128xf32, #tpu.memory_space<hbm>>) dst(%arg9 : memref<125x128xf32, #tpu.memory_space<vmem>>)
        "tpu.region"() ({
          %run_scoped3A = tpu.sem_alloc : memref<!tpu.dma_semaphore, #tpu.memory_space<semaphore_mem>>
          %dma_start3A_78 = arith.constant 0 : i32
          %dma_start3A_79 = tpu.memref_slice %arg7[%mul3A_49, %dma_start3A_78] : memref<16x125xi32, #tpu.memory_space<vmem>> -> memref<1x125xi32, #tpu.memory_space<vmem>>
          %dma_start3A_80 = tpu.memref_squeeze %dma_start3A_79 : memref<1x125xi32, #tpu.memory_space<vmem>> -> memref<125xi32, #tpu.memory_space<vmem>>
          %dma_start3A_81 = arith.constant 0 : i32
          %dma_start3A_82 = arith.constant 0 : i32
          %dma_start3A_83 = tpu.memref_slice %arg11[%dma_start3A_81, %dma_start3A_82] : memref<10112x128xf32, #tpu.memory_space<vmem_shared>> -> memref<10112x128xf32, #tpu.memory_space<vmem_shared>>
          tpu.enqueue_indirect_dma source(%arg9 : memref<125x128xf32, #tpu.memory_space<vmem>>) target(%dma_start3A_83 : memref<10112x128xf32, #tpu.memory_space<vmem_shared>>) offsets(%dma_start3A_80 : memref<125xi32, #tpu.memory_space<vmem>>) semaphore(%run_scoped3A : memref<!tpu.dma_semaphore, #tpu.memory_space<semaphore_mem>>) {add = true}
          %dma_wait3A_84 = arith.constant 0 : i32
          %dma_wait3A_85 = tpu.memref_slice %arg7[%mul3A_49, %dma_wait3A_84] : memref<16x125xi32, #tpu.memory_space<vmem>> -> memref<1x125xi32, #tpu.memory_space<vmem>>
          %dma_wait3A_86 = tpu.memref_squeeze %dma_wait3A_85 : memref<1x125xi32, #tpu.memory_space<vmem>> -> memref<125xi32, #tpu.memory_space<vmem>>
          %dma_wait3A_87 = arith.constant 0 : i32
          %dma_wait3A_88 = arith.constant 0 : i32
          %dma_wait3A_89 = tpu.memref_slice %arg11[%dma_wait3A_87, %dma_wait3A_88] : memref<10112x128xf32, #tpu.memory_space<vmem_shared>> -> memref<10112x128xf32, #tpu.memory_space<vmem_shared>>
          tpu.wait_indirect_dma semaphore(%run_scoped3A : memref<!tpu.dma_semaphore, #tpu.memory_space<semaphore_mem>>) src(%arg9 : memref<125x128xf32, #tpu.memory_space<vmem>>) dst(%dma_wait3A_89 : memref<10112x128xf32, #tpu.memory_space<vmem_shared>>)
          tpu.yield
        }) : () -> ()
        %add3A_63 = arith.constant 1 : i32
        %add3A_64 = arith.addi %scan3A_46, %add3A_63 : i32
        %lt3A = arith.constant 8 : i32
        %lt3A_65 = arith.cmpi slt, %add3A_64, %lt3A : i32
        %convert_element_type3A = arith.extui %lt3A_65 : i1 to i32
        %cond3A = arith.constant 0 : i32
        %cond3A_66 = arith.cmpi ne, %convert_element_type3A, %cond3A : i32
        scf.if %cond3A_66 {
          %add3A_78 = arith.constant 2 : i32
          %add3A_79 = arith.addi %mul3A_49, %add3A_78 : i32
          %dma_start3A_80 = arith.constant 0 : i32
          %dma_start3A_81 = tpu.memref_slice %arg6[%add3A_79, %dma_start3A_80] : memref<16x125xi32, #tpu.memory_space<vmem>> -> memref<1x125xi32, #tpu.memory_space<vmem>>
          %dma_start3A_82 = tpu.memref_squeeze %dma_start3A_81 : memref<1x125xi32, #tpu.memory_space<vmem>> -> memref<125xi32, #tpu.memory_space<vmem>>
          %dma_start3A_83 = arith.constant 0 : i32
          %dma_start3A_84 = arith.constant 0 : i32
          %dma_start3A_85 = tpu.memref_slice %arg4[%dma_start3A_83, %dma_start3A_84] : memref<10000x128xf32, #tpu.memory_space<hbm>> -> memref<10000x128xf32, #tpu.memory_space<hbm>>
          tpu.enqueue_indirect_dma source(%dma_start3A_85 : memref<10000x128xf32, #tpu.memory_space<hbm>>) target(%arg9 : memref<125x128xf32, #tpu.memory_space<vmem>>) offsets(%dma_start3A_82 : memref<125xi32, #tpu.memory_space<vmem>>) semaphore(%arg12 : memref<!tpu.dma_semaphore, #tpu.memory_space<semaphore_mem>>)
        } else {
        }
        %add3A_67 = arith.constant 1 : i32
        %add3A_68 = arith.addi %mul3A_49, %add3A_67 : i32
        %dma_wait3A_69 = arith.constant 0 : i32
        %dma_wait3A_70 = tpu.memref_slice %arg6[%add3A_68, %dma_wait3A_69] : memref<16x125xi32, #tpu.memory_space<vmem>> -> memref<1x125xi32, #tpu.memory_space<vmem>>
        %dma_wait3A_71 = tpu.memref_squeeze %dma_wait3A_70 : memref<1x125xi32, #tpu.memory_space<vmem>> -> memref<125xi32, #tpu.memory_space<vmem>>
        %dma_wait3A_72 = arith.constant 0 : i32
        %dma_wait3A_73 = arith.constant 0 : i32
        %dma_wait3A_74 = tpu.memref_slice %arg4[%dma_wait3A_72, %dma_wait3A_73] : memref<10000x128xf32, #tpu.memory_space<hbm>> -> memref<10000x128xf32, #tpu.memory_space<hbm>>
        tpu.wait_indirect_dma semaphore(%arg13 : memref<!tpu.dma_semaphore, #tpu.memory_space<semaphore_mem>>) src(%dma_wait3A_74 : memref<10000x128xf32, #tpu.memory_space<hbm>>) dst(%arg10 : memref<125x128xf32, #tpu.memory_space<vmem>>)
        %add3A_75 = arith.constant 1 : i32
        %add3A_76 = arith.addi %mul3A_49, %add3A_75 : i32
        "tpu.region"() ({
          %run_scoped3A = tpu.sem_alloc : memref<!tpu.dma_semaphore, #tpu.memory_space<semaphore_mem>>
          %dma_start3A_78 = arith.constant 0 : i32
          %dma_start3A_79 = tpu.memref_slice %arg7[%add3A_76, %dma_start3A_78] : memref<16x125xi32, #tpu.memory_space<vmem>> -> memref<1x125xi32, #tpu.memory_space<vmem>>
          %dma_start3A_80 = tpu.memref_squeeze %dma_start3A_79 : memref<1x125xi32, #tpu.memory_space<vmem>> -> memref<125xi32, #tpu.memory_space<vmem>>
          %dma_start3A_81 = arith.constant 0 : i32
          %dma_start3A_82 = arith.constant 0 : i32
          %dma_start3A_83 = tpu.memref_slice %arg11[%dma_start3A_81, %dma_start3A_82] : memref<10112x128xf32, #tpu.memory_space<vmem_shared>> -> memref<10112x128xf32, #tpu.memory_space<vmem_shared>>
          tpu.enqueue_indirect_dma source(%arg10 : memref<125x128xf32, #tpu.memory_space<vmem>>) target(%dma_start3A_83 : memref<10112x128xf32, #tpu.memory_space<vmem_shared>>) offsets(%dma_start3A_80 : memref<125xi32, #tpu.memory_space<vmem>>) semaphore(%run_scoped3A : memref<!tpu.dma_semaphore, #tpu.memory_space<semaphore_mem>>) {add = true}
          %dma_wait3A_84 = arith.constant 0 : i32
          %dma_wait3A_85 = tpu.memref_slice %arg7[%add3A_76, %dma_wait3A_84] : memref<16x125xi32, #tpu.memory_space<vmem>> -> memref<1x125xi32, #tpu.memory_space<vmem>>
          %dma_wait3A_86 = tpu.memref_squeeze %dma_wait3A_85 : memref<1x125xi32, #tpu.memory_space<vmem>> -> memref<125xi32, #tpu.memory_space<vmem>>
          %dma_wait3A_87 = arith.constant 0 : i32
          %dma_wait3A_88 = arith.constant 0 : i32
          %dma_wait3A_89 = tpu.memref_slice %arg11[%dma_wait3A_87, %dma_wait3A_88] : memref<10112x128xf32, #tpu.memory_space<vmem_shared>> -> memref<10112x128xf32, #tpu.memory_space<vmem_shared>>
          tpu.wait_indirect_dma semaphore(%run_scoped3A : memref<!tpu.dma_semaphore, #tpu.memory_space<semaphore_mem>>) src(%arg10 : memref<125x128xf32, #tpu.memory_space<vmem>>) dst(%dma_wait3A_89 : memref<10112x128xf32, #tpu.memory_space<vmem_shared>>)
          tpu.yield
        }) : () -> ()
        %scan3A_77 = arith.constant 0 : i32
        scf.yield %scan3A_77 : i32
      }
      %scan3A_44 = arith.constant 8 : i32
      %scan3A_45 = arith.constant 0 : i32
      scf.yield %scan3A_45 : i32
    }
    %scan3A_20 = arith.constant 5 : i32
    %barrier3A_21 = arith.constant 0 : index
    tpu.barrier barrier_id(%barrier3A_21)
    %mul3A_22 = arith.constant 632 : i32
    %mul3A_23 = arith.muli %arg1, %mul3A_22 : i32
    %mul3A_24 = arith.constant 632 : i32
    %mul3A_25 = arith.muli %arg1, %mul3A_24 : i32
    "tpu.region"() ({
      %run_scoped3A = tpu.sem_alloc : memref<!tpu.dma_semaphore, #tpu.memory_space<semaphore_mem>>
      %dma_start3A = arith.constant 0 : i32
      %dma_start3A_26 = tpu.memref_slice %arg5[%arg0, %mul3A_25, %dma_start3A] : memref<2x10112x128xf32, #tpu.memory_space<hbm>> -> memref<1x632x128xf32, #tpu.memory_space<hbm>>
      %dma_start3A_27 = tpu.memref_squeeze %dma_start3A_26 : memref<1x632x128xf32, #tpu.memory_space<hbm>> -> memref<632x128xf32, #tpu.memory_space<hbm>>
      %dma_start3A_28 = arith.constant 0 : i32
      %dma_start3A_29 = tpu.memref_slice %arg11[%mul3A_23, %dma_start3A_28] : memref<10112x128xf32, #tpu.memory_space<vmem_shared>> -> memref<632x128xf32, #tpu.memory_space<vmem_shared>>
      tpu.enqueue_dma source(%dma_start3A_29 : memref<632x128xf32, #tpu.memory_space<vmem_shared>>) target(%dma_start3A_27 : memref<632x128xf32, #tpu.memory_space<hbm>>) target_semaphore(%run_scoped3A : memref<!tpu.dma_semaphore, #tpu.memory_space<semaphore_mem>>)
      %dma_wait3A = arith.constant 0 : i32
      %dma_wait3A_30 = tpu.memref_slice %arg5[%arg0, %mul3A_25, %dma_wait3A] : memref<2x10112x128xf32, #tpu.memory_space<hbm>> -> memref<1x632x128xf32, #tpu.memory_space<hbm>>
      %dma_wait3A_31 = tpu.memref_squeeze %dma_wait3A_30 : memref<1x632x128xf32, #tpu.memory_space<hbm>> -> memref<632x128xf32, #tpu.memory_space<hbm>>
      %dma_wait3A_32 = arith.constant 0 : i32
      %dma_wait3A_33 = tpu.memref_slice %arg11[%mul3A_23, %dma_wait3A_32] : memref<10112x128xf32, #tpu.memory_space<vmem_shared>> -> memref<632x128xf32, #tpu.memory_space<vmem_shared>>
      tpu.wait_dma2 semaphore(%run_scoped3A : memref<!tpu.dma_semaphore, #tpu.memory_space<semaphore_mem>>) src(%dma_wait3A_33 : memref<632x128xf32, #tpu.memory_space<vmem_shared>>) dst(%dma_wait3A_31 : memref<632x128xf32, #tpu.memory_space<hbm>>)
      tpu.yield
    }) : () -> ()
    return
  }
}

#map = affine_map<(d0, d1) -> (0, 0, 0)>
#map1 = affine_map<(d0, d1) -> (0, 0)>
module attributes {stable_mosaic.version = 14 : i64} {
  func.func @scatter_k(%arg0: i32, %arg1: i32, %arg2: memref<32x80x125xi32, #tpu.memory_space<hbm>>, %arg3: memref<32x80x125xi32, #tpu.memory_space<hbm>>, %arg4: memref<10000x128xf32, #tpu.memory_space<hbm>>, %arg5: memref<2x10112x128xf32, #tpu.memory_space<hbm>>, %arg6: memref<16x125xi32, #tpu.memory_space<vmem>>, %arg7: memref<16x125xi32, #tpu.memory_space<vmem>>, %arg8: memref<8x128xf32, #tpu.memory_space<vmem>>, %arg9: memref<125x128xf32, #tpu.memory_space<vmem>>, %arg10: memref<125x128xf32, #tpu.memory_space<vmem>>, %arg11: memref<10112x128xf32, #tpu.memory_space<vmem_shared>>, %arg12: memref<!tpu.dma_semaphore, #tpu.memory_space<semaphore_mem>>, %arg13: memref<!tpu.dma_semaphore, #tpu.memory_space<semaphore_mem>>) attributes {dimension_semantics = [#tpu.dimension_semantics<core_parallel>, #tpu.dimension_semantics<subcore_parallel>], iteration_bounds = array<i64: 2, 16>, scalar_prefetch = 0 : i64, scratch_operands = 8 : i64, tpu.core_type = #tpu.core_type<sc_vector_subcore>, window_params = [{transform_indices = #map}, {transform_indices = #map}, {transform_indices = #map1}, {transform_indices = #map}]} {
    %mul3A = arith.constant 2 : i32
    %mul3A_0 = arith.muli %arg1, %mul3A : i32
    %add3A = arith.addi %mul3A_0, %arg0 : i32
    %scan3A = arith.constant 0 : i32
    %scan3A_1 = arith.constant 0 : i32
    %scan3A_2 = arith.constant 8 : i32
    %scan3A_3 = arith.addi %scan3A_1, %scan3A_2 : i32
    %scan3A_4 = arith.constant 1 : i32
    %scan3A_5 = scf.for %scan3A_26 = %scan3A_1 to %scan3A_3 step %scan3A_4 iter_args(%scan3A_27 = %scan3A) -> (i32)  : i32 {
      %broadcast_in_dim3A = arith.constant 0.000000e+00 : f32
      %broadcast_in_dim3A_28 = vector.broadcast %broadcast_in_dim3A : f32 to vector<16xf32>
      %swap3A = arith.index_cast %scan3A_26 : i32 to index
      %swap3A_29 = arith.constant 0 : index
      %swap3A_30 = tpu.vector_load %arg8[%swap3A, %swap3A_29] {strides = array<i32>} : memref<8x128xf32, #tpu.memory_space<vmem>>, vector<1x16xf32>,
      %swap3A_31 = vector.shape_cast %swap3A_30 : vector<1x16xf32> to vector<16xf32>
      %swap3A_32 = vector.shape_cast %broadcast_in_dim3A_28 : vector<16xf32> to vector<1x16xf32>
      tpu.vector_store %arg8[%swap3A, %swap3A_29], %swap3A_32 {strides = array<i32>} : memref<8x128xf32, #tpu.memory_space<vmem>>, vector<1x16xf32>,
      %broadcast_in_dim3A_33 = arith.constant 0.000000e+00 : f32
      %broadcast_in_dim3A_34 = vector.broadcast %broadcast_in_dim3A_33 : f32 to vector<16xf32>
      %swap3A_35 = arith.index_cast %scan3A_26 : i32 to index
      %swap3A_36 = arith.constant 16 : index
      %swap3A_37 = tpu.vector_load %arg8[%swap3A_35, %swap3A_36] {strides = array<i32>} : memref<8x128xf32, #tpu.memory_space<vmem>>, vector<1x16xf32>,
      %swap3A_38 = vector.shape_cast %swap3A_37 : vector<1x16xf32> to vector<16xf32>
      %swap3A_39 = vector.shape_cast %broadcast_in_dim3A_34 : vector<16xf32> to vector<1x16xf32>
      tpu.vector_store %arg8[%swap3A_35, %swap3A_36], %swap3A_39 {strides = array<i32>} : memref<8x128xf32, #tpu.memory_space<vmem>>, vector<1x16xf32>,
      %broadcast_in_dim3A_40 = arith.constant 0.000000e+00 : f32
      %broadcast_in_dim3A_41 = vector.broadcast %broadcast_in_dim3A_40 : f32 to vector<16xf32>
      %swap3A_42 = arith.index_cast %scan3A_26 : i32 to index
      %swap3A_43 = arith.constant 32 : index
      %swap3A_44 = tpu.vector_load %arg8[%swap3A_42, %swap3A_43] {strides = array<i32>} : memref<8x128xf32, #tpu.memory_space<vmem>>, vector<1x16xf32>,
      %swap3A_45 = vector.shape_cast %swap3A_44 : vector<1x16xf32> to vector<16xf32>
      %swap3A_46 = vector.shape_cast %broadcast_in_dim3A_41 : vector<16xf32> to vector<1x16xf32>
      tpu.vector_store %arg8[%swap3A_42, %swap3A_43], %swap3A_46 {strides = array<i32>} : memref<8x128xf32, #tpu.memory_space<vmem>>, vector<1x16xf32>,
      %broadcast_in_dim3A_47 = arith.constant 0.000000e+00 : f32
      %broadcast_in_dim3A_48 = vector.broadcast %broadcast_in_dim3A_47 : f32 to vector<16xf32>
      %swap3A_49 = arith.index_cast %scan3A_26 : i32 to index
      %swap3A_50 = arith.constant 48 : index
      %swap3A_51 = tpu.vector_load %arg8[%swap3A_49, %swap3A_50] {strides = array<i32>} : memref<8x128xf32, #tpu.memory_space<vmem>>, vector<1x16xf32>,
      %swap3A_52 = vector.shape_cast %swap3A_51 : vector<1x16xf32> to vector<16xf32>
      %swap3A_53 = vector.shape_cast %broadcast_in_dim3A_48 : vector<16xf32> to vector<1x16xf32>
      tpu.vector_store %arg8[%swap3A_49, %swap3A_50], %swap3A_53 {strides = array<i32>} : memref<8x128xf32, #tpu.memory_space<vmem>>, vector<1x16xf32>,
      %broadcast_in_dim3A_54 = arith.constant 0.000000e+00 : f32
      %broadcast_in_dim3A_55 = vector.broadcast %broadcast_in_dim3A_54 : f32 to vector<16xf32>
      %swap3A_56 = arith.index_cast %scan3A_26 : i32 to index
      %swap3A_57 = arith.constant 64 : index
      %swap3A_58 = tpu.vector_load %arg8[%swap3A_56, %swap3A_57] {strides = array<i32>} : memref<8x128xf32, #tpu.memory_space<vmem>>, vector<1x16xf32>,
      %swap3A_59 = vector.shape_cast %swap3A_58 : vector<1x16xf32> to vector<16xf32>
      %swap3A_60 = vector.shape_cast %broadcast_in_dim3A_55 : vector<16xf32> to vector<1x16xf32>
      tpu.vector_store %arg8[%swap3A_56, %swap3A_57], %swap3A_60 {strides = array<i32>} : memref<8x128xf32, #tpu.memory_space<vmem>>, vector<1x16xf32>,
      %broadcast_in_dim3A_61 = arith.constant 0.000000e+00 : f32
      %broadcast_in_dim3A_62 = vector.broadcast %broadcast_in_dim3A_61 : f32 to vector<16xf32>
      %swap3A_63 = arith.index_cast %scan3A_26 : i32 to index
      %swap3A_64 = arith.constant 80 : index
      %swap3A_65 = tpu.vector_load %arg8[%swap3A_63, %swap3A_64] {strides = array<i32>} : memref<8x128xf32, #tpu.memory_space<vmem>>, vector<1x16xf32>,
      %swap3A_66 = vector.shape_cast %swap3A_65 : vector<1x16xf32> to vector<16xf32>
      %swap3A_67 = vector.shape_cast %broadcast_in_dim3A_62 : vector<16xf32> to vector<1x16xf32>
      tpu.vector_store %arg8[%swap3A_63, %swap3A_64], %swap3A_67 {strides = array<i32>} : memref<8x128xf32, #tpu.memory_space<vmem>>, vector<1x16xf32>,
      %broadcast_in_dim3A_68 = arith.constant 0.000000e+00 : f32
      %broadcast_in_dim3A_69 = vector.broadcast %broadcast_in_dim3A_68 : f32 to vector<16xf32>
      %swap3A_70 = arith.index_cast %scan3A_26 : i32 to index
      %swap3A_71 = arith.constant 96 : index
      %swap3A_72 = tpu.vector_load %arg8[%swap3A_70, %swap3A_71] {strides = array<i32>} : memref<8x128xf32, #tpu.memory_space<vmem>>, vector<1x16xf32>,
      %swap3A_73 = vector.shape_cast %swap3A_72 : vector<1x16xf32> to vector<16xf32>
      %swap3A_74 = vector.shape_cast %broadcast_in_dim3A_69 : vector<16xf32> to vector<1x16xf32>
      tpu.vector_store %arg8[%swap3A_70, %swap3A_71], %swap3A_74 {strides = array<i32>} : memref<8x128xf32, #tpu.memory_space<vmem>>, vector<1x16xf32>,
      %broadcast_in_dim3A_75 = arith.constant 0.000000e+00 : f32
      %broadcast_in_dim3A_76 = vector.broadcast %broadcast_in_dim3A_75 : f32 to vector<16xf32>
      %swap3A_77 = arith.index_cast %scan3A_26 : i32 to index
      %swap3A_78 = arith.constant 112 : index
      %swap3A_79 = tpu.vector_load %arg8[%swap3A_77, %swap3A_78] {strides = array<i32>} : memref<8x128xf32, #tpu.memory_space<vmem>>, vector<1x16xf32>,
      %swap3A_80 = vector.shape_cast %swap3A_79 : vector<1x16xf32> to vector<16xf32>
      %swap3A_81 = vector.shape_cast %broadcast_in_dim3A_76 : vector<16xf32> to vector<1x16xf32>
      tpu.vector_store %arg8[%swap3A_77, %swap3A_78], %swap3A_81 {strides = array<i32>} : memref<8x128xf32, #tpu.memory_space<vmem>>, vector<1x16xf32>,
      %scan3A_82 = arith.constant 0 : i32
      scf.yield %scan3A_82 : i32
    }
    %scan3A_6 = arith.constant 8 : i32
    %scan3A_7 = arith.constant 0 : i32
    %scan3A_8 = arith.constant 0 : i32
    %scan3A_9 = arith.constant 79 : i32
    %scan3A_10 = arith.addi %scan3A_8, %scan3A_9 : i32
    %scan3A_11 = arith.constant 1 : i32
    %scan3A_12 = scf.for %scan3A_26 = %scan3A_8 to %scan3A_10 step %scan3A_11 iter_args(%scan3A_27 = %scan3A_7) -> (i32)  : i32 {
      %mul3A_28 = arith.constant 632 : i32
      %mul3A_29 = arith.muli %arg1, %mul3A_28 : i32
      %mul3A_30 = arith.constant 8 : i32
      %mul3A_31 = arith.muli %scan3A_26, %mul3A_30 : i32
      %add3A_32 = arith.addi %mul3A_29, %mul3A_31 : i32
      "tpu.region"() ({
        %run_scoped3A = tpu.sem_alloc : memref<!tpu.dma_semaphore, #tpu.memory_space<semaphore_mem>>
        %dma_start3A = arith.constant 0 : i32
        %dma_start3A_34 = tpu.memref_slice %arg11[%add3A_32, %dma_start3A] : memref<10112x128xf32, #tpu.memory_space<vmem_shared>> -> memref<8x128xf32, #tpu.memory_space<vmem_shared>>
        %dma_start3A_35 = arith.constant 0 : i32
        %dma_start3A_36 = tpu.memref_slice %arg11[%add3A_32, %dma_start3A_35] : memref<10112x128xf32, #tpu.memory_space<vmem_shared>> -> memref<8x128xf32, #tpu.memory_space<vmem_shared>>
        tpu.enqueue_dma source(%arg8 : memref<8x128xf32, #tpu.memory_space<vmem>>) target(%dma_start3A_36 : memref<8x128xf32, #tpu.memory_space<vmem_shared>>) target_semaphore(%run_scoped3A : memref<!tpu.dma_semaphore, #tpu.memory_space<semaphore_mem>>)
        %dma_wait3A = arith.constant 0 : i32
        %dma_wait3A_37 = tpu.memref_slice %arg11[%add3A_32, %dma_wait3A] : memref<10112x128xf32, #tpu.memory_space<vmem_shared>> -> memref<8x128xf32, #tpu.memory_space<vmem_shared>>
        %dma_wait3A_38 = arith.constant 0 : i32
        %dma_wait3A_39 = tpu.memref_slice %arg11[%add3A_32, %dma_wait3A_38] : memref<10112x128xf32, #tpu.memory_space<vmem_shared>> -> memref<8x128xf32, #tpu.memory_space<vmem_shared>>
        tpu.wait_dma2 semaphore(%run_scoped3A : memref<!tpu.dma_semaphore, #tpu.memory_space<semaphore_mem>>) src(%arg8 : memref<8x128xf32, #tpu.memory_space<vmem>>) dst(%dma_wait3A_39 : memref<8x128xf32, #tpu.memory_space<vmem_shared>>)
        tpu.yield
      }) : () -> ()
      %scan3A_33 = arith.constant 0 : i32
      scf.yield %scan3A_33 : i32
    }
    %scan3A_13 = arith.constant 79 : i32
    %barrier3A = arith.constant 0 : index
    tpu.barrier barrier_id(%barrier3A)
    %scan3A_14 = arith.constant 0 : i32
    %scan3A_15 = arith.constant 0 : i32
    %scan3A_16 = arith.constant 5 : i32
    %scan3A_17 = arith.addi %scan3A_15, %scan3A_16 : i32
    %scan3A_18 = arith.constant 1 : i32
    %scan3A_19 = scf.for %scan3A_26 = %scan3A_15 to %scan3A_17 step %scan3A_18 iter_args(%scan3A_27 = %scan3A_14) -> (i32)  : i32 {
      %mul3A_28 = arith.constant 16 : i32
      %mul3A_29 = arith.muli %scan3A_26, %mul3A_28 : i32
      "tpu.region"() ({
        %run_scoped3A = tpu.sem_alloc : memref<!tpu.dma_semaphore, #tpu.memory_space<semaphore_mem>>
        %dma_start3A_46 = arith.constant 0 : i32
        %dma_start3A_47 = tpu.memref_slice %arg2[%add3A, %mul3A_29, %dma_start3A_46] : memref<32x80x125xi32, #tpu.memory_space<hbm>> -> memref<1x16x125xi32, #tpu.memory_space<hbm>>
        %dma_start3A_48 = tpu.memref_squeeze %dma_start3A_47 : memref<1x16x125xi32, #tpu.memory_space<hbm>> -> memref<16x125xi32, #tpu.memory_space<hbm>>
        %dma_start3A_49 = arith.constant 0 : i32
        %dma_start3A_50 = tpu.memref_slice %arg2[%add3A, %mul3A_29, %dma_start3A_49] : memref<32x80x125xi32, #tpu.memory_space<hbm>> -> memref<1x16x125xi32, #tpu.memory_space<hbm>>
        %dma_start3A_51 = tpu.memref_squeeze %dma_start3A_50 : memref<1x16x125xi32, #tpu.memory_space<hbm>> -> memref<16x125xi32, #tpu.memory_space<hbm>>
        tpu.enqueue_dma source(%dma_start3A_51 : memref<16x125xi32, #tpu.memory_space<hbm>>) target(%arg6 : memref<16x125xi32, #tpu.memory_space<vmem>>) target_semaphore(%run_scoped3A : memref<!tpu.dma_semaphore, #tpu.memory_space<semaphore_mem>>)
        %dma_wait3A = arith.constant 0 : i32
        %dma_wait3A_52 = tpu.memref_slice %arg2[%add3A, %mul3A_29, %dma_wait3A] : memref<32x80x125xi32, #tpu.memory_space<hbm>> -> memref<1x16x125xi32, #tpu.memory_space<hbm>>
        %dma_wait3A_53 = tpu.memref_squeeze %dma_wait3A_52 : memref<1x16x125xi32, #tpu.memory_space<hbm>> -> memref<16x125xi32, #tpu.memory_space<hbm>>
        %dma_wait3A_54 = arith.constant 0 : i32
        %dma_wait3A_55 = tpu.memref_slice %arg2[%add3A, %mul3A_29, %dma_wait3A_54] : memref<32x80x125xi32, #tpu.memory_space<hbm>> -> memref<1x16x125xi32, #tpu.memory_space<hbm>>
        %dma_wait3A_56 = tpu.memref_squeeze %dma_wait3A_55 : memref<1x16x125xi32, #tpu.memory_space<hbm>> -> memref<16x125xi32, #tpu.memory_space<hbm>>
        tpu.wait_dma2 semaphore(%run_scoped3A : memref<!tpu.dma_semaphore, #tpu.memory_space<semaphore_mem>>) src(%dma_wait3A_56 : memref<16x125xi32, #tpu.memory_space<hbm>>) dst(%arg6 : memref<16x125xi32, #tpu.memory_space<vmem>>)
        tpu.yield
      }) : () -> ()
      %mul3A_30 = arith.constant 16 : i32
      %mul3A_31 = arith.muli %scan3A_26, %mul3A_30 : i32
      "tpu.region"() ({
        %run_scoped3A = tpu.sem_alloc : memref<!tpu.dma_semaphore, #tpu.memory_space<semaphore_mem>>
        %dma_start3A_46 = arith.constant 0 : i32
        %dma_start3A_47 = tpu.memref_slice %arg3[%add3A, %mul3A_31, %dma_start3A_46] : memref<32x80x125xi32, #tpu.memory_space<hbm>> -> memref<1x16x125xi32, #tpu.memory_space<hbm>>
        %dma_start3A_48 = tpu.memref_squeeze %dma_start3A_47 : memref<1x16x125xi32, #tpu.memory_space<hbm>> -> memref<16x125xi32, #tpu.memory_space<hbm>>
        %dma_start3A_49 = arith.constant 0 : i32
        %dma_start3A_50 = tpu.memref_slice %arg3[%add3A, %mul3A_31, %dma_start3A_49] : memref<32x80x125xi32, #tpu.memory_space<hbm>> -> memref<1x16x125xi32, #tpu.memory_space<hbm>>
        %dma_start3A_51 = tpu.memref_squeeze %dma_start3A_50 : memref<1x16x125xi32, #tpu.memory_space<hbm>> -> memref<16x125xi32, #tpu.memory_space<hbm>>
        tpu.enqueue_dma source(%dma_start3A_51 : memref<16x125xi32, #tpu.memory_space<hbm>>) target(%arg7 : memref<16x125xi32, #tpu.memory_space<vmem>>) target_semaphore(%run_scoped3A : memref<!tpu.dma_semaphore, #tpu.memory_space<semaphore_mem>>)
        %dma_wait3A = arith.constant 0 : i32
        %dma_wait3A_52 = tpu.memref_slice %arg3[%add3A, %mul3A_31, %dma_wait3A] : memref<32x80x125xi32, #tpu.memory_space<hbm>> -> memref<1x16x125xi32, #tpu.memory_space<hbm>>
        %dma_wait3A_53 = tpu.memref_squeeze %dma_wait3A_52 : memref<1x16x125xi32, #tpu.memory_space<hbm>> -> memref<16x125xi32, #tpu.memory_space<hbm>>
        %dma_wait3A_54 = arith.constant 0 : i32
        %dma_wait3A_55 = tpu.memref_slice %arg3[%add3A, %mul3A_31, %dma_wait3A_54] : memref<32x80x125xi32, #tpu.memory_space<hbm>> -> memref<1x16x125xi32, #tpu.memory_space<hbm>>
        %dma_wait3A_56 = tpu.memref_squeeze %dma_wait3A_55 : memref<1x16x125xi32, #tpu.memory_space<hbm>> -> memref<16x125xi32, #tpu.memory_space<hbm>>
        tpu.wait_dma2 semaphore(%run_scoped3A : memref<!tpu.dma_semaphore, #tpu.memory_space<semaphore_mem>>) src(%dma_wait3A_56 : memref<16x125xi32, #tpu.memory_space<hbm>>) dst(%arg7 : memref<16x125xi32, #tpu.memory_space<vmem>>)
        tpu.yield
      }) : () -> ()
      %dma_start3A = arith.constant 0 : i32
      %dma_start3A_32 = arith.constant 0 : i32
      %dma_start3A_33 = tpu.memref_slice %arg6[%dma_start3A, %dma_start3A_32] : memref<16x125xi32, #tpu.memory_space<vmem>> -> memref<1x125xi32, #tpu.memory_space<vmem>>
      %dma_start3A_34 = tpu.memref_squeeze %dma_start3A_33 : memref<1x125xi32, #tpu.memory_space<vmem>> -> memref<125xi32, #tpu.memory_space<vmem>>
      %dma_start3A_35 = arith.constant 0 : i32
      %dma_start3A_36 = arith.constant 0 : i32
      %dma_start3A_37 = tpu.memref_slice %arg4[%dma_start3A_35, %dma_start3A_36] : memref<10000x128xf32, #tpu.memory_space<hbm>> -> memref<10000x128xf32, #tpu.memory_space<hbm>>
      tpu.enqueue_indirect_dma source(%dma_start3A_37 : memref<10000x128xf32, #tpu.memory_space<hbm>>) target(%arg9 : memref<125x128xf32, #tpu.memory_space<vmem>>) offsets(%dma_start3A_34 : memref<125xi32, #tpu.memory_space<vmem>>) semaphore(%arg12 : memref<!tpu.dma_semaphore, #tpu.memory_space<semaphore_mem>>)
      %scan3A_38 = arith.constant 0 : i32
      %scan3A_39 = arith.constant 0 : i32
      %scan3A_40 = arith.constant 8 : i32
      %scan3A_41 = arith.addi %scan3A_39, %scan3A_40 : i32
      %scan3A_42 = arith.constant 1 : i32
      %scan3A_43 = scf.for %scan3A_46 = %scan3A_39 to %scan3A_41 step %scan3A_42 iter_args(%scan3A_47 = %scan3A_38) -> (i32)  : i32 {
        %mul3A_48 = arith.constant 2 : i32
        %mul3A_49 = arith.muli %scan3A_46, %mul3A_48 : i32
        %add3A_50 = arith.constant 1 : i32
        %add3A_51 = arith.addi %mul3A_49, %add3A_50 : i32
        %dma_start3A_52 = arith.constant 0 : i32
        %dma_start3A_53 = tpu.memref_slice %arg6[%add3A_51, %dma_start3A_52] : memref<16x125xi32, #tpu.memory_space<vmem>> -> memref<1x125xi32, #tpu.memory_space<vmem>>
        %dma_start3A_54 = tpu.memref_squeeze %dma_start3A_53 : memref<1x125xi32, #tpu.memory_space<vmem>> -> memref<125xi32, #tpu.memory_space<vmem>>
        %dma_start3A_55 = arith.constant 0 : i32
        %dma_start3A_56 = arith.constant 0 : i32
        %dma_start3A_57 = tpu.memref_slice %arg4[%dma_start3A_55, %dma_start3A_56] : memref<10000x128xf32, #tpu.memory_space<hbm>> -> memref<10000x128xf32, #tpu.memory_space<hbm>>
        tpu.enqueue_indirect_dma source(%dma_start3A_57 : memref<10000x128xf32, #tpu.memory_space<hbm>>) target(%arg10 : memref<125x128xf32, #tpu.memory_space<vmem>>) offsets(%dma_start3A_54 : memref<125xi32, #tpu.memory_space<vmem>>) semaphore(%arg13 : memref<!tpu.dma_semaphore, #tpu.memory_space<semaphore_mem>>)
        %dma_wait3A = arith.constant 0 : i32
        %dma_wait3A_58 = tpu.memref_slice %arg6[%mul3A_49, %dma_wait3A] : memref<16x125xi32, #tpu.memory_space<vmem>> -> memref<1x125xi32, #tpu.memory_space<vmem>>
        %dma_wait3A_59 = tpu.memref_squeeze %dma_wait3A_58 : memref<1x125xi32, #tpu.memory_space<vmem>> -> memref<125xi32, #tpu.memory_space<vmem>>
        %dma_wait3A_60 = arith.constant 0 : i32
        %dma_wait3A_61 = arith.constant 0 : i32
        %dma_wait3A_62 = tpu.memref_slice %arg4[%dma_wait3A_60, %dma_wait3A_61] : memref<10000x128xf32, #tpu.memory_space<hbm>> -> memref<10000x128xf32, #tpu.memory_space<hbm>>
        tpu.wait_indirect_dma semaphore(%arg12 : memref<!tpu.dma_semaphore, #tpu.memory_space<semaphore_mem>>) src(%dma_wait3A_62 : memref<10000x128xf32, #tpu.memory_space<hbm>>) dst(%arg9 : memref<125x128xf32, #tpu.memory_space<vmem>>)
        "tpu.region"() ({
          %run_scoped3A = tpu.sem_alloc : memref<!tpu.dma_semaphore, #tpu.memory_space<semaphore_mem>>
          %dma_start3A_78 = arith.constant 0 : i32
          %dma_start3A_79 = tpu.memref_slice %arg7[%mul3A_49, %dma_start3A_78] : memref<16x125xi32, #tpu.memory_space<vmem>> -> memref<1x125xi32, #tpu.memory_space<vmem>>
          %dma_start3A_80 = tpu.memref_squeeze %dma_start3A_79 : memref<1x125xi32, #tpu.memory_space<vmem>> -> memref<125xi32, #tpu.memory_space<vmem>>
          %dma_start3A_81 = arith.constant 0 : i32
          %dma_start3A_82 = arith.constant 0 : i32
          %dma_start3A_83 = tpu.memref_slice %arg11[%dma_start3A_81, %dma_start3A_82] : memref<10112x128xf32, #tpu.memory_space<vmem_shared>> -> memref<10112x128xf32, #tpu.memory_space<vmem_shared>>
          tpu.enqueue_indirect_dma source(%arg9 : memref<125x128xf32, #tpu.memory_space<vmem>>) target(%dma_start3A_83 : memref<10112x128xf32, #tpu.memory_space<vmem_shared>>) offsets(%dma_start3A_80 : memref<125xi32, #tpu.memory_space<vmem>>) semaphore(%run_scoped3A : memref<!tpu.dma_semaphore, #tpu.memory_space<semaphore_mem>>) {add = true}
          %dma_wait3A_84 = arith.constant 0 : i32
          %dma_wait3A_85 = tpu.memref_slice %arg7[%mul3A_49, %dma_wait3A_84] : memref<16x125xi32, #tpu.memory_space<vmem>> -> memref<1x125xi32, #tpu.memory_space<vmem>>
          %dma_wait3A_86 = tpu.memref_squeeze %dma_wait3A_85 : memref<1x125xi32, #tpu.memory_space<vmem>> -> memref<125xi32, #tpu.memory_space<vmem>>
          %dma_wait3A_87 = arith.constant 0 : i32
          %dma_wait3A_88 = arith.constant 0 : i32
          %dma_wait3A_89 = tpu.memref_slice %arg11[%dma_wait3A_87, %dma_wait3A_88] : memref<10112x128xf32, #tpu.memory_space<vmem_shared>> -> memref<10112x128xf32, #tpu.memory_space<vmem_shared>>
          tpu.wait_indirect_dma semaphore(%run_scoped3A : memref<!tpu.dma_semaphore, #tpu.memory_space<semaphore_mem>>) src(%arg9 : memref<125x128xf32, #tpu.memory_space<vmem>>) dst(%dma_wait3A_89 : memref<10112x128xf32, #tpu.memory_space<vmem_shared>>)
          tpu.yield
        }) : () -> ()
        %add3A_63 = arith.constant 1 : i32
        %add3A_64 = arith.addi %scan3A_46, %add3A_63 : i32
        %lt3A = arith.constant 8 : i32
        %lt3A_65 = arith.cmpi slt, %add3A_64, %lt3A : i32
        %convert_element_type3A = arith.extui %lt3A_65 : i1 to i32
        %cond3A = arith.constant 0 : i32
        %cond3A_66 = arith.cmpi ne, %convert_element_type3A, %cond3A : i32
        scf.if %cond3A_66 {
          %add3A_78 = arith.constant 2 : i32
          %add3A_79 = arith.addi %mul3A_49, %add3A_78 : i32
          %dma_start3A_80 = arith.constant 0 : i32
          %dma_start3A_81 = tpu.memref_slice %arg6[%add3A_79, %dma_start3A_80] : memref<16x125xi32, #tpu.memory_space<vmem>> -> memref<1x125xi32, #tpu.memory_space<vmem>>
          %dma_start3A_82 = tpu.memref_squeeze %dma_start3A_81 : memref<1x125xi32, #tpu.memory_space<vmem>> -> memref<125xi32, #tpu.memory_space<vmem>>
          %dma_start3A_83 = arith.constant 0 : i32
          %dma_start3A_84 = arith.constant 0 : i32
          %dma_start3A_85 = tpu.memref_slice %arg4[%dma_start3A_83, %dma_start3A_84] : memref<10000x128xf32, #tpu.memory_space<hbm>> -> memref<10000x128xf32, #tpu.memory_space<hbm>>
          tpu.enqueue_indirect_dma source(%dma_start3A_85 : memref<10000x128xf32, #tpu.memory_space<hbm>>) target(%arg9 : memref<125x128xf32, #tpu.memory_space<vmem>>) offsets(%dma_start3A_82 : memref<125xi32, #tpu.memory_space<vmem>>) semaphore(%arg12 : memref<!tpu.dma_semaphore, #tpu.memory_space<semaphore_mem>>)
        } else {
        }
        %add3A_67 = arith.constant 1 : i32
        %add3A_68 = arith.addi %mul3A_49, %add3A_67 : i32
        %dma_wait3A_69 = arith.constant 0 : i32
        %dma_wait3A_70 = tpu.memref_slice %arg6[%add3A_68, %dma_wait3A_69] : memref<16x125xi32, #tpu.memory_space<vmem>> -> memref<1x125xi32, #tpu.memory_space<vmem>>
        %dma_wait3A_71 = tpu.memref_squeeze %dma_wait3A_70 : memref<1x125xi32, #tpu.memory_space<vmem>> -> memref<125xi32, #tpu.memory_space<vmem>>
        %dma_wait3A_72 = arith.constant 0 : i32
        %dma_wait3A_73 = arith.constant 0 : i32
        %dma_wait3A_74 = tpu.memref_slice %arg4[%dma_wait3A_72, %dma_wait3A_73] : memref<10000x128xf32, #tpu.memory_space<hbm>> -> memref<10000x128xf32, #tpu.memory_space<hbm>>
        tpu.wait_indirect_dma semaphore(%arg13 : memref<!tpu.dma_semaphore, #tpu.memory_space<semaphore_mem>>) src(%dma_wait3A_74 : memref<10000x128xf32, #tpu.memory_space<hbm>>) dst(%arg10 : memref<125x128xf32, #tpu.memory_space<vmem>>)
        %add3A_75 = arith.constant 1 : i32
        %add3A_76 = arith.addi %mul3A_49, %add3A_75 : i32
        "tpu.region"() ({
          %run_scoped3A = tpu.sem_alloc : memref<!tpu.dma_semaphore, #tpu.memory_space<semaphore_mem>>
          %dma_start3A_78 = arith.constant 0 : i32
          %dma_start3A_79 = tpu.memref_slice %arg7[%add3A_76, %dma_start3A_78] : memref<16x125xi32, #tpu.memory_space<vmem>> -> memref<1x125xi32, #tpu.memory_space<vmem>>
          %dma_start3A_80 = tpu.memref_squeeze %dma_start3A_79 : memref<1x125xi32, #tpu.memory_space<vmem>> -> memref<125xi32, #tpu.memory_space<vmem>>
          %dma_start3A_81 = arith.constant 0 : i32
          %dma_start3A_82 = arith.constant 0 : i32
          %dma_start3A_83 = tpu.memref_slice %arg11[%dma_start3A_81, %dma_start3A_82] : memref<10112x128xf32, #tpu.memory_space<vmem_shared>> -> memref<10112x128xf32, #tpu.memory_space<vmem_shared>>
          tpu.enqueue_indirect_dma source(%arg10 : memref<125x128xf32, #tpu.memory_space<vmem>>) target(%dma_start3A_83 : memref<10112x128xf32, #tpu.memory_space<vmem_shared>>) offsets(%dma_start3A_80 : memref<125xi32, #tpu.memory_space<vmem>>) semaphore(%run_scoped3A : memref<!tpu.dma_semaphore, #tpu.memory_space<semaphore_mem>>) {add = true}
          %dma_wait3A_84 = arith.constant 0 : i32
          %dma_wait3A_85 = tpu.memref_slice %arg7[%add3A_76, %dma_wait3A_84] : memref<16x125xi32, #tpu.memory_space<vmem>> -> memref<1x125xi32, #tpu.memory_space<vmem>>
          %dma_wait3A_86 = tpu.memref_squeeze %dma_wait3A_85 : memref<1x125xi32, #tpu.memory_space<vmem>> -> memref<125xi32, #tpu.memory_space<vmem>>
          %dma_wait3A_87 = arith.constant 0 : i32
          %dma_wait3A_88 = arith.constant 0 : i32
          %dma_wait3A_89 = tpu.memref_slice %arg11[%dma_wait3A_87, %dma_wait3A_88] : memref<10112x128xf32, #tpu.memory_space<vmem_shared>> -> memref<10112x128xf32, #tpu.memory_space<vmem_shared>>
          tpu.wait_indirect_dma semaphore(%run_scoped3A : memref<!tpu.dma_semaphore, #tpu.memory_space<semaphore_mem>>) src(%arg10 : memref<125x128xf32, #tpu.memory_space<vmem>>) dst(%dma_wait3A_89 : memref<10112x128xf32, #tpu.memory_space<vmem_shared>>)
          tpu.yield
        }) : () -> ()
        %scan3A_77 = arith.constant 0 : i32
        scf.yield %scan3A_77 : i32
      }
      %scan3A_44 = arith.constant 8 : i32
      %scan3A_45 = arith.constant 0 : i32
      scf.yield %scan3A_45 : i32
    }
    %scan3A_20 = arith.constant 5 : i32
    %barrier3A_21 = arith.constant 0 : index
    tpu.barrier barrier_id(%barrier3A_21)
    %mul3A_22 = arith.constant 632 : i32
    %mul3A_23 = arith.muli %arg1, %mul3A_22 : i32
    %mul3A_24 = arith.constant 632 : i32
    %mul3A_25 = arith.muli %arg1, %mul3A_24 : i32
    "tpu.region"() ({
      %run_scoped3A = tpu.sem_alloc : memref<!tpu.dma_semaphore, #tpu.memory_space<semaphore_mem>>
      %dma_start3A = arith.constant 0 : i32
      %dma_start3A_26 = tpu.memref_slice %arg5[%arg0, %mul3A_25, %dma_start3A] : memref<2x10112x128xf32, #tpu.memory_space<hbm>> -> memref<1x632x128xf32, #tpu.memory_space<hbm>>
      %dma_start3A_27 = tpu.memref_squeeze %dma_start3A_26 : memref<1x632x128xf32, #tpu.memory_space<hbm>> -> memref<632x128xf32, #tpu.memory_space<hbm>>
      %dma_start3A_28 = arith.constant 0 : i32
      %dma_start3A_29 = tpu.memref_slice %arg11[%mul3A_23, %dma_start3A_28] : memref<10112x128xf32, #tpu.memory_space<vmem_shared>> -> memref<632x128xf32, #tpu.memory_space<vmem_shared>>
      tpu.enqueue_dma source(%dma_start3A_29 : memref<632x128xf32, #tpu.memory_space<vmem_shared>>) target(%dma_start3A_27 : memref<632x128xf32, #tpu.memory_space<hbm>>) target_semaphore(%run_scoped3A : memref<!tpu.dma_semaphore, #tpu.memory_space<semaphore_mem>>)
      %dma_wait3A = arith.constant 0 : i32
      %dma_wait3A_30 = tpu.memref_slice %arg5[%arg0, %mul3A_25, %dma_wait3A] : memref<2x10112x128xf32, #tpu.memory_space<hbm>> -> memref<1x632x128xf32, #tpu.memory_space<hbm>>
      %dma_wait3A_31 = tpu.memref_squeeze %dma_wait3A_30 : memref<1x632x128xf32, #tpu.memory_space<hbm>> -> memref<632x128xf32, #tpu.memory_space<hbm>>
      %dma_wait3A_32 = arith.constant 0 : i32
      %dma_wait3A_33 = tpu.memref_slice %arg11[%mul3A_23, %dma_wait3A_32] : memref<10112x128xf32, #tpu.memory_space<vmem_shared>> -> memref<632x128xf32, #tpu.memory_space<vmem_shared>>
      tpu.wait_dma2 semaphore(%run_scoped3A : memref<!tpu.dma_semaphore, #tpu.memory_space<semaphore_mem>>) src(%dma_wait3A_33 : memref<632x128xf32, #tpu.memory_space<vmem_shared>>) dst(%dma_wait3A_31 : memref<632x128xf32, #tpu.memory_space<hbm>>)
      tpu.yield
    }) : () -> ()
    return
  }
}

#map = affine_map<(d0, d1) -> (0, 0, 0)>
module attributes {stable_mosaic.version = 14 : i64} {
  func.func @deg_k(%arg0: i32, %arg1: i32, %arg2: memref<32x80x125xi32, #tpu.memory_space<hbm>>, %arg3: memref<2x10112x16xf32, #tpu.memory_space<hbm>>, %arg4: memref<80x125xi32, #tpu.memory_space<vmem>>, %arg5: memref<8x16xf32, #tpu.memory_space<vmem>>, %arg6: memref<125x16xf32, #tpu.memory_space<vmem>>, %arg7: memref<10112x16xf32, #tpu.memory_space<vmem_shared>>) attributes {dimension_semantics = [#tpu.dimension_semantics<core_parallel>, #tpu.dimension_semantics<subcore_parallel>], iteration_bounds = array<i64: 2, 16>, scalar_prefetch = 0 : i64, scratch_operands = 4 : i64, tpu.core_type = #tpu.core_type<sc_vector_subcore>, window_params = [{transform_indices = #map}, {transform_indices = #map}]} {
    %mul3A = arith.constant 2 : i32
    %mul3A_0 = arith.muli %arg1, %mul3A : i32
    %add3A = arith.addi %mul3A_0, %arg0 : i32
    %scan3A = arith.constant 0 : i32
    %scan3A_1 = arith.constant 0 : i32
    %scan3A_2 = arith.constant 8 : i32
    %scan3A_3 = arith.addi %scan3A_1, %scan3A_2 : i32
    %scan3A_4 = arith.constant 1 : i32
    %scan3A_5 = scf.for %scan3A_33 = %scan3A_1 to %scan3A_3 step %scan3A_4 iter_args(%scan3A_34 = %scan3A) -> (i32)  : i32 {
      %broadcast_in_dim3A = arith.constant 0.000000e+00 : f32
      %broadcast_in_dim3A_35 = vector.broadcast %broadcast_in_dim3A : f32 to vector<16xf32>
      %swap3A = arith.index_cast %scan3A_33 : i32 to index
      %swap3A_36 = arith.constant 0 : index
      %swap3A_37 = tpu.vector_load %arg5[%swap3A, %swap3A_36] {strides = array<i32>} : memref<8x16xf32, #tpu.memory_space<vmem>>, vector<1x16xf32>,
      %swap3A_38 = vector.shape_cast %swap3A_37 : vector<1x16xf32> to vector<16xf32>
      %swap3A_39 = vector.shape_cast %broadcast_in_dim3A_35 : vector<16xf32> to vector<1x16xf32>
      tpu.vector_store %arg5[%swap3A, %swap3A_36], %swap3A_39 {strides = array<i32>} : memref<8x16xf32, #tpu.memory_space<vmem>>, vector<1x16xf32>,
      %scan3A_40 = arith.constant 0 : i32
      scf.yield %scan3A_40 : i32
    }
    %scan3A_6 = arith.constant 8 : i32
    %scan3A_7 = arith.constant 0 : i32
    %scan3A_8 = arith.constant 0 : i32
    %scan3A_9 = arith.constant 79 : i32
    %scan3A_10 = arith.addi %scan3A_8, %scan3A_9 : i32
    %scan3A_11 = arith.constant 1 : i32
    %scan3A_12 = scf.for %scan3A_33 = %scan3A_8 to %scan3A_10 step %scan3A_11 iter_args(%scan3A_34 = %scan3A_7) -> (i32)  : i32 {
      %mul3A_35 = arith.constant 632 : i32
      %mul3A_36 = arith.muli %arg1, %mul3A_35 : i32
      %mul3A_37 = arith.constant 8 : i32
      %mul3A_38 = arith.muli %scan3A_33, %mul3A_37 : i32
      %add3A_39 = arith.addi %mul3A_36, %mul3A_38 : i32
      "tpu.region"() ({
        %run_scoped3A = tpu.sem_alloc : memref<!tpu.dma_semaphore, #tpu.memory_space<semaphore_mem>>
        %dma_start3A = arith.constant 0 : i32
        %dma_start3A_41 = tpu.memref_slice %arg7[%add3A_39, %dma_start3A] : memref<10112x16xf32, #tpu.memory_space<vmem_shared>> -> memref<8x16xf32, #tpu.memory_space<vmem_shared>>
        %dma_start3A_42 = arith.constant 0 : i32
        %dma_start3A_43 = tpu.memref_slice %arg7[%add3A_39, %dma_start3A_42] : memref<10112x16xf32, #tpu.memory_space<vmem_shared>> -> memref<8x16xf32, #tpu.memory_space<vmem_shared>>
        tpu.enqueue_dma source(%arg5 : memref<8x16xf32, #tpu.memory_space<vmem>>) target(%dma_start3A_43 : memref<8x16xf32, #tpu.memory_space<vmem_shared>>) target_semaphore(%run_scoped3A : memref<!tpu.dma_semaphore, #tpu.memory_space<semaphore_mem>>)
        %dma_wait3A = arith.constant 0 : i32
        %dma_wait3A_44 = tpu.memref_slice %arg7[%add3A_39, %dma_wait3A] : memref<10112x16xf32, #tpu.memory_space<vmem_shared>> -> memref<8x16xf32, #tpu.memory_space<vmem_shared>>
        %dma_wait3A_45 = arith.constant 0 : i32
        %dma_wait3A_46 = tpu.memref_slice %arg7[%add3A_39, %dma_wait3A_45] : memref<10112x16xf32, #tpu.memory_space<vmem_shared>> -> memref<8x16xf32, #tpu.memory_space<vmem_shared>>
        tpu.wait_dma2 semaphore(%run_scoped3A : memref<!tpu.dma_semaphore, #tpu.memory_space<semaphore_mem>>) src(%arg5 : memref<8x16xf32, #tpu.memory_space<vmem>>) dst(%dma_wait3A_46 : memref<8x16xf32, #tpu.memory_space<vmem_shared>>)
        tpu.yield
      }) : () -> ()
      %scan3A_40 = arith.constant 0 : i32
      scf.yield %scan3A_40 : i32
    }
    %scan3A_13 = arith.constant 79 : i32
    %scan3A_14 = arith.constant 0 : i32
    %scan3A_15 = arith.constant 0 : i32
    %scan3A_16 = arith.constant 125 : i32
    %scan3A_17 = arith.addi %scan3A_15, %scan3A_16 : i32
    %scan3A_18 = arith.constant 1 : i32
    %scan3A_19 = scf.for %scan3A_33 = %scan3A_15 to %scan3A_17 step %scan3A_18 iter_args(%scan3A_34 = %scan3A_14) -> (i32)  : i32 {
      %broadcast_in_dim3A = arith.constant 1.000000e+00 : f32
      %broadcast_in_dim3A_35 = vector.broadcast %broadcast_in_dim3A : f32 to vector<16xf32>
      %swap3A = arith.index_cast %scan3A_33 : i32 to index
      %swap3A_36 = arith.constant 0 : index
      %swap3A_37 = tpu.vector_load %arg6[%swap3A, %swap3A_36] {strides = array<i32>} : memref<125x16xf32, #tpu.memory_space<vmem>>, vector<1x16xf32>,
      %swap3A_38 = vector.shape_cast %swap3A_37 : vector<1x16xf32> to vector<16xf32>
      %swap3A_39 = vector.shape_cast %broadcast_in_dim3A_35 : vector<16xf32> to vector<1x16xf32>
      tpu.vector_store %arg6[%swap3A, %swap3A_36], %swap3A_39 {strides = array<i32>} : memref<125x16xf32, #tpu.memory_space<vmem>>, vector<1x16xf32>,
      %scan3A_40 = arith.constant 0 : i32
      scf.yield %scan3A_40 : i32
    }
    %scan3A_20 = arith.constant 125 : i32
    "tpu.region"() ({
      %run_scoped3A = tpu.sem_alloc : memref<!tpu.dma_semaphore, #tpu.memory_space<semaphore_mem>>
      %dma_start3A = arith.constant 0 : i32
      %dma_start3A_33 = arith.constant 0 : i32
      %dma_start3A_34 = tpu.memref_slice %arg2[%add3A, %dma_start3A, %dma_start3A_33] : memref<32x80x125xi32, #tpu.memory_space<hbm>> -> memref<1x80x125xi32, #tpu.memory_space<hbm>>
      %dma_start3A_35 = tpu.memref_squeeze %dma_start3A_34 : memref<1x80x125xi32, #tpu.memory_space<hbm>> -> memref<80x125xi32, #tpu.memory_space<hbm>>
      %dma_start3A_36 = arith.constant 0 : i32
      %dma_start3A_37 = arith.constant 0 : i32
      %dma_start3A_38 = tpu.memref_slice %arg2[%add3A, %dma_start3A_36, %dma_start3A_37] : memref<32x80x125xi32, #tpu.memory_space<hbm>> -> memref<1x80x125xi32, #tpu.memory_space<hbm>>
      %dma_start3A_39 = tpu.memref_squeeze %dma_start3A_38 : memref<1x80x125xi32, #tpu.memory_space<hbm>> -> memref<80x125xi32, #tpu.memory_space<hbm>>
      tpu.enqueue_dma source(%dma_start3A_39 : memref<80x125xi32, #tpu.memory_space<hbm>>) target(%arg4 : memref<80x125xi32, #tpu.memory_space<vmem>>) target_semaphore(%run_scoped3A : memref<!tpu.dma_semaphore, #tpu.memory_space<semaphore_mem>>)
      %dma_wait3A = arith.constant 0 : i32
      %dma_wait3A_40 = arith.constant 0 : i32
      %dma_wait3A_41 = tpu.memref_slice %arg2[%add3A, %dma_wait3A, %dma_wait3A_40] : memref<32x80x125xi32, #tpu.memory_space<hbm>> -> memref<1x80x125xi32, #tpu.memory_space<hbm>>
      %dma_wait3A_42 = tpu.memref_squeeze %dma_wait3A_41 : memref<1x80x125xi32, #tpu.memory_space<hbm>> -> memref<80x125xi32, #tpu.memory_space<hbm>>
      %dma_wait3A_43 = arith.constant 0 : i32
      %dma_wait3A_44 = arith.constant 0 : i32
      %dma_wait3A_45 = tpu.memref_slice %arg2[%add3A, %dma_wait3A_43, %dma_wait3A_44] : memref<32x80x125xi32, #tpu.memory_space<hbm>> -> memref<1x80x125xi32, #tpu.memory_space<hbm>>
      %dma_wait3A_46 = tpu.memref_squeeze %dma_wait3A_45 : memref<1x80x125xi32, #tpu.memory_space<hbm>> -> memref<80x125xi32, #tpu.memory_space<hbm>>
      tpu.wait_dma2 semaphore(%run_scoped3A : memref<!tpu.dma_semaphore, #tpu.memory_space<semaphore_mem>>) src(%dma_wait3A_46 : memref<80x125xi32, #tpu.memory_space<hbm>>) dst(%arg4 : memref<80x125xi32, #tpu.memory_space<vmem>>)
      tpu.yield
    }) : () -> ()
    %barrier3A = arith.constant 0 : index
    tpu.barrier barrier_id(%barrier3A)
    %scan3A_21 = arith.constant 0 : i32
    %scan3A_22 = arith.constant 0 : i32
    %scan3A_23 = arith.constant 80 : i32
    %scan3A_24 = arith.addi %scan3A_22, %scan3A_23 : i32
    %scan3A_25 = arith.constant 1 : i32
    %scan3A_26 = scf.for %scan3A_33 = %scan3A_22 to %scan3A_24 step %scan3A_25 iter_args(%scan3A_34 = %scan3A_21) -> (i32)  : i32 {
      "tpu.region"() ({
        %run_scoped3A = tpu.sem_alloc : memref<!tpu.dma_semaphore, #tpu.memory_space<semaphore_mem>>
        %dma_start3A = arith.constant 0 : i32
        %dma_start3A_36 = tpu.memref_slice %arg4[%scan3A_33, %dma_start3A] : memref<80x125xi32, #tpu.memory_space<vmem>> -> memref<1x125xi32, #tpu.memory_space<vmem>>
        %dma_start3A_37 = tpu.memref_squeeze %dma_start3A_36 : memref<1x125xi32, #tpu.memory_space<vmem>> -> memref<125xi32, #tpu.memory_space<vmem>>
        %dma_start3A_38 = arith.constant 0 : i32
        %dma_start3A_39 = arith.constant 0 : i32
        %dma_start3A_40 = tpu.memref_slice %arg7[%dma_start3A_38, %dma_start3A_39] : memref<10112x16xf32, #tpu.memory_space<vmem_shared>> -> memref<10112x16xf32, #tpu.memory_space<vmem_shared>>
        tpu.enqueue_indirect_dma source(%arg6 : memref<125x16xf32, #tpu.memory_space<vmem>>) target(%dma_start3A_40 : memref<10112x16xf32, #tpu.memory_space<vmem_shared>>) offsets(%dma_start3A_37 : memref<125xi32, #tpu.memory_space<vmem>>) semaphore(%run_scoped3A : memref<!tpu.dma_semaphore, #tpu.memory_space<semaphore_mem>>) {add = true}
        %dma_wait3A = arith.constant 0 : i32
        %dma_wait3A_41 = tpu.memref_slice %arg4[%scan3A_33, %dma_wait3A] : memref<80x125xi32, #tpu.memory_space<vmem>> -> memref<1x125xi32, #tpu.memory_space<vmem>>
        %dma_wait3A_42 = tpu.memref_squeeze %dma_wait3A_41 : memref<1x125xi32, #tpu.memory_space<vmem>> -> memref<125xi32, #tpu.memory_space<vmem>>
        %dma_wait3A_43 = arith.constant 0 : i32
        %dma_wait3A_44 = arith.constant 0 : i32
        %dma_wait3A_45 = tpu.memref_slice %arg7[%dma_wait3A_43, %dma_wait3A_44] : memref<10112x16xf32, #tpu.memory_space<vmem_shared>> -> memref<10112x16xf32, #tpu.memory_space<vmem_shared>>
        tpu.wait_indirect_dma semaphore(%run_scoped3A : memref<!tpu.dma_semaphore, #tpu.memory_space<semaphore_mem>>) src(%arg6 : memref<125x16xf32, #tpu.memory_space<vmem>>) dst(%dma_wait3A_45 : memref<10112x16xf32, #tpu.memory_space<vmem_shared>>)
        tpu.yield
      }) : () -> ()
      %scan3A_35 = arith.constant 0 : i32
      scf.yield %scan3A_35 : i32
    }
    %scan3A_27 = arith.constant 80 : i32
    %barrier3A_28 = arith.constant 0 : index
    tpu.barrier barrier_id(%barrier3A_28)
    %mul3A_29 = arith.constant 632 : i32
    %mul3A_30 = arith.muli %arg1, %mul3A_29 : i32
    %mul3A_31 = arith.constant 632 : i32
    %mul3A_32 = arith.muli %arg1, %mul3A_31 : i32
    "tpu.region"() ({
      %run_scoped3A = tpu.sem_alloc : memref<!tpu.dma_semaphore, #tpu.memory_space<semaphore_mem>>
      %dma_start3A = arith.constant 0 : i32
      %dma_start3A_33 = tpu.memref_slice %arg3[%arg0, %mul3A_32, %dma_start3A] : memref<2x10112x16xf32, #tpu.memory_space<hbm>> -> memref<1x632x16xf32, #tpu.memory_space<hbm>>
      %dma_start3A_34 = tpu.memref_squeeze %dma_start3A_33 : memref<1x632x16xf32, #tpu.memory_space<hbm>> -> memref<632x16xf32, #tpu.memory_space<hbm>>
      %dma_start3A_35 = arith.constant 0 : i32
      %dma_start3A_36 = tpu.memref_slice %arg7[%mul3A_30, %dma_start3A_35] : memref<10112x16xf32, #tpu.memory_space<vmem_shared>> -> memref<632x16xf32, #tpu.memory_space<vmem_shared>>
      tpu.enqueue_dma source(%dma_start3A_36 : memref<632x16xf32, #tpu.memory_space<vmem_shared>>) target(%dma_start3A_34 : memref<632x16xf32, #tpu.memory_space<hbm>>) target_semaphore(%run_scoped3A : memref<!tpu.dma_semaphore, #tpu.memory_space<semaphore_mem>>)
      %dma_wait3A = arith.constant 0 : i32
      %dma_wait3A_37 = tpu.memref_slice %arg3[%arg0, %mul3A_32, %dma_wait3A] : memref<2x10112x16xf32, #tpu.memory_space<hbm>> -> memref<1x632x16xf32, #tpu.memory_space<hbm>>
      %dma_wait3A_38 = tpu.memref_squeeze %dma_wait3A_37 : memref<1x632x16xf32, #tpu.memory_space<hbm>> -> memref<632x16xf32, #tpu.memory_space<hbm>>
      %dma_wait3A_39 = arith.constant 0 : i32
      %dma_wait3A_40 = tpu.memref_slice %arg7[%mul3A_30, %dma_wait3A_39] : memref<10112x16xf32, #tpu.memory_space<vmem_shared>> -> memref<632x16xf32, #tpu.memory_space<vmem_shared>>
      tpu.wait_dma2 semaphore(%run_scoped3A : memref<!tpu.dma_semaphore, #tpu.memory_space<semaphore_mem>>) src(%dma_wait3A_40 : memref<632x16xf32, #tpu.memory_space<vmem_shared>>) dst(%dma_wait3A_38 : memref<632x16xf32, #tpu.memory_space<hbm>>)
      tpu.yield
    }) : () -> ()
    return
  }
}

#map = affine_map<(d0, d1) -> (0, 0, 0)>
#map1 = affine_map<(d0, d1) -> (0, 0)>
module attributes {stable_mosaic.version = 14 : i64} {
  func.func @scatter_k(%arg0: i32, %arg1: i32, %arg2: memref<32x80x125xi32, #tpu.memory_space<hbm>>, %arg3: memref<32x80x125xi32, #tpu.memory_space<hbm>>, %arg4: memref<10000x128xf32, #tpu.memory_space<hbm>>, %arg5: memref<2x10112x128xf32, #tpu.memory_space<hbm>>, %arg6: memref<16x125xi32, #tpu.memory_space<vmem>>, %arg7: memref<16x125xi32, #tpu.memory_space<vmem>>, %arg8: memref<8x128xf32, #tpu.memory_space<vmem>>, %arg9: memref<125x128xf32, #tpu.memory_space<vmem>>, %arg10: memref<125x128xf32, #tpu.memory_space<vmem>>, %arg11: memref<10112x128xf32, #tpu.memory_space<vmem_shared>>, %arg12: memref<!tpu.dma_semaphore, #tpu.memory_space<semaphore_mem>>, %arg13: memref<!tpu.dma_semaphore, #tpu.memory_space<semaphore_mem>>) attributes {dimension_semantics = [#tpu.dimension_semantics<core_parallel>, #tpu.dimension_semantics<subcore_parallel>], iteration_bounds = array<i64: 2, 16>, scalar_prefetch = 0 : i64, scratch_operands = 8 : i64, tpu.core_type = #tpu.core_type<sc_vector_subcore>, window_params = [{transform_indices = #map}, {transform_indices = #map}, {transform_indices = #map1}, {transform_indices = #map}]} {
    %mul3A = arith.constant 2 : i32
    %mul3A_0 = arith.muli %arg1, %mul3A : i32
    %add3A = arith.addi %mul3A_0, %arg0 : i32
    %scan3A = arith.constant 0 : i32
    %scan3A_1 = arith.constant 0 : i32
    %scan3A_2 = arith.constant 8 : i32
    %scan3A_3 = arith.addi %scan3A_1, %scan3A_2 : i32
    %scan3A_4 = arith.constant 1 : i32
    %scan3A_5 = scf.for %scan3A_26 = %scan3A_1 to %scan3A_3 step %scan3A_4 iter_args(%scan3A_27 = %scan3A) -> (i32)  : i32 {
      %broadcast_in_dim3A = arith.constant 0.000000e+00 : f32
      %broadcast_in_dim3A_28 = vector.broadcast %broadcast_in_dim3A : f32 to vector<16xf32>
      %swap3A = arith.index_cast %scan3A_26 : i32 to index
      %swap3A_29 = arith.constant 0 : index
      %swap3A_30 = tpu.vector_load %arg8[%swap3A, %swap3A_29] {strides = array<i32>} : memref<8x128xf32, #tpu.memory_space<vmem>>, vector<1x16xf32>,
      %swap3A_31 = vector.shape_cast %swap3A_30 : vector<1x16xf32> to vector<16xf32>
      %swap3A_32 = vector.shape_cast %broadcast_in_dim3A_28 : vector<16xf32> to vector<1x16xf32>
      tpu.vector_store %arg8[%swap3A, %swap3A_29], %swap3A_32 {strides = array<i32>} : memref<8x128xf32, #tpu.memory_space<vmem>>, vector<1x16xf32>,
      %broadcast_in_dim3A_33 = arith.constant 0.000000e+00 : f32
      %broadcast_in_dim3A_34 = vector.broadcast %broadcast_in_dim3A_33 : f32 to vector<16xf32>
      %swap3A_35 = arith.index_cast %scan3A_26 : i32 to index
      %swap3A_36 = arith.constant 16 : index
      %swap3A_37 = tpu.vector_load %arg8[%swap3A_35, %swap3A_36] {strides = array<i32>} : memref<8x128xf32, #tpu.memory_space<vmem>>, vector<1x16xf32>,
      %swap3A_38 = vector.shape_cast %swap3A_37 : vector<1x16xf32> to vector<16xf32>
      %swap3A_39 = vector.shape_cast %broadcast_in_dim3A_34 : vector<16xf32> to vector<1x16xf32>
      tpu.vector_store %arg8[%swap3A_35, %swap3A_36], %swap3A_39 {strides = array<i32>} : memref<8x128xf32, #tpu.memory_space<vmem>>, vector<1x16xf32>,
      %broadcast_in_dim3A_40 = arith.constant 0.000000e+00 : f32
      %broadcast_in_dim3A_41 = vector.broadcast %broadcast_in_dim3A_40 : f32 to vector<16xf32>
      %swap3A_42 = arith.index_cast %scan3A_26 : i32 to index
      %swap3A_43 = arith.constant 32 : index
      %swap3A_44 = tpu.vector_load %arg8[%swap3A_42, %swap3A_43] {strides = array<i32>} : memref<8x128xf32, #tpu.memory_space<vmem>>, vector<1x16xf32>,
      %swap3A_45 = vector.shape_cast %swap3A_44 : vector<1x16xf32> to vector<16xf32>
      %swap3A_46 = vector.shape_cast %broadcast_in_dim3A_41 : vector<16xf32> to vector<1x16xf32>
      tpu.vector_store %arg8[%swap3A_42, %swap3A_43], %swap3A_46 {strides = array<i32>} : memref<8x128xf32, #tpu.memory_space<vmem>>, vector<1x16xf32>,
      %broadcast_in_dim3A_47 = arith.constant 0.000000e+00 : f32
      %broadcast_in_dim3A_48 = vector.broadcast %broadcast_in_dim3A_47 : f32 to vector<16xf32>
      %swap3A_49 = arith.index_cast %scan3A_26 : i32 to index
      %swap3A_50 = arith.constant 48 : index
      %swap3A_51 = tpu.vector_load %arg8[%swap3A_49, %swap3A_50] {strides = array<i32>} : memref<8x128xf32, #tpu.memory_space<vmem>>, vector<1x16xf32>,
      %swap3A_52 = vector.shape_cast %swap3A_51 : vector<1x16xf32> to vector<16xf32>
      %swap3A_53 = vector.shape_cast %broadcast_in_dim3A_48 : vector<16xf32> to vector<1x16xf32>
      tpu.vector_store %arg8[%swap3A_49, %swap3A_50], %swap3A_53 {strides = array<i32>} : memref<8x128xf32, #tpu.memory_space<vmem>>, vector<1x16xf32>,
      %broadcast_in_dim3A_54 = arith.constant 0.000000e+00 : f32
      %broadcast_in_dim3A_55 = vector.broadcast %broadcast_in_dim3A_54 : f32 to vector<16xf32>
      %swap3A_56 = arith.index_cast %scan3A_26 : i32 to index
      %swap3A_57 = arith.constant 64 : index
      %swap3A_58 = tpu.vector_load %arg8[%swap3A_56, %swap3A_57] {strides = array<i32>} : memref<8x128xf32, #tpu.memory_space<vmem>>, vector<1x16xf32>,
      %swap3A_59 = vector.shape_cast %swap3A_58 : vector<1x16xf32> to vector<16xf32>
      %swap3A_60 = vector.shape_cast %broadcast_in_dim3A_55 : vector<16xf32> to vector<1x16xf32>
      tpu.vector_store %arg8[%swap3A_56, %swap3A_57], %swap3A_60 {strides = array<i32>} : memref<8x128xf32, #tpu.memory_space<vmem>>, vector<1x16xf32>,
      %broadcast_in_dim3A_61 = arith.constant 0.000000e+00 : f32
      %broadcast_in_dim3A_62 = vector.broadcast %broadcast_in_dim3A_61 : f32 to vector<16xf32>
      %swap3A_63 = arith.index_cast %scan3A_26 : i32 to index
      %swap3A_64 = arith.constant 80 : index
      %swap3A_65 = tpu.vector_load %arg8[%swap3A_63, %swap3A_64] {strides = array<i32>} : memref<8x128xf32, #tpu.memory_space<vmem>>, vector<1x16xf32>,
      %swap3A_66 = vector.shape_cast %swap3A_65 : vector<1x16xf32> to vector<16xf32>
      %swap3A_67 = vector.shape_cast %broadcast_in_dim3A_62 : vector<16xf32> to vector<1x16xf32>
      tpu.vector_store %arg8[%swap3A_63, %swap3A_64], %swap3A_67 {strides = array<i32>} : memref<8x128xf32, #tpu.memory_space<vmem>>, vector<1x16xf32>,
      %broadcast_in_dim3A_68 = arith.constant 0.000000e+00 : f32
      %broadcast_in_dim3A_69 = vector.broadcast %broadcast_in_dim3A_68 : f32 to vector<16xf32>
      %swap3A_70 = arith.index_cast %scan3A_26 : i32 to index
      %swap3A_71 = arith.constant 96 : index
      %swap3A_72 = tpu.vector_load %arg8[%swap3A_70, %swap3A_71] {strides = array<i32>} : memref<8x128xf32, #tpu.memory_space<vmem>>, vector<1x16xf32>,
      %swap3A_73 = vector.shape_cast %swap3A_72 : vector<1x16xf32> to vector<16xf32>
      %swap3A_74 = vector.shape_cast %broadcast_in_dim3A_69 : vector<16xf32> to vector<1x16xf32>
      tpu.vector_store %arg8[%swap3A_70, %swap3A_71], %swap3A_74 {strides = array<i32>} : memref<8x128xf32, #tpu.memory_space<vmem>>, vector<1x16xf32>,
      %broadcast_in_dim3A_75 = arith.constant 0.000000e+00 : f32
      %broadcast_in_dim3A_76 = vector.broadcast %broadcast_in_dim3A_75 : f32 to vector<16xf32>
      %swap3A_77 = arith.index_cast %scan3A_26 : i32 to index
      %swap3A_78 = arith.constant 112 : index
      %swap3A_79 = tpu.vector_load %arg8[%swap3A_77, %swap3A_78] {strides = array<i32>} : memref<8x128xf32, #tpu.memory_space<vmem>>, vector<1x16xf32>,
      %swap3A_80 = vector.shape_cast %swap3A_79 : vector<1x16xf32> to vector<16xf32>
      %swap3A_81 = vector.shape_cast %broadcast_in_dim3A_76 : vector<16xf32> to vector<1x16xf32>
      tpu.vector_store %arg8[%swap3A_77, %swap3A_78], %swap3A_81 {strides = array<i32>} : memref<8x128xf32, #tpu.memory_space<vmem>>, vector<1x16xf32>,
      %scan3A_82 = arith.constant 0 : i32
      scf.yield %scan3A_82 : i32
    }
    %scan3A_6 = arith.constant 8 : i32
    %scan3A_7 = arith.constant 0 : i32
    %scan3A_8 = arith.constant 0 : i32
    %scan3A_9 = arith.constant 79 : i32
    %scan3A_10 = arith.addi %scan3A_8, %scan3A_9 : i32
    %scan3A_11 = arith.constant 1 : i32
    %scan3A_12 = scf.for %scan3A_26 = %scan3A_8 to %scan3A_10 step %scan3A_11 iter_args(%scan3A_27 = %scan3A_7) -> (i32)  : i32 {
      %mul3A_28 = arith.constant 632 : i32
      %mul3A_29 = arith.muli %arg1, %mul3A_28 : i32
      %mul3A_30 = arith.constant 8 : i32
      %mul3A_31 = arith.muli %scan3A_26, %mul3A_30 : i32
      %add3A_32 = arith.addi %mul3A_29, %mul3A_31 : i32
      "tpu.region"() ({
        %run_scoped3A = tpu.sem_alloc : memref<!tpu.dma_semaphore, #tpu.memory_space<semaphore_mem>>
        %dma_start3A = arith.constant 0 : i32
        %dma_start3A_34 = tpu.memref_slice %arg11[%add3A_32, %dma_start3A] : memref<10112x128xf32, #tpu.memory_space<vmem_shared>> -> memref<8x128xf32, #tpu.memory_space<vmem_shared>>
        %dma_start3A_35 = arith.constant 0 : i32
        %dma_start3A_36 = tpu.memref_slice %arg11[%add3A_32, %dma_start3A_35] : memref<10112x128xf32, #tpu.memory_space<vmem_shared>> -> memref<8x128xf32, #tpu.memory_space<vmem_shared>>
        tpu.enqueue_dma source(%arg8 : memref<8x128xf32, #tpu.memory_space<vmem>>) target(%dma_start3A_36 : memref<8x128xf32, #tpu.memory_space<vmem_shared>>) target_semaphore(%run_scoped3A : memref<!tpu.dma_semaphore, #tpu.memory_space<semaphore_mem>>)
        %dma_wait3A = arith.constant 0 : i32
        %dma_wait3A_37 = tpu.memref_slice %arg11[%add3A_32, %dma_wait3A] : memref<10112x128xf32, #tpu.memory_space<vmem_shared>> -> memref<8x128xf32, #tpu.memory_space<vmem_shared>>
        %dma_wait3A_38 = arith.constant 0 : i32
        %dma_wait3A_39 = tpu.memref_slice %arg11[%add3A_32, %dma_wait3A_38] : memref<10112x128xf32, #tpu.memory_space<vmem_shared>> -> memref<8x128xf32, #tpu.memory_space<vmem_shared>>
        tpu.wait_dma2 semaphore(%run_scoped3A : memref<!tpu.dma_semaphore, #tpu.memory_space<semaphore_mem>>) src(%arg8 : memref<8x128xf32, #tpu.memory_space<vmem>>) dst(%dma_wait3A_39 : memref<8x128xf32, #tpu.memory_space<vmem_shared>>)
        tpu.yield
      }) : () -> ()
      %scan3A_33 = arith.constant 0 : i32
      scf.yield %scan3A_33 : i32
    }
    %scan3A_13 = arith.constant 79 : i32
    %barrier3A = arith.constant 0 : index
    tpu.barrier barrier_id(%barrier3A)
    %scan3A_14 = arith.constant 0 : i32
    %scan3A_15 = arith.constant 0 : i32
    %scan3A_16 = arith.constant 5 : i32
    %scan3A_17 = arith.addi %scan3A_15, %scan3A_16 : i32
    %scan3A_18 = arith.constant 1 : i32
    %scan3A_19 = scf.for %scan3A_26 = %scan3A_15 to %scan3A_17 step %scan3A_18 iter_args(%scan3A_27 = %scan3A_14) -> (i32)  : i32 {
      %mul3A_28 = arith.constant 16 : i32
      %mul3A_29 = arith.muli %scan3A_26, %mul3A_28 : i32
      "tpu.region"() ({
        %run_scoped3A = tpu.sem_alloc : memref<!tpu.dma_semaphore, #tpu.memory_space<semaphore_mem>>
        %dma_start3A_46 = arith.constant 0 : i32
        %dma_start3A_47 = tpu.memref_slice %arg2[%add3A, %mul3A_29, %dma_start3A_46] : memref<32x80x125xi32, #tpu.memory_space<hbm>> -> memref<1x16x125xi32, #tpu.memory_space<hbm>>
        %dma_start3A_48 = tpu.memref_squeeze %dma_start3A_47 : memref<1x16x125xi32, #tpu.memory_space<hbm>> -> memref<16x125xi32, #tpu.memory_space<hbm>>
        %dma_start3A_49 = arith.constant 0 : i32
        %dma_start3A_50 = tpu.memref_slice %arg2[%add3A, %mul3A_29, %dma_start3A_49] : memref<32x80x125xi32, #tpu.memory_space<hbm>> -> memref<1x16x125xi32, #tpu.memory_space<hbm>>
        %dma_start3A_51 = tpu.memref_squeeze %dma_start3A_50 : memref<1x16x125xi32, #tpu.memory_space<hbm>> -> memref<16x125xi32, #tpu.memory_space<hbm>>
        tpu.enqueue_dma source(%dma_start3A_51 : memref<16x125xi32, #tpu.memory_space<hbm>>) target(%arg6 : memref<16x125xi32, #tpu.memory_space<vmem>>) target_semaphore(%run_scoped3A : memref<!tpu.dma_semaphore, #tpu.memory_space<semaphore_mem>>)
        %dma_wait3A = arith.constant 0 : i32
        %dma_wait3A_52 = tpu.memref_slice %arg2[%add3A, %mul3A_29, %dma_wait3A] : memref<32x80x125xi32, #tpu.memory_space<hbm>> -> memref<1x16x125xi32, #tpu.memory_space<hbm>>
        %dma_wait3A_53 = tpu.memref_squeeze %dma_wait3A_52 : memref<1x16x125xi32, #tpu.memory_space<hbm>> -> memref<16x125xi32, #tpu.memory_space<hbm>>
        %dma_wait3A_54 = arith.constant 0 : i32
        %dma_wait3A_55 = tpu.memref_slice %arg2[%add3A, %mul3A_29, %dma_wait3A_54] : memref<32x80x125xi32, #tpu.memory_space<hbm>> -> memref<1x16x125xi32, #tpu.memory_space<hbm>>
        %dma_wait3A_56 = tpu.memref_squeeze %dma_wait3A_55 : memref<1x16x125xi32, #tpu.memory_space<hbm>> -> memref<16x125xi32, #tpu.memory_space<hbm>>
        tpu.wait_dma2 semaphore(%run_scoped3A : memref<!tpu.dma_semaphore, #tpu.memory_space<semaphore_mem>>) src(%dma_wait3A_56 : memref<16x125xi32, #tpu.memory_space<hbm>>) dst(%arg6 : memref<16x125xi32, #tpu.memory_space<vmem>>)
        tpu.yield
      }) : () -> ()
      %mul3A_30 = arith.constant 16 : i32
      %mul3A_31 = arith.muli %scan3A_26, %mul3A_30 : i32
      "tpu.region"() ({
        %run_scoped3A = tpu.sem_alloc : memref<!tpu.dma_semaphore, #tpu.memory_space<semaphore_mem>>
        %dma_start3A_46 = arith.constant 0 : i32
        %dma_start3A_47 = tpu.memref_slice %arg3[%add3A, %mul3A_31, %dma_start3A_46] : memref<32x80x125xi32, #tpu.memory_space<hbm>> -> memref<1x16x125xi32, #tpu.memory_space<hbm>>
        %dma_start3A_48 = tpu.memref_squeeze %dma_start3A_47 : memref<1x16x125xi32, #tpu.memory_space<hbm>> -> memref<16x125xi32, #tpu.memory_space<hbm>>
        %dma_start3A_49 = arith.constant 0 : i32
        %dma_start3A_50 = tpu.memref_slice %arg3[%add3A, %mul3A_31, %dma_start3A_49] : memref<32x80x125xi32, #tpu.memory_space<hbm>> -> memref<1x16x125xi32, #tpu.memory_space<hbm>>
        %dma_start3A_51 = tpu.memref_squeeze %dma_start3A_50 : memref<1x16x125xi32, #tpu.memory_space<hbm>> -> memref<16x125xi32, #tpu.memory_space<hbm>>
        tpu.enqueue_dma source(%dma_start3A_51 : memref<16x125xi32, #tpu.memory_space<hbm>>) target(%arg7 : memref<16x125xi32, #tpu.memory_space<vmem>>) target_semaphore(%run_scoped3A : memref<!tpu.dma_semaphore, #tpu.memory_space<semaphore_mem>>)
        %dma_wait3A = arith.constant 0 : i32
        %dma_wait3A_52 = tpu.memref_slice %arg3[%add3A, %mul3A_31, %dma_wait3A] : memref<32x80x125xi32, #tpu.memory_space<hbm>> -> memref<1x16x125xi32, #tpu.memory_space<hbm>>
        %dma_wait3A_53 = tpu.memref_squeeze %dma_wait3A_52 : memref<1x16x125xi32, #tpu.memory_space<hbm>> -> memref<16x125xi32, #tpu.memory_space<hbm>>
        %dma_wait3A_54 = arith.constant 0 : i32
        %dma_wait3A_55 = tpu.memref_slice %arg3[%add3A, %mul3A_31, %dma_wait3A_54] : memref<32x80x125xi32, #tpu.memory_space<hbm>> -> memref<1x16x125xi32, #tpu.memory_space<hbm>>
        %dma_wait3A_56 = tpu.memref_squeeze %dma_wait3A_55 : memref<1x16x125xi32, #tpu.memory_space<hbm>> -> memref<16x125xi32, #tpu.memory_space<hbm>>
        tpu.wait_dma2 semaphore(%run_scoped3A : memref<!tpu.dma_semaphore, #tpu.memory_space<semaphore_mem>>) src(%dma_wait3A_56 : memref<16x125xi32, #tpu.memory_space<hbm>>) dst(%arg7 : memref<16x125xi32, #tpu.memory_space<vmem>>)
        tpu.yield
      }) : () -> ()
      %dma_start3A = arith.constant 0 : i32
      %dma_start3A_32 = arith.constant 0 : i32
      %dma_start3A_33 = tpu.memref_slice %arg6[%dma_start3A, %dma_start3A_32] : memref<16x125xi32, #tpu.memory_space<vmem>> -> memref<1x125xi32, #tpu.memory_space<vmem>>
      %dma_start3A_34 = tpu.memref_squeeze %dma_start3A_33 : memref<1x125xi32, #tpu.memory_space<vmem>> -> memref<125xi32, #tpu.memory_space<vmem>>
      %dma_start3A_35 = arith.constant 0 : i32
      %dma_start3A_36 = arith.constant 0 : i32
      %dma_start3A_37 = tpu.memref_slice %arg4[%dma_start3A_35, %dma_start3A_36] : memref<10000x128xf32, #tpu.memory_space<hbm>> -> memref<10000x128xf32, #tpu.memory_space<hbm>>
      tpu.enqueue_indirect_dma source(%dma_start3A_37 : memref<10000x128xf32, #tpu.memory_space<hbm>>) target(%arg9 : memref<125x128xf32, #tpu.memory_space<vmem>>) offsets(%dma_start3A_34 : memref<125xi32, #tpu.memory_space<vmem>>) semaphore(%arg12 : memref<!tpu.dma_semaphore, #tpu.memory_space<semaphore_mem>>)
      %scan3A_38 = arith.constant 0 : i32
      %scan3A_39 = arith.constant 0 : i32
      %scan3A_40 = arith.constant 8 : i32
      %scan3A_41 = arith.addi %scan3A_39, %scan3A_40 : i32
      %scan3A_42 = arith.constant 1 : i32
      %scan3A_43 = scf.for %scan3A_46 = %scan3A_39 to %scan3A_41 step %scan3A_42 iter_args(%scan3A_47 = %scan3A_38) -> (i32)  : i32 {
        %mul3A_48 = arith.constant 2 : i32
        %mul3A_49 = arith.muli %scan3A_46, %mul3A_48 : i32
        %add3A_50 = arith.constant 1 : i32
        %add3A_51 = arith.addi %mul3A_49, %add3A_50 : i32
        %dma_start3A_52 = arith.constant 0 : i32
        %dma_start3A_53 = tpu.memref_slice %arg6[%add3A_51, %dma_start3A_52] : memref<16x125xi32, #tpu.memory_space<vmem>> -> memref<1x125xi32, #tpu.memory_space<vmem>>
        %dma_start3A_54 = tpu.memref_squeeze %dma_start3A_53 : memref<1x125xi32, #tpu.memory_space<vmem>> -> memref<125xi32, #tpu.memory_space<vmem>>
        %dma_start3A_55 = arith.constant 0 : i32
        %dma_start3A_56 = arith.constant 0 : i32
        %dma_start3A_57 = tpu.memref_slice %arg4[%dma_start3A_55, %dma_start3A_56] : memref<10000x128xf32, #tpu.memory_space<hbm>> -> memref<10000x128xf32, #tpu.memory_space<hbm>>
        tpu.enqueue_indirect_dma source(%dma_start3A_57 : memref<10000x128xf32, #tpu.memory_space<hbm>>) target(%arg10 : memref<125x128xf32, #tpu.memory_space<vmem>>) offsets(%dma_start3A_54 : memref<125xi32, #tpu.memory_space<vmem>>) semaphore(%arg13 : memref<!tpu.dma_semaphore, #tpu.memory_space<semaphore_mem>>)
        %dma_wait3A = arith.constant 0 : i32
        %dma_wait3A_58 = tpu.memref_slice %arg6[%mul3A_49, %dma_wait3A] : memref<16x125xi32, #tpu.memory_space<vmem>> -> memref<1x125xi32, #tpu.memory_space<vmem>>
        %dma_wait3A_59 = tpu.memref_squeeze %dma_wait3A_58 : memref<1x125xi32, #tpu.memory_space<vmem>> -> memref<125xi32, #tpu.memory_space<vmem>>
        %dma_wait3A_60 = arith.constant 0 : i32
        %dma_wait3A_61 = arith.constant 0 : i32
        %dma_wait3A_62 = tpu.memref_slice %arg4[%dma_wait3A_60, %dma_wait3A_61] : memref<10000x128xf32, #tpu.memory_space<hbm>> -> memref<10000x128xf32, #tpu.memory_space<hbm>>
        tpu.wait_indirect_dma semaphore(%arg12 : memref<!tpu.dma_semaphore, #tpu.memory_space<semaphore_mem>>) src(%dma_wait3A_62 : memref<10000x128xf32, #tpu.memory_space<hbm>>) dst(%arg9 : memref<125x128xf32, #tpu.memory_space<vmem>>)
        "tpu.region"() ({
          %run_scoped3A = tpu.sem_alloc : memref<!tpu.dma_semaphore, #tpu.memory_space<semaphore_mem>>
          %dma_start3A_78 = arith.constant 0 : i32
          %dma_start3A_79 = tpu.memref_slice %arg7[%mul3A_49, %dma_start3A_78] : memref<16x125xi32, #tpu.memory_space<vmem>> -> memref<1x125xi32, #tpu.memory_space<vmem>>
          %dma_start3A_80 = tpu.memref_squeeze %dma_start3A_79 : memref<1x125xi32, #tpu.memory_space<vmem>> -> memref<125xi32, #tpu.memory_space<vmem>>
          %dma_start3A_81 = arith.constant 0 : i32
          %dma_start3A_82 = arith.constant 0 : i32
          %dma_start3A_83 = tpu.memref_slice %arg11[%dma_start3A_81, %dma_start3A_82] : memref<10112x128xf32, #tpu.memory_space<vmem_shared>> -> memref<10112x128xf32, #tpu.memory_space<vmem_shared>>
          tpu.enqueue_indirect_dma source(%arg9 : memref<125x128xf32, #tpu.memory_space<vmem>>) target(%dma_start3A_83 : memref<10112x128xf32, #tpu.memory_space<vmem_shared>>) offsets(%dma_start3A_80 : memref<125xi32, #tpu.memory_space<vmem>>) semaphore(%run_scoped3A : memref<!tpu.dma_semaphore, #tpu.memory_space<semaphore_mem>>) {add = true}
          %dma_wait3A_84 = arith.constant 0 : i32
          %dma_wait3A_85 = tpu.memref_slice %arg7[%mul3A_49, %dma_wait3A_84] : memref<16x125xi32, #tpu.memory_space<vmem>> -> memref<1x125xi32, #tpu.memory_space<vmem>>
          %dma_wait3A_86 = tpu.memref_squeeze %dma_wait3A_85 : memref<1x125xi32, #tpu.memory_space<vmem>> -> memref<125xi32, #tpu.memory_space<vmem>>
          %dma_wait3A_87 = arith.constant 0 : i32
          %dma_wait3A_88 = arith.constant 0 : i32
          %dma_wait3A_89 = tpu.memref_slice %arg11[%dma_wait3A_87, %dma_wait3A_88] : memref<10112x128xf32, #tpu.memory_space<vmem_shared>> -> memref<10112x128xf32, #tpu.memory_space<vmem_shared>>
          tpu.wait_indirect_dma semaphore(%run_scoped3A : memref<!tpu.dma_semaphore, #tpu.memory_space<semaphore_mem>>) src(%arg9 : memref<125x128xf32, #tpu.memory_space<vmem>>) dst(%dma_wait3A_89 : memref<10112x128xf32, #tpu.memory_space<vmem_shared>>)
          tpu.yield
        }) : () -> ()
        %add3A_63 = arith.constant 1 : i32
        %add3A_64 = arith.addi %scan3A_46, %add3A_63 : i32
        %lt3A = arith.constant 8 : i32
        %lt3A_65 = arith.cmpi slt, %add3A_64, %lt3A : i32
        %convert_element_type3A = arith.extui %lt3A_65 : i1 to i32
        %cond3A = arith.constant 0 : i32
        %cond3A_66 = arith.cmpi ne, %convert_element_type3A, %cond3A : i32
        scf.if %cond3A_66 {
          %add3A_78 = arith.constant 2 : i32
          %add3A_79 = arith.addi %mul3A_49, %add3A_78 : i32
          %dma_start3A_80 = arith.constant 0 : i32
          %dma_start3A_81 = tpu.memref_slice %arg6[%add3A_79, %dma_start3A_80] : memref<16x125xi32, #tpu.memory_space<vmem>> -> memref<1x125xi32, #tpu.memory_space<vmem>>
          %dma_start3A_82 = tpu.memref_squeeze %dma_start3A_81 : memref<1x125xi32, #tpu.memory_space<vmem>> -> memref<125xi32, #tpu.memory_space<vmem>>
          %dma_start3A_83 = arith.constant 0 : i32
          %dma_start3A_84 = arith.constant 0 : i32
          %dma_start3A_85 = tpu.memref_slice %arg4[%dma_start3A_83, %dma_start3A_84] : memref<10000x128xf32, #tpu.memory_space<hbm>> -> memref<10000x128xf32, #tpu.memory_space<hbm>>
          tpu.enqueue_indirect_dma source(%dma_start3A_85 : memref<10000x128xf32, #tpu.memory_space<hbm>>) target(%arg9 : memref<125x128xf32, #tpu.memory_space<vmem>>) offsets(%dma_start3A_82 : memref<125xi32, #tpu.memory_space<vmem>>) semaphore(%arg12 : memref<!tpu.dma_semaphore, #tpu.memory_space<semaphore_mem>>)
        } else {
        }
        %add3A_67 = arith.constant 1 : i32
        %add3A_68 = arith.addi %mul3A_49, %add3A_67 : i32
        %dma_wait3A_69 = arith.constant 0 : i32
        %dma_wait3A_70 = tpu.memref_slice %arg6[%add3A_68, %dma_wait3A_69] : memref<16x125xi32, #tpu.memory_space<vmem>> -> memref<1x125xi32, #tpu.memory_space<vmem>>
        %dma_wait3A_71 = tpu.memref_squeeze %dma_wait3A_70 : memref<1x125xi32, #tpu.memory_space<vmem>> -> memref<125xi32, #tpu.memory_space<vmem>>
        %dma_wait3A_72 = arith.constant 0 : i32
        %dma_wait3A_73 = arith.constant 0 : i32
        %dma_wait3A_74 = tpu.memref_slice %arg4[%dma_wait3A_72, %dma_wait3A_73] : memref<10000x128xf32, #tpu.memory_space<hbm>> -> memref<10000x128xf32, #tpu.memory_space<hbm>>
        tpu.wait_indirect_dma semaphore(%arg13 : memref<!tpu.dma_semaphore, #tpu.memory_space<semaphore_mem>>) src(%dma_wait3A_74 : memref<10000x128xf32, #tpu.memory_space<hbm>>) dst(%arg10 : memref<125x128xf32, #tpu.memory_space<vmem>>)
        %add3A_75 = arith.constant 1 : i32
        %add3A_76 = arith.addi %mul3A_49, %add3A_75 : i32
        "tpu.region"() ({
          %run_scoped3A = tpu.sem_alloc : memref<!tpu.dma_semaphore, #tpu.memory_space<semaphore_mem>>
          %dma_start3A_78 = arith.constant 0 : i32
          %dma_start3A_79 = tpu.memref_slice %arg7[%add3A_76, %dma_start3A_78] : memref<16x125xi32, #tpu.memory_space<vmem>> -> memref<1x125xi32, #tpu.memory_space<vmem>>
          %dma_start3A_80 = tpu.memref_squeeze %dma_start3A_79 : memref<1x125xi32, #tpu.memory_space<vmem>> -> memref<125xi32, #tpu.memory_space<vmem>>
          %dma_start3A_81 = arith.constant 0 : i32
          %dma_start3A_82 = arith.constant 0 : i32
          %dma_start3A_83 = tpu.memref_slice %arg11[%dma_start3A_81, %dma_start3A_82] : memref<10112x128xf32, #tpu.memory_space<vmem_shared>> -> memref<10112x128xf32, #tpu.memory_space<vmem_shared>>
          tpu.enqueue_indirect_dma source(%arg10 : memref<125x128xf32, #tpu.memory_space<vmem>>) target(%dma_start3A_83 : memref<10112x128xf32, #tpu.memory_space<vmem_shared>>) offsets(%dma_start3A_80 : memref<125xi32, #tpu.memory_space<vmem>>) semaphore(%run_scoped3A : memref<!tpu.dma_semaphore, #tpu.memory_space<semaphore_mem>>) {add = true}
          %dma_wait3A_84 = arith.constant 0 : i32
          %dma_wait3A_85 = tpu.memref_slice %arg7[%add3A_76, %dma_wait3A_84] : memref<16x125xi32, #tpu.memory_space<vmem>> -> memref<1x125xi32, #tpu.memory_space<vmem>>
          %dma_wait3A_86 = tpu.memref_squeeze %dma_wait3A_85 : memref<1x125xi32, #tpu.memory_space<vmem>> -> memref<125xi32, #tpu.memory_space<vmem>>
          %dma_wait3A_87 = arith.constant 0 : i32
          %dma_wait3A_88 = arith.constant 0 : i32
          %dma_wait3A_89 = tpu.memref_slice %arg11[%dma_wait3A_87, %dma_wait3A_88] : memref<10112x128xf32, #tpu.memory_space<vmem_shared>> -> memref<10112x128xf32, #tpu.memory_space<vmem_shared>>
          tpu.wait_indirect_dma semaphore(%run_scoped3A : memref<!tpu.dma_semaphore, #tpu.memory_space<semaphore_mem>>) src(%arg10 : memref<125x128xf32, #tpu.memory_space<vmem>>) dst(%dma_wait3A_89 : memref<10112x128xf32, #tpu.memory_space<vmem_shared>>)
          tpu.yield
        }) : () -> ()
        %scan3A_77 = arith.constant 0 : i32
        scf.yield %scan3A_77 : i32
      }
      %scan3A_44 = arith.constant 8 : i32
      %scan3A_45 = arith.constant 0 : i32
      scf.yield %scan3A_45 : i32
    }
    %scan3A_20 = arith.constant 5 : i32
    %barrier3A_21 = arith.constant 0 : index
    tpu.barrier barrier_id(%barrier3A_21)
    %mul3A_22 = arith.constant 632 : i32
    %mul3A_23 = arith.muli %arg1, %mul3A_22 : i32
    %mul3A_24 = arith.constant 632 : i32
    %mul3A_25 = arith.muli %arg1, %mul3A_24 : i32
    "tpu.region"() ({
      %run_scoped3A = tpu.sem_alloc : memref<!tpu.dma_semaphore, #tpu.memory_space<semaphore_mem>>
      %dma_start3A = arith.constant 0 : i32
      %dma_start3A_26 = tpu.memref_slice %arg5[%arg0, %mul3A_25, %dma_start3A] : memref<2x10112x128xf32, #tpu.memory_space<hbm>> -> memref<1x632x128xf32, #tpu.memory_space<hbm>>
      %dma_start3A_27 = tpu.memref_squeeze %dma_start3A_26 : memref<1x632x128xf32, #tpu.memory_space<hbm>> -> memref<632x128xf32, #tpu.memory_space<hbm>>
      %dma_start3A_28 = arith.constant 0 : i32
      %dma_start3A_29 = tpu.memref_slice %arg11[%mul3A_23, %dma_start3A_28] : memref<10112x128xf32, #tpu.memory_space<vmem_shared>> -> memref<632x128xf32, #tpu.memory_space<vmem_shared>>
      tpu.enqueue_dma source(%dma_start3A_29 : memref<632x128xf32, #tpu.memory_space<vmem_shared>>) target(%dma_start3A_27 : memref<632x128xf32, #tpu.memory_space<hbm>>) target_semaphore(%run_scoped3A : memref<!tpu.dma_semaphore, #tpu.memory_space<semaphore_mem>>)
      %dma_wait3A = arith.constant 0 : i32
      %dma_wait3A_30 = tpu.memref_slice %arg5[%arg0, %mul3A_25, %dma_wait3A] : memref<2x10112x128xf32, #tpu.memory_space<hbm>> -> memref<1x632x128xf32, #tpu.memory_space<hbm>>
      %dma_wait3A_31 = tpu.memref_squeeze %dma_wait3A_30 : memref<1x632x128xf32, #tpu.memory_space<hbm>> -> memref<632x128xf32, #tpu.memory_space<hbm>>
      %dma_wait3A_32 = arith.constant 0 : i32
      %dma_wait3A_33 = tpu.memref_slice %arg11[%mul3A_23, %dma_wait3A_32] : memref<10112x128xf32, #tpu.memory_space<vmem_shared>> -> memref<632x128xf32, #tpu.memory_space<vmem_shared>>
      tpu.wait_dma2 semaphore(%run_scoped3A : memref<!tpu.dma_semaphore, #tpu.memory_space<semaphore_mem>>) src(%dma_wait3A_33 : memref<632x128xf32, #tpu.memory_space<vmem_shared>>) dst(%dma_wait3A_31 : memref<632x128xf32, #tpu.memory_space<hbm>>)
      tpu.yield
    }) : () -> ()
    return
  }
}

module attributes {stable_mosaic.version = 14 : i64} {
  func.func @_tc_in_body(%arg0: i32, %arg1: memref<1000x128xf32, #tpu.memory_space<vmem>>, %arg2: memref<1000x1xf32, #tpu.memory_space<vmem>>, %arg3: memref<128x128xf32, #tpu.memory_space<vmem>>, %arg4: memref<1000x128xf32, #tpu.memory_space<vmem>>) attributes {dimension_semantics = [#tpu.dimension_semantics<arbitrary>], iteration_bounds = array<i64: 10>, scalar_prefetch = 0 : i64, scratch_operands = 0 : i64, tpu.core_type = #tpu.core_type<tc>, window_params = [{transform_indices = @transform_0, window_bounds = array<i64: 1000, 128>}, {transform_indices = @transform_1, window_bounds = array<i64: 1000, 1>}, {pipeline_mode = #tpu.pipeline_mode<synchronous>, transform_indices = @transform_2, window_bounds = array<i64: 128, 128>}, {transform_indices = @transform_3, window_bounds = array<i64: 1000, 128>}]} {
    %get3A = arith.constant 0 : index
    %get3A_0 = arith.constant 0 : index
    %get3A_1 = vector.load %arg2[%get3A, %get3A_0] : memref<1000x1xf32, #tpu.memory_space<vmem>>, vector<1000x1xf32>
    %get3A_2 = arith.constant 0 : index
    %get3A_3 = arith.constant 0 : index
    %get3A_4 = vector.load %arg1[%get3A_2, %get3A_3] : memref<1000x128xf32, #tpu.memory_space<vmem>>, vector<1000x128xf32>
    %get3A_5 = arith.constant 0 : index
    %get3A_6 = arith.constant 0 : index
    %get3A_7 = vector.load %arg3[%get3A_5, %get3A_6] : memref<128x128xf32, #tpu.memory_space<vmem>>, vector<128x128xf32>
    %dot_general3A = arith.constant dense<0.000000e+00> : vector<1000x128xf32>
    %dot_general3A_8 = tpu.matmul %get3A_4, %get3A_7, %dot_general3A {dimension_numbers = #tpu.dot_dimension_numbers<[1], [0], [0], [1], [0, 0, 1, 1], [], []>, transpose_lhs_hint = false} : vector<1000x128xf32>, vector<128x128xf32>, vector<1000x128xf32> -> vector<1000x128xf32>
    %mul3A = vector.broadcast %get3A_1 : vector<1000x1xf32> to vector<1000x128xf32>
    %mul3A_9 = arith.mulf %mul3A, %dot_general3A_8 : vector<1000x128xf32>
    %swap3A = arith.constant 0 : index
    %swap3A_10 = arith.constant 0 : index
    %swap3A_11 = vector.load %arg4[%swap3A, %swap3A_10] : memref<1000x128xf32, #tpu.memory_space<vmem>>, vector<1000x128xf32>
    tpu.vector_store %arg4[%swap3A, %swap3A_10], %mul3A_9 {strides = array<i32>} : memref<1000x128xf32, #tpu.memory_space<vmem>>, vector<1000x128xf32>,
    return
  }
  func.func @transform_0(%arg0: i32) -> (i32, i32) {
    %c0_i32 = arith.constant 0 : i32
    %c0_i32_0 = arith.constant 0 : i32
    return %arg0, %c0_i32 : i32, i32
  }
  func.func @transform_1(%arg0: i32) -> (i32, i32) {
    %c0_i32 = arith.constant 0 : i32
    %c0_i32_0 = arith.constant 0 : i32
    return %arg0, %c0_i32 : i32, i32
  }
  func.func @transform_2(%arg0: i32) -> (i32, i32) {
    %c0_i32 = arith.constant 0 : i32
    %c0_i32_0 = arith.constant 0 : i32
    %c0_i32_1 = arith.constant 0 : i32
    return %c0_i32, %c0_i32_0 : i32, i32
  }
  func.func @transform_3(%arg0: i32) -> (i32, i32) {
    %c0_i32 = arith.constant 0 : i32
    %c0_i32_0 = arith.constant 0 : i32
    return %arg0, %c0_i32 : i32, i32
  }
}

module attributes {stable_mosaic.version = 14 : i64} {
  func.func @_tc_mid_body(%arg0: i32, %arg1: memref<1000x128xf32, #tpu.memory_space<vmem>>, %arg2: memref<1000x128xf32, #tpu.memory_space<vmem>>, %arg3: memref<1000x128xf32, #tpu.memory_space<vmem>>, %arg4: memref<1000x1xf32, #tpu.memory_space<vmem>>, %arg5: memref<1x128xf32, #tpu.memory_space<vmem>>, %arg6: memref<128x128xf32, #tpu.memory_space<vmem>>, %arg7: memref<1000x128xf32, #tpu.memory_space<vmem>>) attributes {dimension_semantics = [#tpu.dimension_semantics<arbitrary>], iteration_bounds = array<i64: 10>, scalar_prefetch = 0 : i64, scratch_operands = 0 : i64, tpu.core_type = #tpu.core_type<tc>, window_params = [{transform_indices = @transform_0, window_bounds = array<i64: 1000, 128>}, {transform_indices = @transform_1, window_bounds = array<i64: 1000, 128>}, {transform_indices = @transform_2, window_bounds = array<i64: 1000, 128>}, {transform_indices = @transform_3, window_bounds = array<i64: 1000, 1>}, {pipeline_mode = #tpu.pipeline_mode<synchronous>, transform_indices = @transform_4, window_bounds = array<i64: 1, 128>}, {pipeline_mode = #tpu.pipeline_mode<synchronous>, transform_indices = @transform_5, window_bounds = array<i64: 128, 128>}, {transform_indices = @transform_6, window_bounds = array<i64: 1000, 128>}]} {
    %get3A = arith.constant 0 : index
    %get3A_0 = arith.constant 0 : index
    %get3A_1 = vector.load %arg4[%get3A, %get3A_0] : memref<1000x1xf32, #tpu.memory_space<vmem>>, vector<1000x1xf32>
    %get3A_2 = arith.constant 0 : index
    %get3A_3 = arith.constant 0 : index
    %get3A_4 = vector.load %arg1[%get3A_2, %get3A_3] : memref<1000x128xf32, #tpu.memory_space<vmem>>, vector<1000x128xf32>
    %get3A_5 = arith.constant 0 : index
    %get3A_6 = arith.constant 0 : index
    %get3A_7 = vector.load %arg2[%get3A_5, %get3A_6] : memref<1000x128xf32, #tpu.memory_space<vmem>>, vector<1000x128xf32>
    %add3A = arith.addf %get3A_4, %get3A_7 : vector<1000x128xf32>
    %get3A_8 = arith.constant 0 : index
    %get3A_9 = arith.constant 0 : index
    %get3A_10 = vector.load %arg3[%get3A_8, %get3A_9] : memref<1000x128xf32, #tpu.memory_space<vmem>>, vector<1000x128xf32>
    %add3A_11 = arith.addf %add3A, %get3A_10 : vector<1000x128xf32>
    %mul3A = vector.broadcast %get3A_1 : vector<1000x1xf32> to vector<1000x128xf32>
    %mul3A_12 = arith.mulf %mul3A, %add3A_11 : vector<1000x128xf32>
    %get3A_13 = arith.constant 0 : index
    %get3A_14 = arith.constant 0 : index
    %get3A_15 = vector.load %arg5[%get3A_13, %get3A_14] : memref<1x128xf32, #tpu.memory_space<vmem>>, vector<1x128xf32>
    %add3A_16 = vector.broadcast %get3A_15 : vector<1x128xf32> to vector<1000x128xf32>
    %add3A_17 = arith.addf %mul3A_12, %add3A_16 : vector<1000x128xf32>
    %max3A = arith.constant 0.000000e+00 : f32
    %max3A_18 = vector.broadcast %max3A : f32 to vector<1000x128xf32>
    %max3A_19 = arith.maximumf %add3A_17, %max3A_18 : vector<1000x128xf32>
    %get3A_20 = arith.constant 0 : index
    %get3A_21 = arith.constant 0 : index
    %get3A_22 = vector.load %arg4[%get3A_20, %get3A_21] : memref<1000x1xf32, #tpu.memory_space<vmem>>, vector<1000x1xf32>
    %get3A_23 = arith.constant 0 : index
    %get3A_24 = arith.constant 0 : index
    %get3A_25 = vector.load %arg6[%get3A_23, %get3A_24] : memref<128x128xf32, #tpu.memory_space<vmem>>, vector<128x128xf32>
    %dot_general3A = arith.constant dense<0.000000e+00> : vector<1000x128xf32>
    %dot_general3A_26 = tpu.matmul %max3A_19, %get3A_25, %dot_general3A {dimension_numbers = #tpu.dot_dimension_numbers<[1], [0], [0], [1], [0, 0, 1, 1], [], []>, transpose_lhs_hint = false} : vector<1000x128xf32>, vector<128x128xf32>, vector<1000x128xf32> -> vector<1000x128xf32>
    %mul3A_27 = vector.broadcast %get3A_22 : vector<1000x1xf32> to vector<1000x128xf32>
    %mul3A_28 = arith.mulf %mul3A_27, %dot_general3A_26 : vector<1000x128xf32>
    %swap3A = arith.constant 0 : index
    %swap3A_29 = arith.constant 0 : index
    %swap3A_30 = vector.load %arg7[%swap3A, %swap3A_29] : memref<1000x128xf32, #tpu.memory_space<vmem>>, vector<1000x128xf32>
    tpu.vector_store %arg7[%swap3A, %swap3A_29], %mul3A_28 {strides = array<i32>} : memref<1000x128xf32, #tpu.memory_space<vmem>>, vector<1000x128xf32>,
    return
  }
  func.func @transform_0(%arg0: i32) -> (i32, i32) {
    %c0_i32 = arith.constant 0 : i32
    %c0_i32_0 = arith.constant 0 : i32
    return %arg0, %c0_i32 : i32, i32
  }
  func.func @transform_1(%arg0: i32) -> (i32, i32) {
    %c0_i32 = arith.constant 0 : i32
    %c0_i32_0 = arith.constant 0 : i32
    return %arg0, %c0_i32 : i32, i32
  }
  func.func @transform_2(%arg0: i32) -> (i32, i32) {
    %c0_i32 = arith.constant 0 : i32
    %c0_i32_0 = arith.constant 0 : i32
    return %arg0, %c0_i32 : i32, i32
  }
  func.func @transform_3(%arg0: i32) -> (i32, i32) {
    %c0_i32 = arith.constant 0 : i32
    %c0_i32_0 = arith.constant 0 : i32
    return %arg0, %c0_i32 : i32, i32
  }
  func.func @transform_4(%arg0: i32) -> (i32, i32) {
    %c0_i32 = arith.constant 0 : i32
    %c0_i32_0 = arith.constant 0 : i32
    %c0_i32_1 = arith.constant 0 : i32
    return %c0_i32, %c0_i32_0 : i32, i32
  }
  func.func @transform_5(%arg0: i32) -> (i32, i32) {
    %c0_i32 = arith.constant 0 : i32
    %c0_i32_0 = arith.constant 0 : i32
    %c0_i32_1 = arith.constant 0 : i32
    return %c0_i32, %c0_i32_0 : i32, i32
  }
  func.func @transform_6(%arg0: i32) -> (i32, i32) {
    %c0_i32 = arith.constant 0 : i32
    %c0_i32_0 = arith.constant 0 : i32
    return %arg0, %c0_i32 : i32, i32
  }
}

module attributes {stable_mosaic.version = 14 : i64} {
  func.func @_tc_out_body(%arg0: i32, %arg1: memref<1000x128xf32, #tpu.memory_space<vmem>>, %arg2: memref<1000x128xf32, #tpu.memory_space<vmem>>, %arg3: memref<1000x128xf32, #tpu.memory_space<vmem>>, %arg4: memref<1000x1xf32, #tpu.memory_space<vmem>>, %arg5: memref<1x128xf32, #tpu.memory_space<vmem>>, %arg6: memref<128x128xf32, #tpu.memory_space<vmem>>, %arg7: memref<1x128xf32, #tpu.memory_space<vmem>>, %arg8: memref<1000x128xf32, #tpu.memory_space<vmem>>) attributes {dimension_semantics = [#tpu.dimension_semantics<arbitrary>], iteration_bounds = array<i64: 10>, scalar_prefetch = 0 : i64, scratch_operands = 0 : i64, tpu.core_type = #tpu.core_type<tc>, window_params = [{transform_indices = @transform_0, window_bounds = array<i64: 1000, 128>}, {transform_indices = @transform_1, window_bounds = array<i64: 1000, 128>}, {transform_indices = @transform_2, window_bounds = array<i64: 1000, 128>}, {transform_indices = @transform_3, window_bounds = array<i64: 1000, 1>}, {pipeline_mode = #tpu.pipeline_mode<synchronous>, transform_indices = @transform_4, window_bounds = array<i64: 1, 128>}, {pipeline_mode = #tpu.pipeline_mode<synchronous>, transform_indices = @transform_5, window_bounds = array<i64: 128, 128>}, {pipeline_mode = #tpu.pipeline_mode<synchronous>, transform_indices = @transform_6, window_bounds = array<i64: 1, 128>}, {transform_indices = @transform_7, window_bounds = array<i64: 1000, 128>}]} {
    %get3A = arith.constant 0 : index
    %get3A_0 = arith.constant 0 : index
    %get3A_1 = vector.load %arg4[%get3A, %get3A_0] : memref<1000x1xf32, #tpu.memory_space<vmem>>, vector<1000x1xf32>
    %get3A_2 = arith.constant 0 : index
    %get3A_3 = arith.constant 0 : index
    %get3A_4 = vector.load %arg1[%get3A_2, %get3A_3] : memref<1000x128xf32, #tpu.memory_space<vmem>>, vector<1000x128xf32>
    %get3A_5 = arith.constant 0 : index
    %get3A_6 = arith.constant 0 : index
    %get3A_7 = vector.load %arg2[%get3A_5, %get3A_6] : memref<1000x128xf32, #tpu.memory_space<vmem>>, vector<1000x128xf32>
    %add3A = arith.addf %get3A_4, %get3A_7 : vector<1000x128xf32>
    %get3A_8 = arith.constant 0 : index
    %get3A_9 = arith.constant 0 : index
    %get3A_10 = vector.load %arg3[%get3A_8, %get3A_9] : memref<1000x128xf32, #tpu.memory_space<vmem>>, vector<1000x128xf32>
    %add3A_11 = arith.addf %add3A, %get3A_10 : vector<1000x128xf32>
    %mul3A = vector.broadcast %get3A_1 : vector<1000x1xf32> to vector<1000x128xf32>
    %mul3A_12 = arith.mulf %mul3A, %add3A_11 : vector<1000x128xf32>
    %get3A_13 = arith.constant 0 : index
    %get3A_14 = arith.constant 0 : index
    %get3A_15 = vector.load %arg5[%get3A_13, %get3A_14] : memref<1x128xf32, #tpu.memory_space<vmem>>, vector<1x128xf32>
    %add3A_16 = vector.broadcast %get3A_15 : vector<1x128xf32> to vector<1000x128xf32>
    %add3A_17 = arith.addf %mul3A_12, %add3A_16 : vector<1000x128xf32>
    %max3A = arith.constant 0.000000e+00 : f32
    %max3A_18 = vector.broadcast %max3A : f32 to vector<1000x128xf32>
    %max3A_19 = arith.maximumf %add3A_17, %max3A_18 : vector<1000x128xf32>
    %get3A_20 = arith.constant 0 : index
    %get3A_21 = arith.constant 0 : index
    %get3A_22 = vector.load %arg6[%get3A_20, %get3A_21] : memref<128x128xf32, #tpu.memory_space<vmem>>, vector<128x128xf32>
    %dot_general3A = arith.constant dense<0.000000e+00> : vector<1000x128xf32>
    %dot_general3A_23 = tpu.matmul %max3A_19, %get3A_22, %dot_general3A {dimension_numbers = #tpu.dot_dimension_numbers<[1], [0], [0], [1], [0, 0, 1, 1], [], []>, transpose_lhs_hint = false} : vector<1000x128xf32>, vector<128x128xf32>, vector<1000x128xf32> -> vector<1000x128xf32>
    %get3A_24 = arith.constant 0 : index
    %get3A_25 = arith.constant 0 : index
    %get3A_26 = vector.load %arg7[%get3A_24, %get3A_25] : memref<1x128xf32, #tpu.memory_space<vmem>>, vector<1x128xf32>
    %add3A_27 = vector.broadcast %get3A_26 : vector<1x128xf32> to vector<1000x128xf32>
    %add3A_28 = arith.addf %dot_general3A_23, %add3A_27 : vector<1000x128xf32>
    %reduce_max3A = arith.constant dense<0xFF800000> : vector<1000xf32>
    %reduce_max3A_29 = vector.multi_reduction <maximumf>, %add3A_28, %reduce_max3A [1] : vector<1000x128xf32> to vector<1000xf32>
    %broadcast_in_dim3A = vector.shape_cast %reduce_max3A_29 : vector<1000xf32> to vector<1000x1xf32>
    %sub3A = vector.broadcast %broadcast_in_dim3A : vector<1000x1xf32> to vector<1000x128xf32>
    %sub3A_30 = arith.subf %add3A_28, %sub3A : vector<1000x128xf32>
    %exp3A = math.exp %sub3A_30 : vector<1000x128xf32>
    %reduce_sum3A = arith.constant dense<0.000000e+00> : vector<1000xf32>
    %reduce_sum3A_31 = vector.multi_reduction <add>, %exp3A, %reduce_sum3A [1] : vector<1000x128xf32> to vector<1000xf32>
    %broadcast_in_dim3A_32 = vector.shape_cast %reduce_sum3A_31 : vector<1000xf32> to vector<1000x1xf32>
    %div3A = vector.broadcast %broadcast_in_dim3A_32 : vector<1000x1xf32> to vector<1000x128xf32>
    %div3A_33 = arith.divf %exp3A, %div3A : vector<1000x128xf32>
    %swap3A = arith.constant 0 : index
    %swap3A_34 = arith.constant 0 : index
    %swap3A_35 = vector.load %arg8[%swap3A, %swap3A_34] : memref<1000x128xf32, #tpu.memory_space<vmem>>, vector<1000x128xf32>
    tpu.vector_store %arg8[%swap3A, %swap3A_34], %div3A_33 {strides = array<i32>} : memref<1000x128xf32, #tpu.memory_space<vmem>>, vector<1000x128xf32>,
    return
  }
  func.func @transform_0(%arg0: i32) -> (i32, i32) {
    %c0_i32 = arith.constant 0 : i32
    %c0_i32_0 = arith.constant 0 : i32
    return %arg0, %c0_i32 : i32, i32
  }
  func.func @transform_1(%arg0: i32) -> (i32, i32) {
    %c0_i32 = arith.constant 0 : i32
    %c0_i32_0 = arith.constant 0 : i32
    return %arg0, %c0_i32 : i32, i32
  }
  func.func @transform_2(%arg0: i32) -> (i32, i32) {
    %c0_i32 = arith.constant 0 : i32
    %c0_i32_0 = arith.constant 0 : i32
    return %arg0, %c0_i32 : i32, i32
  }
  func.func @transform_3(%arg0: i32) -> (i32, i32) {
    %c0_i32 = arith.constant 0 : i32
    %c0_i32_0 = arith.constant 0 : i32
    return %arg0, %c0_i32 : i32, i32
  }
  func.func @transform_4(%arg0: i32) -> (i32, i32) {
    %c0_i32 = arith.constant 0 : i32
    %c0_i32_0 = arith.constant 0 : i32
    %c0_i32_1 = arith.constant 0 : i32
    return %c0_i32, %c0_i32_0 : i32, i32
  }
  func.func @transform_5(%arg0: i32) -> (i32, i32) {
    %c0_i32 = arith.constant 0 : i32
    %c0_i32_0 = arith.constant 0 : i32
    %c0_i32_1 = arith.constant 0 : i32
    return %c0_i32, %c0_i32_0 : i32, i32
  }
  func.func @transform_6(%arg0: i32) -> (i32, i32) {
    %c0_i32 = arith.constant 0 : i32
    %c0_i32_0 = arith.constant 0 : i32
    %c0_i32_1 = arith.constant 0 : i32
    return %c0_i32, %c0_i32_0 : i32, i32
  }
  func.func @transform_7(%arg0: i32) -> (i32, i32) {
    %c0_i32 = arith.constant 0 : i32
    %c0_i32_0 = arith.constant 0 : i32
    return %arg0, %c0_i32 : i32, i32
  }
}

</mosaic_0001>

<sc_bundles>
// kernel: kernel.10.cloned.1.call-start
scs
__scs_entry_jumppad:
0x0: {  	(pc) =	sbr.rel $0x88, $3  }
0x1: {  	(tag) =	ssettag $0x0;
	lr =	simm.s32 $0x1  }
0x2: {  	[smem:$0x3F97] =	sst lr;
	_ =	strace $0xD0000000  }
0x3: {  	_ = 	snop  }
0x4: {  	_ = 	snop  }
0x5: {  	_ = 	snop  }
0x6: {  	_ = 	snop  }
0x7: {  	_ = 	snop  }
__scs_overlays_trampoline_lowered:
0x8: {  	[smem:$0x3FA6] =	sst s0  }
0x9: {  	[smem:$0x3FA7] =	sst s1  }
0xa: {  	[smem:$0x3FA8] =	sst s2  }
0xb: {  	[smem:$0x3FA9] =	sst s3  }
0xc: {  	[smem:$0x3FAA] =	sst s4  }
0xd: {  	[smem:$0x3FAB] =	sst s5  }
0xe: {  	[smem:$0x3FAC] =	sst s6  }
0xf: {  	[smem:$0x3FAD] =	sst s7  }
0x10: {  	[smem:$0x3FAE] =	sst s8  }
0x11: {  	[smem:$0x3FAF] =	sst s9;
	s0 =	simm.s32 @!p0 $0x0  }
0x12: {  	s1 =	sld [smem:$0x3F95];
	s0 =	simm.s32 @p0 $0x1  }
0x13: {  	[smem:$0x3FB0] =	sst s0;
	s0 =	simm.s32 @!p1 $0x0  }
0x14: {  	s2 =	sld [smem:$0x3F94];
	s0 =	simm.s32 @p1 $0x1  }
0x15: {  	[smem:$0x3FB1] =	sst s0;
	s0 =	simm.s32 @!p2 $0x0  }
0x16: {  	s3 =	sld [smem:$0x3FDB];
	s0 =	simm.s32 @p2 $0x1  }
0x17: {  	s4 =	simm.s32 $0x1BF5;
	[smem:$0x3FB3] =	sst s0  }
0x18: {  	s0 =	sld [smem:$0x3F96];
	_ =	swait.ge [sflag:s4], $0x0  }
0x19: {  	s7 =	sld [smem:$0x3F97]  }
0x1a: {  	s8 =	sadd.s32 $0xFFFFE003, lr  }
0x1b: {  	s9 =	sadd.s32 $0xFFFFFEF7, lr;
	s5 =	simm.s32 $0xFFFFFFFF;
	p2 =	slt.u32 s8, $0xFFFFF086  }
0x1c: {  	p1 =	slt.u32 s9, $0xF7A;
	s5 =	simm.s32 @!p2 $0x0  }
0x1d: {  	s5 =	simm.s32 @p1 $0x1;
	p0 =	seq.s32 s7, s2  }
0x1e: {  	s7 =	smul.u32 @!p0 $0xF7A, s2;
	p2 =	seq.s32 @!p0 s5, $0x0  }
0x1f: {  	s9 =	smul.u32 $0xF7A, s1;
	s8 =	simm.s32 @!p0 $0x1BF5;
	p2 =	por !p2, p0  }
0x20: {  	[sflag:s8] =	ssyncset.s32 @!p0 $0xFFFFF086;
	s6 =	sadd.s32 @!p0 s3, s7;
	s7 =	simm.s32 @!p0 $0x108  }
0x21: {  	s3 =	sadd.s32 s3, s9;
	s6 =	sadd.s32 @!p0 $0x88, s6;
	s7 =	simm.s32 @p2 $0x1082  }
0x22: {  	[simem:s7], [sflag:s8] =	dma.local @!p0 [hbm:s6], $0xF7A  }
0x23: {  	s9 =	sor.u32 $0xD0000000, s2;
	s6 =	simm.s32 $0x108;
	_ =	swait.ge @!p0 [sflag:s8], $0x0  }
0x24: {  	s3 =	sadd.s32 $0x88, s3;
	s6 =	simm.s32 @!p1 $0x1082;
	[sflag:s4] =	ssyncset.s32 $0xFFFFF086  }
0x25: {  	[simem:s6], [sflag:s4] =	dma.local [hbm:s3], $0xF7A  }
0x26: {  	[smem:$0x3F97] =	sst s1;
	(tag) =	ssettag s2;
	_ =	strace s9  }
0x27: {  	s1 =	sld [smem:$0x3FA7]  }
0x28: {  	s2 =	sld [smem:$0x3FA8]  }
0x29: {  	s4 =	sld [smem:$0x3FAA]  }
0x2a: {  	p0 =	seq.s32 s5, $0x0;
	s5 =	sld [smem:$0x3FAB]  }
0x2b: {  	s6 =	sld [smem:$0x3FAC]  }
0x2c: {  	s7 =	sld [smem:$0x3FAD]  }
0x2d: {  	s3 =	simm.s32 $0x108;
	s8 =	sld [smem:$0x3FAE]  }
0x2e: {  	s3 =	simm.s32 @!p0 $0x1082;
	s9 =	sld [smem:$0x3FAF]  }
0x2f: {  	lr =	sadd.s32 s0, s3;
	s0 =	sld [smem:$0x3FA6]  }
0x30: {  	s3 =	sld [smem:$0x3FA9]  }
0x31: {  	[smem:$0x3FB2] =	sst s10  }
0x32: {  	s10 =	sld [smem:$0x3FB0];
	_ =	sdelay $0x3  }
0x33: {  	p0 =	seq.s32 s10, $0x1;
	s10 =	sld [smem:$0x3FB2];
	_ =	sdelay $0x3  }
0x34: {  	[smem:$0x3FB2] =	sst s10  }
0x35: {  	s10 =	sld [smem:$0x3FB1];
	_ =	sdelay $0x3  }
0x36: {  	p1 =	seq.s32 s10, $0x1;
	s10 =	sld [smem:$0x3FB2];
	_ =	sdelay $0x3  }
0x37: {  	[smem:$0x3FB2] =	sst s10  }
0x38: {  	s10 =	sld [smem:$0x3FB3]  }
0x39: {  	_ = 	snop;
	(pc) =	sbr.ind lr, $3  }
0x3a: {  	_ = 	snop  }
0x3b: {  	_ = 	snop  }
0x3c: {  	p2 =	seq.s32 s10, $0x1;
	s10 =	sld [smem:$0x3FB2]  }
0x3d: {  	_ =	shalt  }
0x3e: {  	_ =	shalt  }
0x3f: {  	_ =	shalt  }
0x40: {  	_ =	shalt  }
0x41: {  	_ =	shalt  }
0x42: {  	_ =	shalt  }
0x43: {  	_ =	shalt  }
0x44: {  	_ =	shalt  }
0x45: {  	_ =	shalt  }
0x46: {  	_ =	shalt  }
0x47: {  	_ =	shalt  }
0x48: {  	_ =	shalt  }
0x49: {  	_ =	shalt  }
0x4a: {  	_ =	shalt  }
0x4b: {  	_ =	shalt  }
0x4c: {  	_ =	shalt  }
0x4d: {  	_ =	shalt  }
0x4e: {  	_ =	shalt  }
0x4f: {  	_ =	shalt  }
0x50: {  	_ =	shalt  }
0x51: {  	_ =	shalt  }
0x52: {  	_ =	shalt  }
0x53: {  	_ =	shalt  }
0x54: {  	_ =	shalt  }
0x55: {  	_ =	shalt  }
0x56: {  	_ =	shalt  }
0x57: {  	_ =	shalt  }
0x58: {  	_ =	shalt  }
0x59: {  	_ =	shalt  }
0x5a: {  	_ =	shalt  }
0x5b: {  	_ =	shalt  }
0x5c: {  	_ =	shalt  }
0x5d: {  	_ =	shalt  }
0x5e: {  	_ =	shalt  }
0x5f: {  	_ =	shalt  }
0x60: {  	_ =	shalt  }
0x61: {  	_ =	shalt  }
0x62: {  	_ =	shalt  }
0x63: {  	_ =	shalt  }
0x64: {  	_ =	shalt  }
0x65: {  	_ =	shalt  }
0x66: {  	_ =	shalt  }
0x67: {  	_ =	shalt  }
0x68: {  	_ =	shalt  }
0x69: {  	_ =	shalt  }
0x6a: {  	_ =	shalt  }
0x6b: {  	_ =	shalt  }
0x6c: {  	_ =	shalt  }
0x6d: {  	_ =	shalt  }
0x6e: {  	_ =	shalt  }
0x6f: {  	_ =	shalt  }
0x70: {  	_ =	shalt  }
0x71: {  	_ =	shalt  }
0x72: {  	_ =	shalt  }
0x73: {  	_ =	shalt  }
0x74: {  	_ =	shalt  }
0x75: {  	_ =	shalt  }
0x76: {  	_ =	shalt  }
0x77: {  	_ =	shalt  }
0x78: {  	_ =	shalt  }
0x79: {  	_ =	shalt  }
0x7a: {  	_ =	shalt  }
0x7b: {  	_ =	shalt  }
0x7c: {  	_ =	shalt  }
0x7d: {  	_ =	shalt  }
0x7e: {  	_ =	shalt  }
0x7f: {  	_ =	shalt  }
0x80: {  	_ =	shalt  }
0x81: {  	_ =	shalt  }
0x82: {  	_ =	shalt  }
0x83: {  	_ =	shalt  }
0x84: {  	_ =	shalt  }
0x85: {  	_ =	shalt  }
0x86: {  	_ =	shalt  }
0x87: {  	_ =	shalt  }
.Lfunc_end0:
.L_simem_size_0:
called_computation_lowered:
.L_overlay_start_0:
0x88: {  	s2 =	sld [smem:$0x3FD9]  }
0x89: {  	s3 =	sld [smem:$0x3FFE];
	_ =	sdelay $0x1  }
0x8a: {  	s1 =	srdreg.scid  }
0x8b: {  	s0 =	sand.u32 $0x1, s1  }
0x8c: {  	s16 =	sshll.u32 s0, $0xA;
	s2 =	sadd.s32 s3, s2  }
0x8d: {  	s2 =	sadd.s32 s2, s16  }
0x8e: {  	[smem:$0x3FBE] =	sst s2  }
0x8f: {  	_ = 	snop  }
0x90: {  	(tm) =	ssettm $0x1  }
0x91: {  	s17 =	sld [smem:$0x3FFB];
	_ =	sdelay $0x3  }
0x92: {  	_ =	strace s17  }
0x93: {  	s2 =	sld [smem:$0x3FFC];
	_ =	sdelay $0x3  }
0x94: {  	_ =	strace s2  }
0x95: {  	s2 =	sld [smem:$0x3FFD];
	_ =	sdelay $0x3  }
0x96: {  	_ =	strace s2  }
0x97: {  	_ =	strace $0x8FFFFFFF  }
0x98: {  	s18 =	sld [smem:$0x3FDB];
	_ =	sdelay $0x1  }
0x99: {  	s19 =	simm.s32 $_scs_section_size  }
0x9a: {  	s4 =	simm.s32 $_size__tile_overlayer_lowered;
	s5 =	simm.s32 $_tile_overlayer_lowered  }
0x9b: {  	s22 =	simm.s32 $0x1BFF;
	s21 =	sshll.u32 s5, $0x1;
	s2 =	sadd.s32 s19, s18  }
0x9c: {  	s6 =	simm.s32 $0x0;
	s20 =	sshll.u32 s4, $0x1;
	s4 =	sadd.s32 s21, s2  }
0x9d: {  	[timem:s6], [sflag:s22] =	dma.local [hbm:s4], s20  }
0x9e: {  	_ =	swait.ge [sflag:s22], s20  }
0x9f: {  	s3 =	ssub.s32 $0x0, s20;
	[sflag:s22] =	ssyncset.done $0x0  }
0xa0: {  	[sflag:s22] =	ssyncadd.s32 s3;
	_ =	sdelay $0x1  }
0xa1: {  	s23 =	simm.s32 $0x1B8B  }
0xa2: {  	_ =	swait.ge [sflag:s23], $0x1  }
0xa3: {  	[sflag:s23] =	ssyncset.done $0x0  }
0xa4: {  	s25 =	simm.s32 $0x1B8E;
	s24 =	sld [smem:$0x3FFE];
	[sflag:s23] =	ssyncadd.s32 $0xFFFFFFFF  }
0xa5: {  	s26 =	simm.s32 $execute0_lowered;
	[smem:$0x3FD2] =	sst s25  }
0xa6: {  	s4 =	sshll.u32 s26, $0x1;
	_ =	strace $0x80000046;
	[dreg:$0x1] =	wrdreg $0xFFFFFFFF  }
0xa7: {  	s28 =	simm.s32 $_size_execute0_lowered;
	s2 =	sadd.s32 s2, s4;
	[dreg:$0x0] =	wrdreg $0x0  }
0xa8: {  	s4 =	sshll.u32 s28, $0x1;
	[dreg:$0x2] =	wrdreg s2  }
0xa9: {  	[dreg:$0x3] =	wrdreg s4  }
0xaa: {  	[dreg:$0x4] =	wrdreg $0xC0  }
0xab: {  	_ =	task [dreg:s6], $0x5FFFF  }
0xac: {  	[dreg:$0x1] =	wrdreg $0xFFFFFFFF  }
0xad: {  	[dreg:$0x0] =	wrdreg $0x60  }
0xae: {  	[dreg:$0x2] =	wrdreg s24  }
0xaf: {  	[dreg:$0x3] =	wrdreg $0x6C000  }
0xb0: {  	[dreg:$0x4] =	wrdreg $0x9  }
0xb1: {  	_ =	task.clear_ibuf [dreg:s6], $0x5FFFF;
	_ =	strace $0x90000046  }
0xb2: {  	s29 =	simm.s32 $0x9;
	_ =	strace $0x80000048  }
0xb3: {  	_ =	swait.ge [sflag:s29], $0x1  }
0xb4: {  	[sflag:s29] =	ssyncadd.s32 $0xFFFFFFFF  }
0xb5: {  	_ =	strace $0x90000048  }
0xb6: {  	_ =	sfence  }
0xb7: {  	s30 =	sld [smem:$0x0];
	_ =	sdelay $0x2  }
0xb8: {  	s31 =	sshll.u32 s1, $0xD;
	s1 =	sshrl.u32 s1, $0x2  }
0xb9: {  	s3 =	sand.u32 $0x4000, s31;
	s1 =	sadd.s32 s1, s30  }
0xba: {  	s0 =	sor.u32 s3, s0;
	s1 =	sshll.u32 s1, $0x11  }
0xbb: {  	s0 =	sor.u32 s1, s0  }
0xbc: {  	s0 =	sadd.s32 $0x8F2B, s0  }
0xbd: {  	[sflag:s0] =	ssyncadd.remote.s32 $0x1  }
0xbe: {  	_ =	sfence.sel $0xFFFF  }
0xbf: {  	[dreg:$0x0] =	wrdreg $0xFFFFFFFF;
	(pc) =	sbr.abs _section_cstart, $3  }
0xc0: {  	[dreg:$0x1] =	wrdreg $0xFFFFFFFF  }
0xc1: {  	_ =	task.clear_ibuf [dreg:s6], $0x2FFFF;
	_ =	strace $0x9FFFFFFF  }
0xc2: {  	(tm) =	ssettm $0x7FFFFFFF  }
0xc3: {  	_ =	shalt  }
tec
execute0_lowered:
.L_overlay_start_1:
0x0: {  	(tag) =	ssettag $0x1  }
0x1: {  	s4 =	rddreg [dreg:$0x0];
	s0 =	srdreg.scid  }
0x2: {  	s2 =	rddreg [dreg:$0x1];
	s1 =	stileid.u32  }
0x3: {  	s3 =	simm.s32 $0x0;
	s10 =	simm.s32 $0x7D;
	s11 =	simm.s32 $0x2C00  }
0x4: {  	s5 =	sand.u32 $0x1, s0;
	s0 =	rddreg [dreg:$0x2];
	s8 =	smul.u32 $0x13C00, s1  }
0x5: {  	s6 =	sshll.u32 s1, $0x1;
	[smem:$0x7FF] =	sst s3;
	s30 =	smul.u32 $0x4F000, s1  }
0x6: {  	s12 =	sshll.u32 s1, $0x6;
	s7 =	smul.u32 $0x13C000, s5;
	s6 =	sor.u32 s5, s6  }
0x7: {  	_ =	strace $0x80000047;
	s5 =	ssub.s32 $0x2, s5;
	s12 =	sor.u32 $0x1C01, s12  }
0x8: {  	s6 =	smul.u32 $0x500, s6;
	s31 =	sshrl.u32 s5, $0x1;
	s7 =	sadd.s32 s8, s7  }
0x9: {  	s8 =	sshrl.u32 s30, $0x2;
	s9 =	ssub.s32 s5, s31;
	s7 =	sshrl.u32 s7, $0x3  }
0xa: {  	s6 =	sadd.s32 s6, s4;
	s7 =	sadd.s32 s7, s4;
	s4 =	sadd.s32 s8, s2  }
0xb: {  	s5 =	sadd.s32 $0x4800, s6;
	s8 =	simm.s32 $0x2800;
	s6 =	sadd.s32 $0xE800, s7  }
0xc: {  	v0 =	vimm.f32 $0.0e+00;
	v1 =	vimm.f32 $1.000000000e+00;
	s7 =	smax.u32 s9, $0x1;
	s9 =	simm.s32 $0x1;
	s13 =	sshrl.u32 s4, $0x3  }
.LBB2_1:
0xd: {  	[tilespmem:$0x2800] =	vst v0  }
0xe: {  	[tilespmem:$0x2880] =	vst v0  }
0xf: {  	[tilespmem:$0x2900] =	vst v0  }
0x10: {  	[tilespmem:$0x2980] =	vst v0  }
0x11: {  	[tilespmem:$0x2A00] =	vst v0  }
0x12: {  	[tilespmem:$0x2A80] =	vst v0  }
0x13: {  	[tilespmem:$0x2B00] =	vst v0  }
0x14: {  	[tilespmem:$0x2B80] =	vst v0;
	s14 =	sadd.s32 $0x0, s4  }
0x15: {  	[spmem:s14] =	stream.linear.scatter [tilespmem:s8], [sflag:$0x1], $0x400, $0x38;
	[tilespmem:$0x9380] =	vst v63  }
0x16: {  	s14 =	simm.s32 $0x1000;
	_ =	swait.ge [sflag:s9], $0x400  }
.LBB2_2:
0x17: {  	s15 =	sshra.s32 s14, $0x2;
	[sflag:s9] =	ssyncset.done $0x0;
	p0 =	sne.s32 s14, $0x4E000  }
.Ltmp0:
0x18: {  	s15 =	sadd.s32 s15, s4;
	[sflag:s9] =	ssyncadd.s32 $0xFFFFFC00;
	(pc) =	sbr.rel @p0 .LBB2_2-.Ltmp0, $3  }
0x19: {  	[spmem:s15] =	stream.linear.scatter [tilespmem:s8], [sflag:$0x1], $0x400, $0x38;
	[tilespmem:$0x9380] =	vst v63  }
0x1a: {  	s14 =	sadd.s32 $0x1000, s14;
	_ =	sdelay $0x1  }
0x1b: {  	_ =	swait.ge [sflag:s9], $0x400  }
0x1c: {  	[sflag:s9] =	ssyncset.done $0x0  }
0x1d: {  	s14 =	simm.s32 $0x200;
	s15 =	simm.s32 $0x0;
	[sflag:s9] =	ssyncadd.s32 $0xFFFFFC00  }
.LBB2_4:
0x1e: {  	p0 =	sne.s32 s14, $0xF800;
	[tilespmem:s15+$0x2C00] =	vst v1;
	s15 =	smov.u32 s14;
	s14 =	sadd.s32 $0x200, s14  }
.Ltmp1:
0x1f: {  	(pc) =	sbr.rel @p0 .LBB2_4-.Ltmp1, $2  }
0x20: {  	_ =	sdelay $0x2  }
0x21: {  	s15 =	sshra.s32 s15, $0x2  }
0x22: {  	[tilespmem:s15+$0x2C00] =	vst v1;
	s14 =	simm.s32 $0x0  }
0x23: {  	[tilespmem:s14], [sflag:$0x1] =	stream.linear.gather [hbm4b:s5+s14], $0x2800, $0x38;
	[tilespmem:$0x9380] =	vst v63  }
0x24: {  	_ =	swait.ge [sflag:s9], $0x2800  }
0x25: {  	[sflag:s9] =	ssyncset.done $0x0  }
0x26: {  	[sflag:s9] =	ssyncadd.s32 $0xFFFFD800  }
0x27: {  	s31 =	simm.s32 $0x0;
	[bflag:$0x0] =	sbarrier.arrive $0xFFFF  }
0x28: {  	[spmem:s2] =	stream.indirect.scatter.add.f32 [tilespmem:s11], [sflag:$0x1], $0x10, s31, s10, $0xb8;
	[tilespmem:$0x9380] =	vst v63  }
0x29: {  	_ =	swait.ge [sflag:s9], $0x7D0  }
0x2a: {  	s14 =	simm.s32 $0x200;
	[sflag:s9] =	ssyncset.done $0x0  }
.LBB2_6:
0x2b: {  	s15 =	sshra.s32 s14, $0x2;
	[sflag:s9] =	ssyncadd.s32 $0xFFFFF830;
	p0 =	sne.s32 s14, $0x9E00  }
0x2c: {  	[spmem:s2] =	stream.indirect.scatter.add.f32 [tilespmem:s11], [sflag:$0x1], $0x10, s15, s10, $0xb8;
	[tilespmem:$0x9380] =	vst v63  }
.Ltmp2:
0x2d: {  	_ = 	snop;
	(pc) =	sbr.rel @p0 .LBB2_6-.Ltmp2, $4  }
0x2e: {  	_ = 	snop  }
0x2f: {  	s14 =	sadd.s32 $0x200, s14  }
0x30: {  	_ =	swait.ge [sflag:s9], $0x7D0  }
0x31: {  	[sflag:s9] =	ssyncset.done $0x0  }
0x32: {  	s3 =	sadd.s32 $0x1, s3  }
0x33: {  	[sflag:s9] =	ssyncadd.s32 $0xFFFFF830;
	p0 =	sne.s32 s3, s7  }
.Ltmp3:
0x34: {  	[bflag:$0x0] =	sbarrier.arrive $0xFFFF;
	(pc) =	sbr.rel @p0 .LBB2_1-.Ltmp3, $4  }
0x35: {  	[hbm:s6], [sflag:s12] =	dma.local [spmem:s13], $0x2780  }
0x36: {  	_ =	swait.ge [sflag:s9], $0x2780  }
0x37: {  	[sflag:s9] =	ssyncset.done $0x0  }
0x38: {  	[sflag:s9] =	ssyncadd.s32 $0xFFFFD880  }
0x39: {  	_ =	sfence.sel $0x180000  }
0x3a: {  	[bflag:$0x0] =	sbarrier.arrive $0xFFFF  }
0x3b: {  	p0 =	sne.s32 s1, $0x0;
	_ =	strace $0x90000047  }
0x3c: {  	s0 =	sadd.s32 @!p0 $0x100000, s0;
	[bflag:$0x2] =	sbarrier.arrive $0xFFFF  }
0x3d: {  	[sflag:s0] =	ssyncadd.tile.s32 @!p0 $0x1;
	_ =	shalt  }
.Lfunc_end2:
_tile_overlayer_lowered:
.L_overlay_start_2:
0x3e: {  	(tag) =	ssettag $0x2  }
0x3f: {  	s0 =	rddreg [dreg:$0x0];
	s2 =	stileid.u32  }
0x40: {  	s1 =	rddreg [dreg:$0x1];
	p0 =	sne.s32 s2, $0x0  }
0x41: {  	s3 =	rddreg [dreg:$0x2];
	[bflag:$0x3] =	sbarrier.arrive $0xFFFF;
	s2 =	simm.s32 @!p0 $0x1C01  }
0x42: {  	[timem:s3], [sflag:s2] =	dma.local @!p0 [hbm:s0], s1  }
0x43: {  	s0 =	simm.s32 @!p0 $0x1  }
0x44: {  	_ =	swait.ge @!p0 [sflag:s0], s1  }
0x45: {  	s1 =	ssub.s32 @!p0 $0x0, s1;
	[sflag:s0] =	ssyncset.done @!p0 $0x0  }
0x46: {  	[sflag:s0] =	ssyncadd.s32 @!p0 s1  }
0x47: {  	[bflag:$0x3] =	sbarrier.arrive $0xFFFF  }
0x48: {  	_ =	shalt  }

// kernel: kernel.13.cloned.1.call-start
scs
__scs_entry_jumppad:
0x0: {  	(pc) =	sbr.rel $0x88, $3  }
0x1: {  	(tag) =	ssettag $0x0;
	lr =	simm.s32 $0x1  }
0x2: {  	[smem:$0x3F97] =	sst lr;
	_ =	strace $0xD0000000  }
0x3: {  	_ = 	snop  }
0x4: {  	_ = 	snop  }
0x5: {  	_ = 	snop  }
0x6: {  	_ = 	snop  }
0x7: {  	_ = 	snop  }
__scs_overlays_trampoline_lowered:
0x8: {  	[smem:$0x3FA6] =	sst s0  }
0x9: {  	[smem:$0x3FA7] =	sst s1  }
0xa: {  	[smem:$0x3FA8] =	sst s2  }
0xb: {  	[smem:$0x3FA9] =	sst s3  }
0xc: {  	[smem:$0x3FAA] =	sst s4  }
0xd: {  	[smem:$0x3FAB] =	sst s5  }
0xe: {  	[smem:$0x3FAC] =	sst s6  }
0xf: {  	[smem:$0x3FAD] =	sst s7  }
0x10: {  	[smem:$0x3FAE] =	sst s8  }
0x11: {  	[smem:$0x3FAF] =	sst s9;
	s0 =	simm.s32 @!p0 $0x0  }
0x12: {  	s1 =	sld [smem:$0x3F95];
	s0 =	simm.s32 @p0 $0x1  }
0x13: {  	[smem:$0x3FB0] =	sst s0;
	s0 =	simm.s32 @!p1 $0x0  }
0x14: {  	s2 =	sld [smem:$0x3F94];
	s0 =	simm.s32 @p1 $0x1  }
0x15: {  	[smem:$0x3FB1] =	sst s0;
	s0 =	simm.s32 @!p2 $0x0  }
0x16: {  	s3 =	sld [smem:$0x3FDB];
	s0 =	simm.s32 @p2 $0x1  }
0x17: {  	s4 =	simm.s32 $0x1BF5;
	[smem:$0x3FB3] =	sst s0  }
0x18: {  	s0 =	sld [smem:$0x3F96];
	_ =	swait.ge [sflag:s4], $0x0  }
0x19: {  	s7 =	sld [smem:$0x3F97]  }
0x1a: {  	s8 =	sadd.s32 $0xFFFFE003, lr  }
0x1b: {  	s9 =	sadd.s32 $0xFFFFFEF7, lr;
	s5 =	simm.s32 $0xFFFFFFFF;
	p2 =	slt.u32 s8, $0xFFFFF086  }
0x1c: {  	p1 =	slt.u32 s9, $0xF7A;
	s5 =	simm.s32 @!p2 $0x0  }
0x1d: {  	s5 =	simm.s32 @p1 $0x1;
	p0 =	seq.s32 s7, s2  }
0x1e: {  	s7 =	smul.u32 @!p0 $0xF7A, s2;
	p2 =	seq.s32 @!p0 s5, $0x0  }
0x1f: {  	s9 =	smul.u32 $0xF7A, s1;
	s8 =	simm.s32 @!p0 $0x1BF5;
	p2 =	por !p2, p0  }
0x20: {  	[sflag:s8] =	ssyncset.s32 @!p0 $0xFFFFF086;
	s6 =	sadd.s32 @!p0 s3, s7;
	s7 =	simm.s32 @!p0 $0x108  }
0x21: {  	s3 =	sadd.s32 s3, s9;
	s6 =	sadd.s32 @!p0 $0x88, s6;
	s7 =	simm.s32 @p2 $0x1082  }
0x22: {  	[simem:s7], [sflag:s8] =	dma.local @!p0 [hbm:s6], $0xF7A  }
0x23: {  	s9 =	sor.u32 $0xD0000000, s2;
	s6 =	simm.s32 $0x108;
	_ =	swait.ge @!p0 [sflag:s8], $0x0  }
0x24: {  	s3 =	sadd.s32 $0x88, s3;
	s6 =	simm.s32 @!p1 $0x1082;
	[sflag:s4] =	ssyncset.s32 $0xFFFFF086  }
0x25: {  	[simem:s6], [sflag:s4] =	dma.local [hbm:s3], $0xF7A  }
0x26: {  	[smem:$0x3F97] =	sst s1;
	(tag) =	ssettag s2;
	_ =	strace s9  }
0x27: {  	s1 =	sld [smem:$0x3FA7]  }
0x28: {  	s2 =	sld [smem:$0x3FA8]  }
0x29: {  	s4 =	sld [smem:$0x3FAA]  }
0x2a: {  	p0 =	seq.s32 s5, $0x0;
	s5 =	sld [smem:$0x3FAB]  }
0x2b: {  	s6 =	sld [smem:$0x3FAC]  }
0x2c: {  	s7 =	sld [smem:$0x3FAD]  }
0x2d: {  	s3 =	simm.s32 $0x108;
	s8 =	sld [smem:$0x3FAE]  }
0x2e: {  	s3 =	simm.s32 @!p0 $0x1082;
	s9 =	sld [smem:$0x3FAF]  }
0x2f: {  	lr =	sadd.s32 s0, s3;
	s0 =	sld [smem:$0x3FA6]  }
0x30: {  	s3 =	sld [smem:$0x3FA9]  }
0x31: {  	[smem:$0x3FB2] =	sst s10  }
0x32: {  	s10 =	sld [smem:$0x3FB0];
	_ =	sdelay $0x3  }
0x33: {  	p0 =	seq.s32 s10, $0x1;
	s10 =	sld [smem:$0x3FB2];
	_ =	sdelay $0x3  }
0x34: {  	[smem:$0x3FB2] =	sst s10  }
0x35: {  	s10 =	sld [smem:$0x3FB1];
	_ =	sdelay $0x3  }
0x36: {  	p1 =	seq.s32 s10, $0x1;
	s10 =	sld [smem:$0x3FB2];
	_ =	sdelay $0x3  }
0x37: {  	[smem:$0x3FB2] =	sst s10  }
0x38: {  	s10 =	sld [smem:$0x3FB3]  }
0x39: {  	_ = 	snop;
	(pc) =	sbr.ind lr, $3  }
0x3a: {  	_ = 	snop  }
0x3b: {  	_ = 	snop  }
0x3c: {  	p2 =	seq.s32 s10, $0x1;
	s10 =	sld [smem:$0x3FB2]  }
0x3d: {  	_ =	shalt  }
0x3e: {  	_ =	shalt  }
0x3f: {  	_ =	shalt  }
0x40: {  	_ =	shalt  }
0x41: {  	_ =	shalt  }
0x42: {  	_ =	shalt  }
0x43: {  	_ =	shalt  }
0x44: {  	_ =	shalt  }
0x45: {  	_ =	shalt  }
0x46: {  	_ =	shalt  }
0x47: {  	_ =	shalt  }
0x48: {  	_ =	shalt  }
0x49: {  	_ =	shalt  }
0x4a: {  	_ =	shalt  }
0x4b: {  	_ =	shalt  }
0x4c: {  	_ =	shalt  }
0x4d: {  	_ =	shalt  }
0x4e: {  	_ =	shalt  }
0x4f: {  	_ =	shalt  }
0x50: {  	_ =	shalt  }
0x51: {  	_ =	shalt  }
0x52: {  	_ =	shalt  }
0x53: {  	_ =	shalt  }
0x54: {  	_ =	shalt  }
0x55: {  	_ =	shalt  }
0x56: {  	_ =	shalt  }
0x57: {  	_ =	shalt  }
0x58: {  	_ =	shalt  }
0x59: {  	_ =	shalt  }
0x5a: {  	_ =	shalt  }
0x5b: {  	_ =	shalt  }
0x5c: {  	_ =	shalt  }
0x5d: {  	_ =	shalt  }
0x5e: {  	_ =	shalt  }
0x5f: {  	_ =	shalt  }
0x60: {  	_ =	shalt  }
0x61: {  	_ =	shalt  }
0x62: {  	_ =	shalt  }
0x63: {  	_ =	shalt  }
0x64: {  	_ =	shalt  }
0x65: {  	_ =	shalt  }
0x66: {  	_ =	shalt  }
0x67: {  	_ =	shalt  }
0x68: {  	_ =	shalt  }
0x69: {  	_ =	shalt  }
0x6a: {  	_ =	shalt  }
0x6b: {  	_ =	shalt  }
0x6c: {  	_ =	shalt  }
0x6d: {  	_ =	shalt  }
0x6e: {  	_ =	shalt  }
0x6f: {  	_ =	shalt  }
0x70: {  	_ =	shalt  }
0x71: {  	_ =	shalt  }
0x72: {  	_ =	shalt  }
0x73: {  	_ =	shalt  }
0x74: {  	_ =	shalt  }
0x75: {  	_ =	shalt  }
0x76: {  	_ =	shalt  }
0x77: {  	_ =	shalt  }
0x78: {  	_ =	shalt  }
0x79: {  	_ =	shalt  }
0x7a: {  	_ =	shalt  }
0x7b: {  	_ =	shalt  }
0x7c: {  	_ =	shalt  }
0x7d: {  	_ =	shalt  }
0x7e: {  	_ =	shalt  }
0x7f: {  	_ =	shalt  }
0x80: {  	_ =	shalt  }
0x81: {  	_ =	shalt  }
0x82: {  	_ =	shalt  }
0x83: {  	_ =	shalt  }
0x84: {  	_ =	shalt  }
0x85: {  	_ =	shalt  }
0x86: {  	_ =	shalt  }
0x87: {  	_ =	shalt  }
.Lfunc_end0:
.L_simem_size_0:
called_computation.1_lowered:
.L_overlay_start_0:
0x88: {  	s2 =	sld [smem:$0x3FD9]  }
0x89: {  	s3 =	sld [smem:$0x3FFE];
	_ =	sdelay $0x1  }
0x8a: {  	s1 =	srdreg.scid  }
0x8b: {  	s0 =	sand.u32 $0x1, s1  }
0x8c: {  	s17 =	sshll.u32 s0, $0xA;
	s2 =	sadd.s32 s3, s2  }
0x8d: {  	s2 =	sadd.s32 s2, s17  }
0x8e: {  	[smem:$0x3FBE] =	sst s2  }
0x8f: {  	_ = 	snop  }
0x90: {  	s2 =	sld [smem:$0x3FD0];
	(tm) =	ssettm $0x1  }
0x91: {  	s18 =	sld [smem:$0x3FFB];
	_ =	sdelay $0x3  }
0x92: {  	_ =	strace s18  }
0x93: {  	s3 =	sld [smem:$0x3FFC];
	_ =	sdelay $0x3  }
0x94: {  	_ =	strace s3  }
0x95: {  	s3 =	sld [smem:$0x3FFD];
	_ =	sdelay $0x3  }
0x96: {  	_ =	strace s3  }
0x97: {  	_ =	strace $0x8FFFFFFF  }
0x98: {  	s19 =	sld [smem:$0x3FDB];
	_ =	sdelay $0x1  }
0x99: {  	s4 =	simm.s32 $_scs_section_size  }
0x9a: {  	s5 =	simm.s32 $_size__tile_overlayer_lowered;
	s6 =	simm.s32 $_tile_overlayer_lowered  }
0x9b: {  	s22 =	simm.s32 $0x1BFF;
	s21 =	sshll.u32 s6, $0x1;
	s3 =	sadd.s32 s4, s19  }
0x9c: {  	s7 =	simm.s32 $0x0;
	s20 =	sshll.u32 s5, $0x1;
	s5 =	sadd.s32 s21, s3  }
0x9d: {  	[timem:s7], [sflag:s22] =	dma.local [hbm:s5], s20  }
0x9e: {  	_ =	swait.ge [sflag:s22], s20  }
0x9f: {  	s4 =	ssub.s32 $0x0, s20;
	[sflag:s22] =	ssyncset.done $0x0  }
0xa0: {  	[sflag:s22] =	ssyncadd.s32 s4;
	_ =	sdelay $0x1  }
0xa1: {  	s23 =	simm.s32 $0x1B8B  }
0xa2: {  	_ =	swait.ge [sflag:s23], $0x1  }
0xa3: {  	[sflag:s23] =	ssyncset.done $0x0  }
0xa4: {  	s25 =	simm.s32 $0x1B8E;
	s24 =	sld [smem:$0x3FFE];
	[sflag:s23] =	ssyncadd.s32 $0xFFFFFFFF  }
0xa5: {  	s26 =	simm.s32 $execute0_lowered;
	[smem:$0x3FD2] =	sst s25  }
0xa6: {  	s5 =	sshll.u32 s26, $0x1;
	_ =	strace $0x80000049;
	[dreg:$0x1] =	wrdreg $0xFFFFFFFF  }
0xa7: {  	s28 =	simm.s32 $_size_execute0_lowered;
	s3 =	sadd.s32 s3, s5;
	[dreg:$0x0] =	wrdreg $0x0  }
0xa8: {  	s5 =	sshll.u32 s28, $0x1;
	[dreg:$0x2] =	wrdreg s3  }
0xa9: {  	[dreg:$0x3] =	wrdreg s5  }
0xaa: {  	[dreg:$0x4] =	wrdreg $0xC0  }
0xab: {  	_ =	task [dreg:s7], $0x5FFFF  }
0xac: {  	[dreg:$0x1] =	wrdreg $0xFFFFFFFF  }
0xad: {  	[dreg:$0x0] =	wrdreg $0x60  }
0xae: {  	[dreg:$0x2] =	wrdreg s24  }
0xaf: {  	[dreg:$0x3] =	wrdreg s2  }
0xb0: {  	[dreg:$0x4] =	wrdreg $0x94000  }
0xb1: {  	[dreg:$0x5] =	wrdreg $0x9  }
0xb2: {  	_ =	task.clear_ibuf [dreg:s7], $0x6FFFF;
	_ =	strace $0x90000049  }
0xb3: {  	s29 =	simm.s32 $0x9;
	_ =	strace $0x8000004B  }
0xb4: {  	_ =	swait.ge [sflag:s29], $0x1  }
0xb5: {  	[sflag:s29] =	ssyncadd.s32 $0xFFFFFFFF  }
0xb6: {  	_ =	strace $0x9000004B  }
0xb7: {  	_ =	sfence  }
0xb8: {  	s30 =	sld [smem:$0x0];
	_ =	sdelay $0x2  }
0xb9: {  	s31 =	sshll.u32 s1, $0xD;
	s1 =	sshrl.u32 s1, $0x2  }
0xba: {  	s3 =	sand.u32 $0x4000, s31;
	s1 =	sadd.s32 s1, s30  }
0xbb: {  	s0 =	sor.u32 s3, s0;
	s1 =	sshll.u32 s1, $0x11  }
0xbc: {  	s0 =	sor.u32 s1, s0  }
0xbd: {  	s0 =	sadd.s32 $0x8F2B, s0  }
0xbe: {  	[sflag:s0] =	ssyncadd.remote.s32 $0x1  }
0xbf: {  	_ =	sfence.sel $0xFFFF  }
0xc0: {  	[dreg:$0x0] =	wrdreg $0xFFFFFFFF;
	(pc) =	sbr.abs _section_cstart, $3  }
0xc1: {  	[dreg:$0x1] =	wrdreg $0xFFFFFFFF  }
0xc2: {  	_ =	task.clear_ibuf [dreg:s7], $0x2FFFF;
	_ =	strace $0x9FFFFFFF  }
0xc3: {  	(tm) =	ssettm $0x7FFFFFFF  }
tec
execute0_lowered:
.L_overlay_start_1:
0x0: {  	(tag) =	ssettag $0x1  }
0x1: {  	s0 =	srdreg.scid;
	s5 =	rddreg [dreg:$0x0]  }
0x2: {  	s8 =	stileid.u32;
	s2 =	rddreg [dreg:$0x1]  }
0x3: {  	s3 =	rddreg [dreg:$0x2];
	s12 =	simm.s32 $0x80;
	s14 =	simm.s32 $0x100  }
0x4: {  	s15 =	simm.s32 $0x880;
	s17 =	simm.s32 $0x180;
	s18 =	simm.s32 $0x900  }
0x5: {  	s19 =	simm.s32 $0x200;
	s0 =	sand.u32 $0x1, s0;
	s1 =	smul.u32 $0x5000, s8  }
0x6: {  	s20 =	simm.s32 $0x980;
	s21 =	simm.s32 $0x280;
	s4 =	smul.u32 $0x2800, s0  }
0x7: {  	s9 =	simm.s32 $0x3;
	s22 =	simm.s32 $0xA00;
	s23 =	simm.s32 $0x300  }
0x8: {  	s24 =	simm.s32 $0xA80;
	s1 =	sadd.s32 s4, s1;
	s4 =	simm.s32 $0x0  }
0x9: {  	s25 =	simm.s32 $0x380;
	s26 =	simm.s32 $0xB00;
	[smem:$0x7FF] =	sst s4  }
0xa: {  	s28 =	simm.s32 $0xE00;
	_ =	strace $0x8000004A;
	[dreg:$0x6] =	wrdreg s12  }
0xb: {  	s6 =	smul.u32 $0x13C000, s0;
	s0 =	ssub.s32 $0x2, s0;
	[dreg:$0x7] =	wrdreg s14  }
0xc: {  	s29 =	simm.s32 $0x700;
	s11 =	sshrl.u32 s0, $0x1;
	[dreg:$0x8] =	wrdreg s15  }
0xd: {  	s30 =	simm.s32 $0xE80;
	s0 =	ssub.s32 s0, s11;
	[dreg:$0x9] =	wrdreg s17  }
0xe: {  	s13 =	smul.u32 $0x4F000, s8;
	s0 =	smax.u32 s0, $0x1;
	[dreg:$0xa] =	wrdreg s18  }
0xf: {  	s31 =	simm.s32 $0x780;
	s7 =	smul.u32 $0x13C00, s8;
	[dreg:$0x14] =	wrdreg s0  }
0x10: {  	s8 =	simm.s32 $0x1000;
	s16 =	sshrl.u32 s13, $0x2;
	[dreg:$0xb] =	wrdreg s19  }
0x11: {  	s13 =	simm.s32 $0x5400;
	s6 =	sadd.s32 s7, s6;
	[dreg:$0xc] =	wrdreg s20  }
0x12: {  	s11 =	simm.s32 $0x7D;
	s7 =	simm.s32 $0x0;
	[dreg:$0xd] =	wrdreg s21  }
0x13: {  	s1 =	sshrl.u32 s1, $0x3;
	s6 =	sshrl.u32 s6, $0x3;
	[dreg:$0xe] =	wrdreg s22  }
0x14: {  	s1 =	sadd.s32 s1, s5;
	s6 =	sadd.s32 s6, s5;
	[dreg:$0xf] =	wrdreg s23  }
0x15: {  	s5 =	sadd.s32 s16, s3;
	s12 =	simm.s32 $0x1400;
	[dreg:$0x10] =	wrdreg s24  }
0x16: {  	[dreg:$0x11] =	wrdreg s25;
	s14 =	simm.s32 $0x1;
	s15 =	simm.s32 $0x2  }
0x17: {  	[dreg:$0x12] =	wrdreg s26;
	s16 =	simm.s32 $0x400;
	s17 =	simm.s32 $0xB80  }
0x18: {  	s18 =	simm.s32 $0x480;
	s19 =	simm.s32 $0xC00;
	s20 =	simm.s32 $0x500  }
0x19: {  	s21 =	simm.s32 $0xC80;
	s22 =	simm.s32 $0x580;
	s23 =	simm.s32 $0xD00  }
0x1a: {  	s24 =	simm.s32 $0x600;
	s25 =	simm.s32 $0xD80;
	s10 =	sadd.s32 $0x4800, s1  }
0x1b: {  	s26 =	simm.s32 $0x680;
	s1 =	sadd.s32 $0x5D800, s1;
	[dreg:$0x4] =	wrdreg s10  }
0x1c: {  	s0 =	simm.s32 $0xF80;
	s6 =	sadd.s32 $0x67800, s6;
	[dreg:$0x5] =	wrdreg s1  }
0x1d: {  	v0 =	vimm.f32 $0.0e+00;
	[dreg:$0x13] =	wrdreg s6;
	s10 =	simm.s32 $0x800;
	s1 =	simm.s32 $0xF00  }
.LBB2_1:
0x1e: {  	[tilespmem:$0x1000] =	vst v0  }
0x1f: {  	[tilespmem:$0x1010] =	vst v0  }
0x20: {  	[tilespmem:$0x1020] =	vst v0  }
0x21: {  	[tilespmem:$0x1030] =	vst v0  }
0x22: {  	[tilespmem:$0x1040] =	vst v0  }
0x23: {  	[tilespmem:$0x1050] =	vst v0  }
0x24: {  	[tilespmem:$0x1060] =	vst v0  }
0x25: {  	[tilespmem:$0x1070] =	vst v0  }
0x26: {  	[tilespmem:$0x1080] =	vst v0  }
0x27: {  	[tilespmem:$0x1090] =	vst v0  }
0x28: {  	[tilespmem:$0x10A0] =	vst v0  }
0x29: {  	[tilespmem:$0x10B0] =	vst v0  }
0x2a: {  	[tilespmem:$0x10C0] =	vst v0  }
0x2b: {  	[tilespmem:$0x10D0] =	vst v0  }
0x2c: {  	[tilespmem:$0x10E0] =	vst v0  }
0x2d: {  	[tilespmem:$0x10F0] =	vst v0  }
0x2e: {  	[tilespmem:$0x1100] =	vst v0  }
0x2f: {  	[tilespmem:$0x1110] =	vst v0  }
0x30: {  	[tilespmem:$0x1120] =	vst v0  }
0x31: {  	[tilespmem:$0x1130] =	vst v0  }
0x32: {  	[tilespmem:$0x1140] =	vst v0  }
0x33: {  	[tilespmem:$0x1150] =	vst v0  }
0x34: {  	[tilespmem:$0x1160] =	vst v0  }
0x35: {  	[tilespmem:$0x1170] =	vst v0  }
0x36: {  	[tilespmem:$0x1180] =	vst v0  }
0x37: {  	[tilespmem:$0x1190] =	vst v0  }
0x38: {  	[tilespmem:$0x11A0] =	vst v0  }
0x39: {  	[tilespmem:$0x11B0] =	vst v0  }
0x3a: {  	[tilespmem:$0x11C0] =	vst v0  }
0x3b: {  	[tilespmem:$0x11D0] =	vst v0  }
0x3c: {  	[tilespmem:$0x11E0] =	vst v0  }
0x3d: {  	[tilespmem:$0x11F0] =	vst v0  }
0x3e: {  	[tilespmem:$0x1200] =	vst v0  }
0x3f: {  	[tilespmem:$0x1210] =	vst v0  }
0x40: {  	[tilespmem:$0x1220] =	vst v0  }
0x41: {  	[tilespmem:$0x1230] =	vst v0  }
0x42: {  	[tilespmem:$0x1240] =	vst v0  }
0x43: {  	[tilespmem:$0x1250] =	vst v0  }
0x44: {  	[tilespmem:$0x1260] =	vst v0  }
0x45: {  	[tilespmem:$0x1270] =	vst v0  }
0x46: {  	[tilespmem:$0x1280] =	vst v0  }
0x47: {  	[tilespmem:$0x1290] =	vst v0  }
0x48: {  	[tilespmem:$0x12A0] =	vst v0  }
0x49: {  	[tilespmem:$0x12B0] =	vst v0  }
0x4a: {  	[tilespmem:$0x12C0] =	vst v0  }
0x4b: {  	[tilespmem:$0x12D0] =	vst v0  }
0x4c: {  	[tilespmem:$0x12E0] =	vst v0  }
0x4d: {  	[tilespmem:$0x12F0] =	vst v0  }
0x4e: {  	[tilespmem:$0x1300] =	vst v0  }
0x4f: {  	[tilespmem:$0x1310] =	vst v0  }
0x50: {  	[tilespmem:$0x1320] =	vst v0  }
0x51: {  	[tilespmem:$0x1330] =	vst v0  }
0x52: {  	[tilespmem:$0x1340] =	vst v0  }
0x53: {  	[tilespmem:$0x1350] =	vst v0  }
0x54: {  	[tilespmem:$0x1360] =	vst v0  }
0x55: {  	[tilespmem:$0x1370] =	vst v0  }
0x56: {  	[tilespmem:$0x1380] =	vst v0  }
0x57: {  	[tilespmem:$0x1390] =	vst v0  }
0x58: {  	[tilespmem:$0x13A0] =	vst v0  }
0x59: {  	[tilespmem:$0x13B0] =	vst v0  }
0x5a: {  	[tilespmem:$0x13C0] =	vst v0  }
0x5b: {  	[tilespmem:$0x13D0] =	vst v0  }
0x5c: {  	[tilespmem:$0x13E0] =	vst v0  }
0x5d: {  	[dreg:$0x15] =	wrdreg s7;
	[tilespmem:$0x13F0] =	vst v0;
	s6 =	sadd.s32 $0x0, s5  }
0x5e: {  	[spmem:s6] =	stream.linear.scatter [tilespmem:s8], [sflag:$0x3], $0x400, $0x38;
	[tilespmem:$0x1D000] =	vst v63  }
0x5f: {  	s6 =	simm.s32 $0x1000;
	_ =	swait.ge [sflag:s9], $0x400  }
.LBB2_2:
0x60: {  	s7 =	sshra.s32 s6, $0x2;
	[sflag:s9] =	ssyncset.done $0x0;
	p0 =	sne.s32 s6, $0x4E000  }
.Ltmp0:
0x61: {  	s7 =	sadd.s32 s7, s5;
	[sflag:s9] =	ssyncadd.s32 $0xFFFFFC00;
	(pc) =	sbr.rel @p0 .LBB2_2-.Ltmp0, $3  }
0x62: {  	[spmem:s7] =	stream.linear.scatter [tilespmem:s8], [sflag:$0x3], $0x400, $0x38;
	[tilespmem:$0x1D000] =	vst v63  }
0x63: {  	s6 =	sadd.s32 $0x1000, s6;
	_ =	sdelay $0x1  }
0x64: {  	_ =	swait.ge [sflag:s9], $0x400  }
0x65: {  	[sflag:s9] =	ssyncset.done $0x0  }
0x66: {  	[sflag:s9] =	ssyncadd.s32 $0xFFFFFC00  }
0x67: {  	[bflag:$0x0] =	sbarrier.arrive $0xFFFF  }
0x68: {  	s6 =	rddreg [dreg:$0x5]  }
0x69: {  	s6 =	sadd.s32 $0x0, s6  }
0x6a: {  	[tilespmem:s4], [sflag:$0x3] =	stream.linear.gather [hbm4b:s6+s4], $0x800, $0x38;
	[tilespmem:$0x1D000] =	vst v63  }
0x6b: {  	_ =	swait.ge [sflag:s9], $0x800  }
0x6c: {  	s7 =	rddreg [dreg:$0x4];
	[sflag:s9] =	ssyncset.done $0x0  }
0x6d: {  	[sflag:s9] =	ssyncadd.s32 $0xFFFFF800;
	s6 =	sadd.s32 $0x0, s7  }
0x6e: {  	[tilespmem:s10], [sflag:$0x3] =	stream.linear.gather [hbm4b:s6+s4], $0x800, $0x38;
	[tilespmem:$0x1D000] =	vst v63  }
0x6f: {  	_ =	swait.ge [sflag:s9], $0x800  }
0x70: {  	[sflag:s9] =	ssyncset.done $0x0  }
0x71: {  	[sflag:s9] =	ssyncadd.s32 $0xFFFFF800  }
0x72: {  	[tilespmem:s12], [sflag:$0x1] =	stream.indirect.gather [hbm4b:s2+s11], $0x80, s4, s11, $0xb8;
	[tilespmem:$0x1D000] =	vst v63  }
0x73: {  	s8 =	rddreg [dreg:$0x6]  }
0x74: {  	[tilespmem:s13], [sflag:$0x2] =	stream.indirect.gather [hbm4b:s2+s11], $0x80, s8, s11, $0xb8;
	[tilespmem:$0x1D000] =	vst v63  }
0x75: {  	_ =	swait.ge [sflag:s14], $0x3E80  }
0x76: {  	[sflag:s14] =	ssyncset.done $0x0  }
0x77: {  	[sflag:s14] =	ssyncadd.s32 $0xFFFFC180  }
0x78: {  	[spmem:s3] =	stream.indirect.scatter.add.f32 [tilespmem:s12], [sflag:$0x3], $0x80, s10, s11, $0xb8;
	[tilespmem:$0x1D000] =	vst v63  }
0x79: {  	_ =	swait.ge [sflag:s9], $0x3E80  }
0x7a: {  	[sflag:s9] =	ssyncset.done $0x0  }
0x7b: {  	s7 =	rddreg [dreg:$0x7];
	[sflag:s9] =	ssyncadd.s32 $0xFFFFC180  }
0x7c: {  	[tilespmem:s12], [sflag:$0x1] =	stream.indirect.gather [hbm4b:s2+s11], $0x80, s7, s11, $0xb8;
	[tilespmem:$0x1D000] =	vst v63  }
0x7d: {  	_ =	swait.ge [sflag:s15], $0x3E80  }
0x7e: {  	[sflag:s15] =	ssyncset.done $0x0  }
0x7f: {  	s8 =	rddreg [dreg:$0x8];
	[sflag:s15] =	ssyncadd.s32 $0xFFFFC180  }
0x80: {  	[spmem:s3] =	stream.indirect.scatter.add.f32 [tilespmem:s13], [sflag:$0x3], $0x80, s8, s11, $0xb8;
	[tilespmem:$0x1D000] =	vst v63  }
0x81: {  	_ =	swait.ge [sflag:s9], $0x3E80  }
0x82: {  	[sflag:s9] =	ssyncset.done $0x0  }
0x83: {  	s7 =	rddreg [dreg:$0x9];
	[sflag:s9] =	ssyncadd.s32 $0xFFFFC180  }
0x84: {  	[tilespmem:s13], [sflag:$0x2] =	stream.indirect.gather [hbm4b:s2+s11], $0x80, s7, s11, $0xb8;
	[tilespmem:$0x1D000] =	vst v63  }
0x85: {  	_ =	swait.ge [sflag:s14], $0x3E80  }
0x86: {  	[sflag:s14] =	ssyncset.done $0x0  }
0x87: {  	s8 =	rddreg [dreg:$0xa];
	[sflag:s14] =	ssyncadd.s32 $0xFFFFC180  }
0x88: {  	[spmem:s3] =	stream.indirect.scatter.add.f32 [tilespmem:s12], [sflag:$0x3], $0x80, s8, s11, $0xb8;
	[tilespmem:$0x1D000] =	vst v63  }
0x89: {  	_ =	swait.ge [sflag:s9], $0x3E80  }
0x8a: {  	[sflag:s9] =	ssyncset.done $0x0  }
0x8b: {  	s7 =	rddreg [dreg:$0xb];
	[sflag:s9] =	ssyncadd.s32 $0xFFFFC180  }
0x8c: {  	[tilespmem:s12], [sflag:$0x1] =	stream.indirect.gather [hbm4b:s2+s11], $0x80, s7, s11, $0xb8;
	[tilespmem:$0x1D000] =	vst v63  }
0x8d: {  	_ =	swait.ge [sflag:s15], $0x3E80  }
0x8e: {  	[sflag:s15] =	ssyncset.done $0x0  }
0x8f: {  	s8 =	rddreg [dreg:$0xc];
	[sflag:s15] =	ssyncadd.s32 $0xFFFFC180  }
0x90: {  	[spmem:s3] =	stream.indirect.scatter.add.f32 [tilespmem:s13], [sflag:$0x3], $0x80, s8, s11, $0xb8;
	[tilespmem:$0x1D000] =	vst v63  }
0x91: {  	_ =	swait.ge [sflag:s9], $0x3E80  }
0x92: {  	[sflag:s9] =	ssyncset.done $0x0  }
0x93: {  	s7 =	rddreg [dreg:$0xd];
	[sflag:s9] =	ssyncadd.s32 $0xFFFFC180  }
0x94: {  	[tilespmem:s13], [sflag:$0x2] =	stream.indirect.gather [hbm4b:s2+s11], $0x80, s7, s11, $0xb8;
	[tilespmem:$0x1D000] =	vst v63  }
0x95: {  	_ =	swait.ge [sflag:s14], $0x3E80  }
0x96: {  	[sflag:s14] =	ssyncset.done $0x0  }
0x97: {  	s8 =	rddreg [dreg:$0xe];
	[sflag:s14] =	ssyncadd.s32 $0xFFFFC180  }
0x98: {  	[spmem:s3] =	stream.indirect.scatter.add.f32 [tilespmem:s12], [sflag:$0x3], $0x80, s8, s11, $0xb8;
	[tilespmem:$0x1D000] =	vst v63  }
0x99: {  	_ =	swait.ge [sflag:s9], $0x3E80  }
0x9a: {  	[sflag:s9] =	ssyncset.done $0x0  }
0x9b: {  	s7 =	rddreg [dreg:$0xf];
	[sflag:s9] =	ssyncadd.s32 $0xFFFFC180  }
0x9c: {  	[tilespmem:s12], [sflag:$0x1] =	stream.indirect.gather [hbm4b:s2+s11], $0x80, s7, s11, $0xb8;
	[tilespmem:$0x1D000] =	vst v63  }
0x9d: {  	_ =	swait.ge [sflag:s15], $0x3E80  }
0x9e: {  	[sflag:s15] =	ssyncset.done $0x0  }
0x9f: {  	s8 =	rddreg [dreg:$0x10];
	[sflag:s15] =	ssyncadd.s32 $0xFFFFC180  }
0xa0: {  	[spmem:s3] =	stream.indirect.scatter.add.f32 [tilespmem:s13], [sflag:$0x3], $0x80, s8, s11, $0xb8;
	[tilespmem:$0x1D000] =	vst v63  }
0xa1: {  	_ =	swait.ge [sflag:s9], $0x3E80  }
0xa2: {  	[sflag:s9] =	ssyncset.done $0x0  }
0xa3: {  	s7 =	rddreg [dreg:$0x11];
	[sflag:s9] =	ssyncadd.s32 $0xFFFFC180  }
0xa4: {  	[tilespmem:s13], [sflag:$0x2] =	stream.indirect.gather [hbm4b:s2+s11], $0x80, s7, s11, $0xb8;
	[tilespmem:$0x1D000] =	vst v63  }
0xa5: {  	_ =	swait.ge [sflag:s14], $0x3E80  }
0xa6: {  	[sflag:s14] =	ssyncset.done $0x0  }
0xa7: {  	s8 =	rddreg [dreg:$0x12];
	[sflag:s14] =	ssyncadd.s32 $0xFFFFC180  }
0xa8: {  	[spmem:s3] =	stream.indirect.scatter.add.f32 [tilespmem:s12], [sflag:$0x3], $0x80, s8, s11, $0xb8;
	[tilespmem:$0x1D000] =	vst v63  }
0xa9: {  	_ =	swait.ge [sflag:s9], $0x3E80  }
0xaa: {  	[sflag:s9] =	ssyncset.done $0x0  }
0xab: {  	[sflag:s9] =	ssyncadd.s32 $0xFFFFC180  }
0xac: {  	[tilespmem:s12], [sflag:$0x1] =	stream.indirect.gather [hbm4b:s2+s11], $0x80, s16, s11, $0xb8;
	[tilespmem:$0x1D000] =	vst v63  }
0xad: {  	_ =	swait.ge [sflag:s15], $0x3E80  }
0xae: {  	[sflag:s15] =	ssyncset.done $0x0  }
0xaf: {  	[sflag:s15] =	ssyncadd.s32 $0xFFFFC180  }
0xb0: {  	[spmem:s3] =	stream.indirect.scatter.add.f32 [tilespmem:s13], [sflag:$0x3], $0x80, s17, s11, $0xb8;
	[tilespmem:$0x1D000] =	vst v63  }
0xb1: {  	_ =	swait.ge [sflag:s9], $0x3E80  }
0xb2: {  	[sflag:s9] =	ssyncset.done $0x0  }
0xb3: {  	[sflag:s9] =	ssyncadd.s32 $0xFFFFC180  }
0xb4: {  	[tilespmem:s13], [sflag:$0x2] =	stream.indirect.gather [hbm4b:s2+s11], $0x80, s18, s11, $0xb8;
	[tilespmem:$0x1D000] =	vst v63  }
0xb5: {  	_ =	swait.ge [sflag:s14], $0x3E80  }
0xb6: {  	[sflag:s14] =	ssyncset.done $0x0  }
0xb7: {  	[sflag:s14] =	ssyncadd.s32 $0xFFFFC180  }
0xb8: {  	[spmem:s3] =	stream.indirect.scatter.add.f32 [tilespmem:s12], [sflag:$0x3], $0x80, s19, s11, $0xb8;
	[tilespmem:$0x1D000] =	vst v63  }
0xb9: {  	_ =	swait.ge [sflag:s9], $0x3E80  }
0xba: {  	[sflag:s9] =	ssyncset.done $0x0  }
0xbb: {  	[sflag:s9] =	ssyncadd.s32 $0xFFFFC180  }
0xbc: {  	[tilespmem:s12], [sflag:$0x1] =	stream.indirect.gather [hbm4b:s2+s11], $0x80, s20, s11, $0xb8;
	[tilespmem:$0x1D000] =	vst v63  }
0xbd: {  	_ =	swait.ge [sflag:s15], $0x3E80  }
0xbe: {  	[sflag:s15] =	ssyncset.done $0x0  }
0xbf: {  	[sflag:s15] =	ssyncadd.s32 $0xFFFFC180  }
0xc0: {  	[spmem:s3] =	stream.indirect.scatter.add.f32 [tilespmem:s13], [sflag:$0x3], $0x80, s21, s11, $0xb8;
	[tilespmem:$0x1D000] =	vst v63  }
0xc1: {  	_ =	swait.ge [sflag:s9], $0x3E80  }
0xc2: {  	[sflag:s9] =	ssyncset.done $0x0  }
0xc3: {  	[sflag:s9] =	ssyncadd.s32 $0xFFFFC180  }
0xc4: {  	[tilespmem:s13], [sflag:$0x2] =	stream.indirect.gather [hbm4b:s2+s11], $0x80, s22, s11, $0xb8;
	[tilespmem:$0x1D000] =	vst v63  }
0xc5: {  	_ =	swait.ge [sflag:s14], $0x3E80  }
0xc6: {  	[sflag:s14] =	ssyncset.done $0x0  }
0xc7: {  	[sflag:s14] =	ssyncadd.s32 $0xFFFFC180  }
0xc8: {  	[spmem:s3] =	stream.indirect.scatter.add.f32 [tilespmem:s12], [sflag:$0x3], $0x80, s23, s11, $0xb8;
	[tilespmem:$0x1D000] =	vst v63  }
0xc9: {  	_ =	swait.ge [sflag:s9], $0x3E80  }
0xca: {  	[sflag:s9] =	ssyncset.done $0x0  }
0xcb: {  	[sflag:s9] =	ssyncadd.s32 $0xFFFFC180  }
0xcc: {  	[tilespmem:s12], [sflag:$0x1] =	stream.indirect.gather [hbm4b:s2+s11], $0x80, s24, s11, $0xb8;
	[tilespmem:$0x1D000] =	vst v63  }
0xcd: {  	_ =	swait.ge [sflag:s15], $0x3E80  }
0xce: {  	[sflag:s15] =	ssyncset.done $0x0  }
0xcf: {  	[sflag:s15] =	ssyncadd.s32 $0xFFFFC180  }
0xd0: {  	[spmem:s3] =	stream.indirect.scatter.add.f32 [tilespmem:s13], [sflag:$0x3], $0x80, s25, s11, $0xb8;
	[tilespmem:$0x1D000] =	vst v63  }
0xd1: {  	_ =	swait.ge [sflag:s9], $0x3E80  }
0xd2: {  	[sflag:s9] =	ssyncset.done $0x0  }
0xd3: {  	[sflag:s9] =	ssyncadd.s32 $0xFFFFC180  }
0xd4: {  	[tilespmem:s13], [sflag:$0x2] =	stream.indirect.gather [hbm4b:s2+s11], $0x80, s26, s11, $0xb8;
	[tilespmem:$0x1D000] =	vst v63  }
0xd5: {  	_ =	swait.ge [sflag:s14], $0x3E80  }
0xd6: {  	[sflag:s14] =	ssyncset.done $0x0  }
0xd7: {  	[sflag:s14] =	ssyncadd.s32 $0xFFFFC180  }
0xd8: {  	[spmem:s3] =	stream.indirect.scatter.add.f32 [tilespmem:s12], [sflag:$0x3], $0x80, s28, s11, $0xb8;
	[tilespmem:$0x1D000] =	vst v63  }
0xd9: {  	_ =	swait.ge [sflag:s9], $0x3E80  }
0xda: {  	[sflag:s9] =	ssyncset.done $0x0  }
0xdb: {  	[sflag:s9] =	ssyncadd.s32 $0xFFFFC180  }
0xdc: {  	[tilespmem:s12], [sflag:$0x1] =	stream.indirect.gather [hbm4b:s2+s11], $0x80, s29, s11, $0xb8;
	[tilespmem:$0x1D000] =	vst v63  }
0xdd: {  	_ =	swait.ge [sflag:s15], $0x3E80  }
0xde: {  	[sflag:s15] =	ssyncset.done $0x0  }
0xdf: {  	[sflag:s15] =	ssyncadd.s32 $0xFFFFC180  }
0xe0: {  	[spmem:s3] =	stream.indirect.scatter.add.f32 [tilespmem:s13], [sflag:$0x3], $0x80, s30, s11, $0xb8;
	[tilespmem:$0x1D000] =	vst v63  }
0xe1: {  	_ =	swait.ge [sflag:s9], $0x3E80  }
0xe2: {  	[sflag:s9] =	ssyncset.done $0x0  }
0xe3: {  	[sflag:s9] =	ssyncadd.s32 $0xFFFFC180  }
0xe4: {  	[tilespmem:s13], [sflag:$0x2] =	stream.indirect.gather [hbm4b:s2+s11], $0x80, s31, s11, $0xb8;
	[tilespmem:$0x1D000] =	vst v63  }
0xe5: {  	_ =	swait.ge [sflag:s14], $0x3E80  }
0xe6: {  	[sflag:s14] =	ssyncset.done $0x0  }
0xe7: {  	[sflag:s14] =	ssyncadd.s32 $0xFFFFC180  }
0xe8: {  	[spmem:s3] =	stream.indirect.scatter.add.f32 [tilespmem:s12], [sflag:$0x3], $0x80, s1, s11, $0xb8;
	[tilespmem:$0x1D000] =	vst v63  }
0xe9: {  	_ =	swait.ge [sflag:s9], $0x3E80  }
0xea: {  	[sflag:s9] =	ssyncset.done $0x0  }
0xeb: {  	[sflag:s9] =	ssyncadd.s32 $0xFFFFC180  }
0xec: {  	_ =	swait.ge [sflag:s15], $0x3E80  }
0xed: {  	[sflag:s15] =	ssyncset.done $0x0  }
0xee: {  	[sflag:s15] =	ssyncadd.s32 $0xFFFFC180  }
0xef: {  	[spmem:s3] =	stream.indirect.scatter.add.f32 [tilespmem:s13], [sflag:$0x3], $0x80, s0, s11, $0xb8;
	[tilespmem:$0x1D000] =	vst v63  }
0xf0: {  	s6 =	simm.s32 $0x200;
	_ =	swait.ge [sflag:s9], $0x3E80  }
0xf1: {  	s7 =	simm.s32 $0x100;
	s8 =	rddreg [dreg:$0x5];
	[sflag:s9] =	ssyncset.done $0x0  }
.LBB2_4:
0xf2: {  	[sflag:s9] =	ssyncadd.s32 $0xFFFFC180;
	s8 =	sadd.s32 s7, s8  }
0xf3: {  	[tilespmem:s4], [sflag:$0x3] =	stream.linear.gather [hbm4b:s8+s4], $0x800, $0x38;
	[tilespmem:$0x1D000] =	vst v63  }
0xf4: {  	_ =	swait.ge [sflag:s9], $0x800  }
0xf5: {  	s8 =	rddreg [dreg:$0x4];
	[sflag:s9] =	ssyncset.done $0x0  }
0xf6: {  	[sflag:s9] =	ssyncadd.s32 $0xFFFFF800;
	s8 =	sadd.s32 s7, s8  }
0xf7: {  	[tilespmem:s10], [sflag:$0x3] =	stream.linear.gather [hbm4b:s8+s4], $0x800, $0x38;
	[tilespmem:$0x1D000] =	vst v63  }
0xf8: {  	_ =	swait.ge [sflag:s9], $0x800  }
0xf9: {  	[sflag:s9] =	ssyncset.done $0x0  }
0xfa: {  	[sflag:s9] =	ssyncadd.s32 $0xFFFFF800  }
0xfb: {  	[tilespmem:s12], [sflag:$0x1] =	stream.indirect.gather [hbm4b:s2+s11], $0x80, s4, s11, $0xb8;
	[tilespmem:$0x1D000] =	vst v63  }
0xfc: {  	s8 =	rddreg [dreg:$0x6]  }
0xfd: {  	[tilespmem:s13], [sflag:$0x2] =	stream.indirect.gather [hbm4b:s2+s11], $0x80, s8, s11, $0xb8;
	[tilespmem:$0x1D000] =	vst v63  }
0xfe: {  	_ =	swait.ge [sflag:s14], $0x3E80  }
0xff: {  	[sflag:s14] =	ssyncset.done $0x0  }
0x100: {  	[sflag:s14] =	ssyncadd.s32 $0xFFFFC180  }
0x101: {  	[spmem:s3] =	stream.indirect.scatter.add.f32 [tilespmem:s12], [sflag:$0x3], $0x80, s10, s11, $0xb8;
	[tilespmem:$0x1D000] =	vst v63  }
0x102: {  	_ =	swait.ge [sflag:s9], $0x3E80  }
0x103: {  	[sflag:s9] =	ssyncset.done $0x0  }
0x104: {  	s8 =	rddreg [dreg:$0x7];
	[sflag:s9] =	ssyncadd.s32 $0xFFFFC180  }
0x105: {  	[tilespmem:s12], [sflag:$0x1] =	stream.indirect.gather [hbm4b:s2+s11], $0x80, s8, s11, $0xb8;
	[tilespmem:$0x1D000] =	vst v63  }
0x106: {  	_ =	swait.ge [sflag:s15], $0x3E80  }
0x107: {  	[sflag:s15] =	ssyncset.done $0x0  }
0x108: {  	s8 =	rddreg [dreg:$0x8];
	[sflag:s15] =	ssyncadd.s32 $0xFFFFC180  }
0x109: {  	[spmem:s3] =	stream.indirect.scatter.add.f32 [tilespmem:s13], [sflag:$0x3], $0x80, s8, s11, $0xb8;
	[tilespmem:$0x1D000] =	vst v63  }
0x10a: {  	_ =	swait.ge [sflag:s9], $0x3E80  }
0x10b: {  	[sflag:s9] =	ssyncset.done $0x0  }
0x10c: {  	s8 =	rddreg [dreg:$0x9];
	[sflag:s9] =	ssyncadd.s32 $0xFFFFC180  }
0x10d: {  	[tilespmem:s13], [sflag:$0x2] =	stream.indirect.gather [hbm4b:s2+s11], $0x80, s8, s11, $0xb8;
	[tilespmem:$0x1D000] =	vst v63  }
0x10e: {  	_ =	swait.ge [sflag:s14], $0x3E80  }
0x10f: {  	[sflag:s14] =	ssyncset.done $0x0  }
0x110: {  	s8 =	rddreg [dreg:$0xa];
	[sflag:s14] =	ssyncadd.s32 $0xFFFFC180  }
0x111: {  	[spmem:s3] =	stream.indirect.scatter.add.f32 [tilespmem:s12], [sflag:$0x3], $0x80, s8, s11, $0xb8;
	[tilespmem:$0x1D000] =	vst v63  }
0x112: {  	_ =	swait.ge [sflag:s9], $0x3E80  }
0x113: {  	[sflag:s9] =	ssyncset.done $0x0  }
0x114: {  	s8 =	rddreg [dreg:$0xb];
	[sflag:s9] =	ssyncadd.s32 $0xFFFFC180  }
0x115: {  	[tilespmem:s12], [sflag:$0x1] =	stream.indirect.gather [hbm4b:s2+s11], $0x80, s8, s11, $0xb8;
	[tilespmem:$0x1D000] =	vst v63  }
0x116: {  	_ =	swait.ge [sflag:s15], $0x3E80  }
0x117: {  	[sflag:s15] =	ssyncset.done $0x0  }
0x118: {  	s8 =	rddreg [dreg:$0xc];
	[sflag:s15] =	ssyncadd.s32 $0xFFFFC180  }
0x119: {  	[spmem:s3] =	stream.indirect.scatter.add.f32 [tilespmem:s13], [sflag:$0x3], $0x80, s8, s11, $0xb8;
	[tilespmem:$0x1D000] =	vst v63  }
0x11a: {  	_ =	swait.ge [sflag:s9], $0x3E80  }
0x11b: {  	[sflag:s9] =	ssyncset.done $0x0  }
0x11c: {  	s8 =	rddreg [dreg:$0xd];
	[sflag:s9] =	ssyncadd.s32 $0xFFFFC180  }
0x11d: {  	[tilespmem:s13], [sflag:$0x2] =	stream.indirect.gather [hbm4b:s2+s11], $0x80, s8, s11, $0xb8;
	[tilespmem:$0x1D000] =	vst v63  }
0x11e: {  	_ =	swait.ge [sflag:s14], $0x3E80  }
0x11f: {  	[sflag:s14] =	ssyncset.done $0x0  }
0x120: {  	s8 =	rddreg [dreg:$0xe];
	[sflag:s14] =	ssyncadd.s32 $0xFFFFC180  }
0x121: {  	[spmem:s3] =	stream.indirect.scatter.add.f32 [tilespmem:s12], [sflag:$0x3], $0x80, s8, s11, $0xb8;
	[tilespmem:$0x1D000] =	vst v63  }
0x122: {  	_ =	swait.ge [sflag:s9], $0x3E80  }
0x123: {  	[sflag:s9] =	ssyncset.done $0x0  }
0x124: {  	s8 =	rddreg [dreg:$0xf];
	[sflag:s9] =	ssyncadd.s32 $0xFFFFC180  }
0x125: {  	[tilespmem:s12], [sflag:$0x1] =	stream.indirect.gather [hbm4b:s2+s11], $0x80, s8, s11, $0xb8;
	[tilespmem:$0x1D000] =	vst v63  }
0x126: {  	_ =	swait.ge [sflag:s15], $0x3E80  }
0x127: {  	[sflag:s15] =	ssyncset.done $0x0  }
0x128: {  	s8 =	rddreg [dreg:$0x10];
	[sflag:s15] =	ssyncadd.s32 $0xFFFFC180  }
0x129: {  	[spmem:s3] =	stream.indirect.scatter.add.f32 [tilespmem:s13], [sflag:$0x3], $0x80, s8, s11, $0xb8;
	[tilespmem:$0x1D000] =	vst v63  }
0x12a: {  	_ =	swait.ge [sflag:s9], $0x3E80  }
0x12b: {  	[sflag:s9] =	ssyncset.done $0x0  }
0x12c: {  	s8 =	rddreg [dreg:$0x11];
	[sflag:s9] =	ssyncadd.s32 $0xFFFFC180  }
0x12d: {  	[tilespmem:s13], [sflag:$0x2] =	stream.indirect.gather [hbm4b:s2+s11], $0x80, s8, s11, $0xb8;
	[tilespmem:$0x1D000] =	vst v63  }
0x12e: {  	_ =	swait.ge [sflag:s14], $0x3E80  }
0x12f: {  	[sflag:s14] =	ssyncset.done $0x0  }
0x130: {  	s8 =	rddreg [dreg:$0x12];
	[sflag:s14] =	ssyncadd.s32 $0xFFFFC180  }
0x131: {  	[spmem:s3] =	stream.indirect.scatter.add.f32 [tilespmem:s12], [sflag:$0x3], $0x80, s8, s11, $0xb8;
	[tilespmem:$0x1D000] =	vst v63  }
0x132: {  	_ =	swait.ge [sflag:s9], $0x3E80  }
0x133: {  	s16 =	smov.u32 s6;
	[sflag:s9] =	ssyncset.done $0x0  }
0x134: {  	s7 =	smov.u32 s16;
	s16 =	simm.s32 $0x400;
	[sflag:s9] =	ssyncadd.s32 $0xFFFFC180  }
0x135: {  	[tilespmem:s12], [sflag:$0x1] =	stream.indirect.gather [hbm4b:s2+s11], $0x80, s16, s11, $0xb8;
	[tilespmem:$0x1D000] =	vst v63  }
0x136: {  	_ =	swait.ge [sflag:s15], $0x3E80  }
0x137: {  	[sflag:s15] =	ssyncset.done $0x0  }
0x138: {  	[sflag:s15] =	ssyncadd.s32 $0xFFFFC180  }
0x139: {  	[spmem:s3] =	stream.indirect.scatter.add.f32 [tilespmem:s13], [sflag:$0x3], $0x80, s17, s11, $0xb8;
	[tilespmem:$0x1D000] =	vst v63  }
0x13a: {  	_ =	swait.ge [sflag:s9], $0x3E80  }
0x13b: {  	[sflag:s9] =	ssyncset.done $0x0  }
0x13c: {  	[sflag:s9] =	ssyncadd.s32 $0xFFFFC180  }
0x13d: {  	[tilespmem:s13], [sflag:$0x2] =	stream.indirect.gather [hbm4b:s2+s11], $0x80, s18, s11, $0xb8;
	[tilespmem:$0x1D000] =	vst v63  }
0x13e: {  	_ =	swait.ge [sflag:s14], $0x3E80  }
0x13f: {  	[sflag:s14] =	ssyncset.done $0x0  }
0x140: {  	[sflag:s14] =	ssyncadd.s32 $0xFFFFC180  }
0x141: {  	[spmem:s3] =	stream.indirect.scatter.add.f32 [tilespmem:s12], [sflag:$0x3], $0x80, s19, s11, $0xb8;
	[tilespmem:$0x1D000] =	vst v63  }
0x142: {  	_ =	swait.ge [sflag:s9], $0x3E80  }
0x143: {  	[sflag:s9] =	ssyncset.done $0x0  }
0x144: {  	[sflag:s9] =	ssyncadd.s32 $0xFFFFC180  }
0x145: {  	[tilespmem:s12], [sflag:$0x1] =	stream.indirect.gather [hbm4b:s2+s11], $0x80, s20, s11, $0xb8;
	[tilespmem:$0x1D000] =	vst v63  }
0x146: {  	_ =	swait.ge [sflag:s15], $0x3E80  }
0x147: {  	[sflag:s15] =	ssyncset.done $0x0  }
0x148: {  	[sflag:s15] =	ssyncadd.s32 $0xFFFFC180  }
0x149: {  	[spmem:s3] =	stream.indirect.scatter.add.f32 [tilespmem:s13], [sflag:$0x3], $0x80, s21, s11, $0xb8;
	[tilespmem:$0x1D000] =	vst v63  }
0x14a: {  	_ =	swait.ge [sflag:s9], $0x3E80  }
0x14b: {  	[sflag:s9] =	ssyncset.done $0x0  }
0x14c: {  	[sflag:s9] =	ssyncadd.s32 $0xFFFFC180  }
0x14d: {  	[tilespmem:s13], [sflag:$0x2] =	stream.indirect.gather [hbm4b:s2+s11], $0x80, s22, s11, $0xb8;
	[tilespmem:$0x1D000] =	vst v63  }
0x14e: {  	_ =	swait.ge [sflag:s14], $0x3E80  }
0x14f: {  	[sflag:s14] =	ssyncset.done $0x0  }
0x150: {  	[sflag:s14] =	ssyncadd.s32 $0xFFFFC180  }
0x151: {  	[spmem:s3] =	stream.indirect.scatter.add.f32 [tilespmem:s12], [sflag:$0x3], $0x80, s23, s11, $0xb8;
	[tilespmem:$0x1D000] =	vst v63  }
0x152: {  	_ =	swait.ge [sflag:s9], $0x3E80  }
0x153: {  	[sflag:s9] =	ssyncset.done $0x0  }
0x154: {  	[sflag:s9] =	ssyncadd.s32 $0xFFFFC180  }
0x155: {  	[tilespmem:s12], [sflag:$0x1] =	stream.indirect.gather [hbm4b:s2+s11], $0x80, s24, s11, $0xb8;
	[tilespmem:$0x1D000] =	vst v63  }
0x156: {  	_ =	swait.ge [sflag:s15], $0x3E80  }
0x157: {  	[sflag:s15] =	ssyncset.done $0x0  }
0x158: {  	[sflag:s15] =	ssyncadd.s32 $0xFFFFC180  }
0x159: {  	[spmem:s3] =	stream.indirect.scatter.add.f32 [tilespmem:s13], [sflag:$0x3], $0x80, s25, s11, $0xb8;
	[tilespmem:$0x1D000] =	vst v63  }
0x15a: {  	_ =	swait.ge [sflag:s9], $0x3E80  }
0x15b: {  	[sflag:s9] =	ssyncset.done $0x0  }
0x15c: {  	[sflag:s9] =	ssyncadd.s32 $0xFFFFC180  }
0x15d: {  	[tilespmem:s13], [sflag:$0x2] =	stream.indirect.gather [hbm4b:s2+s11], $0x80, s26, s11, $0xb8;
	[tilespmem:$0x1D000] =	vst v63  }
0x15e: {  	_ =	swait.ge [sflag:s14], $0x3E80  }
0x15f: {  	[sflag:s14] =	ssyncset.done $0x0  }
0x160: {  	[sflag:s14] =	ssyncadd.s32 $0xFFFFC180  }
0x161: {  	[spmem:s3] =	stream.indirect.scatter.add.f32 [tilespmem:s12], [sflag:$0x3], $0x80, s28, s11, $0xb8;
	[tilespmem:$0x1D000] =	vst v63  }
0x162: {  	_ =	swait.ge [sflag:s9], $0x3E80  }
0x163: {  	[sflag:s9] =	ssyncset.done $0x0  }
0x164: {  	[sflag:s9] =	ssyncadd.s32 $0xFFFFC180  }
0x165: {  	[tilespmem:s12], [sflag:$0x1] =	stream.indirect.gather [hbm4b:s2+s11], $0x80, s29, s11, $0xb8;
	[tilespmem:$0x1D000] =	vst v63  }
0x166: {  	_ =	swait.ge [sflag:s15], $0x3E80  }
0x167: {  	[sflag:s15] =	ssyncset.done $0x0  }
0x168: {  	[sflag:s15] =	ssyncadd.s32 $0xFFFFC180  }
0x169: {  	[spmem:s3] =	stream.indirect.scatter.add.f32 [tilespmem:s13], [sflag:$0x3], $0x80, s30, s11, $0xb8;
	[tilespmem:$0x1D000] =	vst v63  }
0x16a: {  	_ =	swait.ge [sflag:s9], $0x3E80  }
0x16b: {  	[sflag:s9] =	ssyncset.done $0x0  }
0x16c: {  	[sflag:s9] =	ssyncadd.s32 $0xFFFFC180  }
0x16d: {  	[tilespmem:s13], [sflag:$0x2] =	stream.indirect.gather [hbm4b:s2+s11], $0x80, s31, s11, $0xb8;
	[tilespmem:$0x1D000] =	vst v63  }
0x16e: {  	_ =	swait.ge [sflag:s14], $0x3E80  }
0x16f: {  	[sflag:s14] =	ssyncset.done $0x0  }
0x170: {  	[sflag:s14] =	ssyncadd.s32 $0xFFFFC180  }
0x171: {  	[spmem:s3] =	stream.indirect.scatter.add.f32 [tilespmem:s12], [sflag:$0x3], $0x80, s1, s11, $0xb8;
	[tilespmem:$0x1D000] =	vst v63  }
0x172: {  	_ =	swait.ge [sflag:s9], $0x3E80  }
0x173: {  	[sflag:s9] =	ssyncset.done $0x0  }
0x174: {  	[sflag:s9] =	ssyncadd.s32 $0xFFFFC180  }
0x175: {  	p0 =	sne.s32 s6, $0x400;
	_ =	swait.ge [sflag:s15], $0x3E80  }
.Ltmp1:
0x176: {  	[sflag:s15] =	ssyncset.done $0x0;
	(pc) =	sbr.rel @p0 .LBB2_4-.Ltmp1, $4  }
0x177: {  	[sflag:s15] =	ssyncadd.s32 $0xFFFFC180  }
0x178: {  	[spmem:s3] =	stream.indirect.scatter.add.f32 [tilespmem:s13], [sflag:$0x3], $0x80, s0, s11, $0xb8;
	[tilespmem:$0x1D000] =	vst v63  }
0x179: {  	_ =	swait.ge [sflag:s9], $0x3E80  }
0x17a: {  	s6 =	sadd.s32 $0x100, s6;
	s8 =	rddreg [dreg:$0x5];
	[sflag:s9] =	ssyncset.done $0x0  }
0x17b: {  	[sflag:s9] =	ssyncadd.s32 $0xFFFFC180;
	s6 =	sadd.s32 s7, s8  }
0x17c: {  	[tilespmem:s4], [sflag:$0x3] =	stream.linear.gather [hbm4b:s6+s4], $0x800, $0x38;
	[tilespmem:$0x1D000] =	vst v63  }
0x17d: {  	_ =	swait.ge [sflag:s9], $0x800  }
0x17e: {  	s8 =	rddreg [dreg:$0x4];
	[sflag:s9] =	ssyncset.done $0x0  }
0x17f: {  	[sflag:s9] =	ssyncadd.s32 $0xFFFFF800;
	s6 =	sadd.s32 s7, s8  }
0x180: {  	[tilespmem:s10], [sflag:$0x3] =	stream.linear.gather [hbm4b:s6+s4], $0x800, $0x38;
	[tilespmem:$0x1D000] =	vst v63  }
0x181: {  	_ =	swait.ge [sflag:s9], $0x800  }
0x182: {  	[sflag:s9] =	ssyncset.done $0x0  }
0x183: {  	[sflag:s9] =	ssyncadd.s32 $0xFFFFF800  }
0x184: {  	[tilespmem:s12], [sflag:$0x1] =	stream.indirect.gather [hbm4b:s2+s11], $0x80, s4, s11, $0xb8;
	[tilespmem:$0x1D000] =	vst v63  }
0x185: {  	s7 =	rddreg [dreg:$0x6]  }
0x186: {  	[tilespmem:s13], [sflag:$0x2] =	stream.indirect.gather [hbm4b:s2+s11], $0x80, s7, s11, $0xb8;
	[tilespmem:$0x1D000] =	vst v63  }
0x187: {  	_ =	swait.ge [sflag:s14], $0x3E80  }
0x188: {  	[sflag:s14] =	ssyncset.done $0x0  }
0x189: {  	[sflag:s14] =	ssyncadd.s32 $0xFFFFC180  }
0x18a: {  	[spmem:s3] =	stream.indirect.scatter.add.f32 [tilespmem:s12], [sflag:$0x3], $0x80, s10, s11, $0xb8;
	[tilespmem:$0x1D000] =	vst v63  }
0x18b: {  	_ =	swait.ge [sflag:s9], $0x3E80  }
0x18c: {  	[sflag:s9] =	ssyncset.done $0x0  }
0x18d: {  	s8 =	rddreg [dreg:$0x7];
	[sflag:s9] =	ssyncadd.s32 $0xFFFFC180  }
0x18e: {  	[tilespmem:s12], [sflag:$0x1] =	stream.indirect.gather [hbm4b:s2+s11], $0x80, s8, s11, $0xb8;
	[tilespmem:$0x1D000] =	vst v63  }
0x18f: {  	_ =	swait.ge [sflag:s15], $0x3E80  }
0x190: {  	[sflag:s15] =	ssyncset.done $0x0  }
0x191: {  	s7 =	rddreg [dreg:$0x8];
	[sflag:s15] =	ssyncadd.s32 $0xFFFFC180  }
0x192: {  	[spmem:s3] =	stream.indirect.scatter.add.f32 [tilespmem:s13], [sflag:$0x3], $0x80, s7, s11, $0xb8;
	[tilespmem:$0x1D000] =	vst v63  }
0x193: {  	_ =	swait.ge [sflag:s9], $0x3E80  }
0x194: {  	[sflag:s9] =	ssyncset.done $0x0  }
0x195: {  	s8 =	rddreg [dreg:$0x9];
	[sflag:s9] =	ssyncadd.s32 $0xFFFFC180  }
0x196: {  	[tilespmem:s13], [sflag:$0x2] =	stream.indirect.gather [hbm4b:s2+s11], $0x80, s8, s11, $0xb8;
	[tilespmem:$0x1D000] =	vst v63  }
0x197: {  	_ =	swait.ge [sflag:s14], $0x3E80  }
0x198: {  	[sflag:s14] =	ssyncset.done $0x0  }
0x199: {  	s7 =	rddreg [dreg:$0xa];
	[sflag:s14] =	ssyncadd.s32 $0xFFFFC180  }
0x19a: {  	[spmem:s3] =	stream.indirect.scatter.add.f32 [tilespmem:s12], [sflag:$0x3], $0x80, s7, s11, $0xb8;
	[tilespmem:$0x1D000] =	vst v63  }
0x19b: {  	_ =	swait.ge [sflag:s9], $0x3E80  }
0x19c: {  	[sflag:s9] =	ssyncset.done $0x0  }
0x19d: {  	s8 =	rddreg [dreg:$0xb];
	[sflag:s9] =	ssyncadd.s32 $0xFFFFC180  }
0x19e: {  	[tilespmem:s12], [sflag:$0x1] =	stream.indirect.gather [hbm4b:s2+s11], $0x80, s8, s11, $0xb8;
	[tilespmem:$0x1D000] =	vst v63  }
0x19f: {  	_ =	swait.ge [sflag:s15], $0x3E80  }
0x1a0: {  	[sflag:s15] =	ssyncset.done $0x0  }
0x1a1: {  	s7 =	rddreg [dreg:$0xc];
	[sflag:s15] =	ssyncadd.s32 $0xFFFFC180  }
0x1a2: {  	[spmem:s3] =	stream.indirect.scatter.add.f32 [tilespmem:s13], [sflag:$0x3], $0x80, s7, s11, $0xb8;
	[tilespmem:$0x1D000] =	vst v63  }
0x1a3: {  	_ =	swait.ge [sflag:s9], $0x3E80  }
0x1a4: {  	[sflag:s9] =	ssyncset.done $0x0  }
0x1a5: {  	s8 =	rddreg [dreg:$0xd];
	[sflag:s9] =	ssyncadd.s32 $0xFFFFC180  }
0x1a6: {  	[tilespmem:s13], [sflag:$0x2] =	stream.indirect.gather [hbm4b:s2+s11], $0x80, s8, s11, $0xb8;
	[tilespmem:$0x1D000] =	vst v63  }
0x1a7: {  	_ =	swait.ge [sflag:s14], $0x3E80  }
0x1a8: {  	[sflag:s14] =	ssyncset.done $0x0  }
0x1a9: {  	s7 =	rddreg [dreg:$0xe];
	[sflag:s14] =	ssyncadd.s32 $0xFFFFC180  }
0x1aa: {  	[spmem:s3] =	stream.indirect.scatter.add.f32 [tilespmem:s12], [sflag:$0x3], $0x80, s7, s11, $0xb8;
	[tilespmem:$0x1D000] =	vst v63  }
0x1ab: {  	_ =	swait.ge [sflag:s9], $0x3E80  }
0x1ac: {  	[sflag:s9] =	ssyncset.done $0x0  }
0x1ad: {  	s8 =	rddreg [dreg:$0xf];
	[sflag:s9] =	ssyncadd.s32 $0xFFFFC180  }
0x1ae: {  	[tilespmem:s12], [sflag:$0x1] =	stream.indirect.gather [hbm4b:s2+s11], $0x80, s8, s11, $0xb8;
	[tilespmem:$0x1D000] =	vst v63  }
0x1af: {  	_ =	swait.ge [sflag:s15], $0x3E80  }
0x1b0: {  	[sflag:s15] =	ssyncset.done $0x0  }
0x1b1: {  	s7 =	rddreg [dreg:$0x10];
	[sflag:s15] =	ssyncadd.s32 $0xFFFFC180  }
0x1b2: {  	[spmem:s3] =	stream.indirect.scatter.add.f32 [tilespmem:s13], [sflag:$0x3], $0x80, s7, s11, $0xb8;
	[tilespmem:$0x1D000] =	vst v63  }
0x1b3: {  	_ =	swait.ge [sflag:s9], $0x3E80  }
0x1b4: {  	[sflag:s9] =	ssyncset.done $0x0  }
0x1b5: {  	s8 =	rddreg [dreg:$0x11];
	[sflag:s9] =	ssyncadd.s32 $0xFFFFC180  }
0x1b6: {  	[tilespmem:s13], [sflag:$0x2] =	stream.indirect.gather [hbm4b:s2+s11], $0x80, s8, s11, $0xb8;
	[tilespmem:$0x1D000] =	vst v63  }
0x1b7: {  	_ =	swait.ge [sflag:s14], $0x3E80  }
0x1b8: {  	[sflag:s14] =	ssyncset.done $0x0  }
0x1b9: {  	s7 =	rddreg [dreg:$0x12];
	[sflag:s14] =	ssyncadd.s32 $0xFFFFC180  }
0x1ba: {  	[spmem:s3] =	stream.indirect.scatter.add.f32 [tilespmem:s12], [sflag:$0x3], $0x80, s7, s11, $0xb8;
	[tilespmem:$0x1D000] =	vst v63  }
0x1bb: {  	_ =	swait.ge [sflag:s9], $0x3E80  }
0x1bc: {  	[sflag:s9] =	ssyncset.done $0x0  }
0x1bd: {  	[sflag:s9] =	ssyncadd.s32 $0xFFFFC180  }
0x1be: {  	[tilespmem:s12], [sflag:$0x1] =	stream.indirect.gather [hbm4b:s2+s11], $0x80, s16, s11, $0xb8;
	[tilespmem:$0x1D000] =	vst v63  }
0x1bf: {  	_ =	swait.ge [sflag:s15], $0x3E80  }
0x1c0: {  	[sflag:s15] =	ssyncset.done $0x0  }
0x1c1: {  	[sflag:s15] =	ssyncadd.s32 $0xFFFFC180  }
0x1c2: {  	[spmem:s3] =	stream.indirect.scatter.add.f32 [tilespmem:s13], [sflag:$0x3], $0x80, s17, s11, $0xb8;
	[tilespmem:$0x1D000] =	vst v63  }
0x1c3: {  	_ =	swait.ge [sflag:s9], $0x3E80  }
0x1c4: {  	[sflag:s9] =	ssyncset.done $0x0  }
0x1c5: {  	[sflag:s9] =	ssyncadd.s32 $0xFFFFC180  }
0x1c6: {  	[tilespmem:s13], [sflag:$0x2] =	stream.indirect.gather [hbm4b:s2+s11], $0x80, s18, s11, $0xb8;
	[tilespmem:$0x1D000] =	vst v63  }
0x1c7: {  	_ =	swait.ge [sflag:s14], $0x3E80  }
0x1c8: {  	[sflag:s14] =	ssyncset.done $0x0  }
0x1c9: {  	[sflag:s14] =	ssyncadd.s32 $0xFFFFC180  }
0x1ca: {  	[spmem:s3] =	stream.indirect.scatter.add.f32 [tilespmem:s12], [sflag:$0x3], $0x80, s19, s11, $0xb8;
	[tilespmem:$0x1D000] =	vst v63  }
0x1cb: {  	_ =	swait.ge [sflag:s9], $0x3E80  }
0x1cc: {  	[sflag:s9] =	ssyncset.done $0x0  }
0x1cd: {  	[sflag:s9] =	ssyncadd.s32 $0xFFFFC180  }
0x1ce: {  	[tilespmem:s12], [sflag:$0x1] =	stream.indirect.gather [hbm4b:s2+s11], $0x80, s20, s11, $0xb8;
	[tilespmem:$0x1D000] =	vst v63  }
0x1cf: {  	_ =	swait.ge [sflag:s15], $0x3E80  }
0x1d0: {  	[sflag:s15] =	ssyncset.done $0x0  }
0x1d1: {  	[sflag:s15] =	ssyncadd.s32 $0xFFFFC180  }
0x1d2: {  	[spmem:s3] =	stream.indirect.scatter.add.f32 [tilespmem:s13], [sflag:$0x3], $0x80, s21, s11, $0xb8;
	[tilespmem:$0x1D000] =	vst v63  }
0x1d3: {  	_ =	swait.ge [sflag:s9], $0x3E80  }
0x1d4: {  	[sflag:s9] =	ssyncset.done $0x0  }
0x1d5: {  	[sflag:s9] =	ssyncadd.s32 $0xFFFFC180  }
0x1d6: {  	[tilespmem:s13], [sflag:$0x2] =	stream.indirect.gather [hbm4b:s2+s11], $0x80, s22, s11, $0xb8;
	[tilespmem:$0x1D000] =	vst v63  }
0x1d7: {  	_ =	swait.ge [sflag:s14], $0x3E80  }
0x1d8: {  	[sflag:s14] =	ssyncset.done $0x0  }
0x1d9: {  	[sflag:s14] =	ssyncadd.s32 $0xFFFFC180  }
0x1da: {  	[spmem:s3] =	stream.indirect.scatter.add.f32 [tilespmem:s12], [sflag:$0x3], $0x80, s23, s11, $0xb8;
	[tilespmem:$0x1D000] =	vst v63  }
0x1db: {  	_ =	swait.ge [sflag:s9], $0x3E80  }
0x1dc: {  	[sflag:s9] =	ssyncset.done $0x0  }
0x1dd: {  	[sflag:s9] =	ssyncadd.s32 $0xFFFFC180  }
0x1de: {  	[tilespmem:s12], [sflag:$0x1] =	stream.indirect.gather [hbm4b:s2+s11], $0x80, s24, s11, $0xb8;
	[tilespmem:$0x1D000] =	vst v63  }
0x1df: {  	_ =	swait.ge [sflag:s15], $0x3E80  }
0x1e0: {  	[sflag:s15] =	ssyncset.done $0x0  }
0x1e1: {  	[sflag:s15] =	ssyncadd.s32 $0xFFFFC180  }
0x1e2: {  	[spmem:s3] =	stream.indirect.scatter.add.f32 [tilespmem:s13], [sflag:$0x3], $0x80, s25, s11, $0xb8;
	[tilespmem:$0x1D000] =	vst v63  }
0x1e3: {  	_ =	swait.ge [sflag:s9], $0x3E80  }
0x1e4: {  	[sflag:s9] =	ssyncset.done $0x0  }
0x1e5: {  	[sflag:s9] =	ssyncadd.s32 $0xFFFFC180  }
0x1e6: {  	[tilespmem:s13], [sflag:$0x2] =	stream.indirect.gather [hbm4b:s2+s11], $0x80, s26, s11, $0xb8;
	[tilespmem:$0x1D000] =	vst v63  }
0x1e7: {  	_ =	swait.ge [sflag:s14], $0x3E80  }
0x1e8: {  	[sflag:s14] =	ssyncset.done $0x0  }
0x1e9: {  	[sflag:s14] =	ssyncadd.s32 $0xFFFFC180  }
0x1ea: {  	[spmem:s3] =	stream.indirect.scatter.add.f32 [tilespmem:s12], [sflag:$0x3], $0x80, s28, s11, $0xb8;
	[tilespmem:$0x1D000] =	vst v63  }
0x1eb: {  	_ =	swait.ge [sflag:s9], $0x3E80  }
0x1ec: {  	[sflag:s9] =	ssyncset.done $0x0  }
0x1ed: {  	[sflag:s9] =	ssyncadd.s32 $0xFFFFC180  }
0x1ee: {  	[tilespmem:s12], [sflag:$0x1] =	stream.indirect.gather [hbm4b:s2+s11], $0x80, s29, s11, $0xb8;
	[tilespmem:$0x1D000] =	vst v63  }
0x1ef: {  	_ =	swait.ge [sflag:s15], $0x3E80  }
0x1f0: {  	[sflag:s15] =	ssyncset.done $0x0  }
0x1f1: {  	[sflag:s15] =	ssyncadd.s32 $0xFFFFC180  }
0x1f2: {  	[spmem:s3] =	stream.indirect.scatter.add.f32 [tilespmem:s13], [sflag:$0x3], $0x80, s30, s11, $0xb8;
	[tilespmem:$0x1D000] =	vst v63  }
0x1f3: {  	_ =	swait.ge [sflag:s9], $0x3E80  }
0x1f4: {  	[sflag:s9] =	ssyncset.done $0x0  }
0x1f5: {  	[sflag:s9] =	ssyncadd.s32 $0xFFFFC180  }
0x1f6: {  	[tilespmem:s13], [sflag:$0x2] =	stream.indirect.gather [hbm4b:s2+s11], $0x80, s31, s11, $0xb8;
	[tilespmem:$0x1D000] =	vst v63  }
0x1f7: {  	_ =	swait.ge [sflag:s14], $0x3E80  }
0x1f8: {  	[sflag:s14] =	ssyncset.done $0x0  }
0x1f9: {  	[sflag:s14] =	ssyncadd.s32 $0xFFFFC180  }
0x1fa: {  	[spmem:s3] =	stream.indirect.scatter.add.f32 [tilespmem:s12], [sflag:$0x3], $0x80, s1, s11, $0xb8;
	[tilespmem:$0x1D000] =	vst v63  }
0x1fb: {  	_ =	swait.ge [sflag:s9], $0x3E80  }
0x1fc: {  	[sflag:s9] =	ssyncset.done $0x0  }
0x1fd: {  	[sflag:s9] =	ssyncadd.s32 $0xFFFFC180  }
0x1fe: {  	_ =	swait.ge [sflag:s15], $0x3E80  }
0x1ff: {  	[sflag:s15] =	ssyncset.done $0x0  }
0x200: {  	[sflag:s15] =	ssyncadd.s32 $0xFFFFC180  }
0x201: {  	[spmem:s3] =	stream.indirect.scatter.add.f32 [tilespmem:s13], [sflag:$0x3], $0x80, s0, s11, $0xb8;
	[tilespmem:$0x1D000] =	vst v63  }
0x202: {  	_ =	swait.ge [sflag:s9], $0x3E80  }
0x203: {  	[sflag:s9] =	ssyncset.done $0x0  }
0x204: {  	s8 =	stileid.u32;
	[sflag:s9] =	ssyncadd.s32 $0xFFFFC180  }
0x205: {  	s6 =	sshll.u32 s8, $0x6;
	[bflag:$0x0] =	sbarrier.arrive $0xFFFF  }
0x206: {  	s6 =	sor.u32 $0x1C03, s6;
	s7 =	sshrl.u32 s5, $0x3;
	s8 =	rddreg [dreg:$0x13]  }
0x207: {  	[hbm:s8], [sflag:s6] =	dma.local [spmem:s7], $0x2780  }
0x208: {  	_ =	swait.ge [sflag:s9], $0x2780  }
0x209: {  	s6 =	rddreg [dreg:$0x15]  }
0x20a: {  	s8 =	rddreg [dreg:$0x14];
	s7 =	sadd.s32 $0x1, s6  }
0x20b: {  	p0 =	sne.s32 s7, s8  }
.Ltmp2:
0x20c: {  	_ = 	snop;
	(pc) =	sbr.rel @p0 .LBB2_1-.Ltmp2, $3  }
0x20d: {  	_ =	sdelay $0x1  }
0x20e: {  	[sflag:s9] =	ssyncset.done $0x0  }
0x20f: {  	[sflag:s9] =	ssyncadd.s32 $0xFFFFD880;
	s8 =	simm.s32 $0x1000  }
0x210: {  	_ =	sfence.sel $0x180000  }
0x211: {  	[bflag:$0x0] =	sbarrier.arrive $0xFFFF  }
0x212: {  	_ =	strace $0x9000004A  }
0x213: {  	s0 =	stileid.u32;
	[bflag:$0x2] =	sbarrier.arrive $0xFFFF  }
0x214: {  	p0 =	sne.s32 s0, $0x0;
	s0 =	rddreg [dreg:$0x3]  }
0x215: {  	s0 =	sadd.s32 @!p0 $0x100000, s0  }
0x216: {  	[sflag:s0] =	ssyncadd.tile.s32 @!p0 $0x1;
	_ =	shalt  }
.Lfunc_end2:
_tile_overlayer_lowered:
.L_overlay_start_2:
0x217: {  	(tag) =	ssettag $0x2  }
0x218: {  	s0 =	rddreg [dreg:$0x0];
	s2 =	stileid.u32  }
0x219: {  	s1 =	rddreg [dreg:$0x1];
	p0 =	sne.s32 s2, $0x0  }
0x21a: {  	s3 =	rddreg [dreg:$0x2];
	[bflag:$0x3] =	sbarrier.arrive $0xFFFF;
	s2 =	simm.s32 @!p0 $0x1C03  }
0x21b: {  	[timem:s3], [sflag:s2] =	dma.local @!p0 [hbm:s0], s1  }
0x21c: {  	s0 =	simm.s32 @!p0 $0x3  }
0x21d: {  	_ =	swait.ge @!p0 [sflag:s0], s1  }
0x21e: {  	s1 =	ssub.s32 @!p0 $0x0, s1;
	[sflag:s0] =	ssyncset.done @!p0 $0x0  }
0x21f: {  	[sflag:s0] =	ssyncadd.s32 @!p0 s1  }
0x220: {  	[bflag:$0x3] =	sbarrier.arrive $0xFFFF  }
0x221: {  	_ =	shalt  }

// kernel: kernel.16.cloned.1.call-start
scs
__scs_entry_jumppad:
0x0: {  	(pc) =	sbr.rel $0x88, $3  }
0x1: {  	(tag) =	ssettag $0x0;
	lr =	simm.s32 $0x1  }
0x2: {  	[smem:$0x3F97] =	sst lr;
	_ =	strace $0xD0000000  }
0x3: {  	_ = 	snop  }
0x4: {  	_ = 	snop  }
0x5: {  	_ = 	snop  }
0x6: {  	_ = 	snop  }
0x7: {  	_ = 	snop  }
__scs_overlays_trampoline_lowered:
0x8: {  	[smem:$0x3FA6] =	sst s0  }
0x9: {  	[smem:$0x3FA7] =	sst s1  }
0xa: {  	[smem:$0x3FA8] =	sst s2  }
0xb: {  	[smem:$0x3FA9] =	sst s3  }
0xc: {  	[smem:$0x3FAA] =	sst s4  }
0xd: {  	[smem:$0x3FAB] =	sst s5  }
0xe: {  	[smem:$0x3FAC] =	sst s6  }
0xf: {  	[smem:$0x3FAD] =	sst s7  }
0x10: {  	[smem:$0x3FAE] =	sst s8  }
0x11: {  	[smem:$0x3FAF] =	sst s9;
	s0 =	simm.s32 @!p0 $0x0  }
0x12: {  	s1 =	sld [smem:$0x3F95];
	s0 =	simm.s32 @p0 $0x1  }
0x13: {  	[smem:$0x3FB0] =	sst s0;
	s0 =	simm.s32 @!p1 $0x0  }
0x14: {  	s2 =	sld [smem:$0x3F94];
	s0 =	simm.s32 @p1 $0x1  }
0x15: {  	[smem:$0x3FB1] =	sst s0;
	s0 =	simm.s32 @!p2 $0x0  }
0x16: {  	s3 =	sld [smem:$0x3FDB];
	s0 =	simm.s32 @p2 $0x1  }
0x17: {  	s4 =	simm.s32 $0x1BF5;
	[smem:$0x3FB3] =	sst s0  }
0x18: {  	s0 =	sld [smem:$0x3F96];
	_ =	swait.ge [sflag:s4], $0x0  }
0x19: {  	s7 =	sld [smem:$0x3F97]  }
0x1a: {  	s8 =	sadd.s32 $0xFFFFE003, lr  }
0x1b: {  	s9 =	sadd.s32 $0xFFFFFEF7, lr;
	s5 =	simm.s32 $0xFFFFFFFF;
	p2 =	slt.u32 s8, $0xFFFFF086  }
0x1c: {  	p1 =	slt.u32 s9, $0xF7A;
	s5 =	simm.s32 @!p2 $0x0  }
0x1d: {  	s5 =	simm.s32 @p1 $0x1;
	p0 =	seq.s32 s7, s2  }
0x1e: {  	s7 =	smul.u32 @!p0 $0xF7A, s2;
	p2 =	seq.s32 @!p0 s5, $0x0  }
0x1f: {  	s9 =	smul.u32 $0xF7A, s1;
	s8 =	simm.s32 @!p0 $0x1BF5;
	p2 =	por !p2, p0  }
0x20: {  	[sflag:s8] =	ssyncset.s32 @!p0 $0xFFFFF086;
	s6 =	sadd.s32 @!p0 s3, s7;
	s7 =	simm.s32 @!p0 $0x108  }
0x21: {  	s3 =	sadd.s32 s3, s9;
	s6 =	sadd.s32 @!p0 $0x88, s6;
	s7 =	simm.s32 @p2 $0x1082  }
0x22: {  	[simem:s7], [sflag:s8] =	dma.local @!p0 [hbm:s6], $0xF7A  }
0x23: {  	s9 =	sor.u32 $0xD0000000, s2;
	s6 =	simm.s32 $0x108;
	_ =	swait.ge @!p0 [sflag:s8], $0x0  }
0x24: {  	s3 =	sadd.s32 $0x88, s3;
	s6 =	simm.s32 @!p1 $0x1082;
	[sflag:s4] =	ssyncset.s32 $0xFFFFF086  }
0x25: {  	[simem:s6], [sflag:s4] =	dma.local [hbm:s3], $0xF7A  }
0x26: {  	[smem:$0x3F97] =	sst s1;
	(tag) =	ssettag s2;
	_ =	strace s9  }
0x27: {  	s1 =	sld [smem:$0x3FA7]  }
0x28: {  	s2 =	sld [smem:$0x3FA8]  }
0x29: {  	s4 =	sld [smem:$0x3FAA]  }
0x2a: {  	p0 =	seq.s32 s5, $0x0;
	s5 =	sld [smem:$0x3FAB]  }
0x2b: {  	s6 =	sld [smem:$0x3FAC]  }
0x2c: {  	s7 =	sld [smem:$0x3FAD]  }
0x2d: {  	s3 =	simm.s32 $0x108;
	s8 =	sld [smem:$0x3FAE]  }
0x2e: {  	s3 =	simm.s32 @!p0 $0x1082;
	s9 =	sld [smem:$0x3FAF]  }
0x2f: {  	lr =	sadd.s32 s0, s3;
	s0 =	sld [smem:$0x3FA6]  }
0x30: {  	s3 =	sld [smem:$0x3FA9]  }
0x31: {  	[smem:$0x3FB2] =	sst s10  }
0x32: {  	s10 =	sld [smem:$0x3FB0];
	_ =	sdelay $0x3  }
0x33: {  	p0 =	seq.s32 s10, $0x1;
	s10 =	sld [smem:$0x3FB2];
	_ =	sdelay $0x3  }
0x34: {  	[smem:$0x3FB2] =	sst s10  }
0x35: {  	s10 =	sld [smem:$0x3FB1];
	_ =	sdelay $0x3  }
0x36: {  	p1 =	seq.s32 s10, $0x1;
	s10 =	sld [smem:$0x3FB2];
	_ =	sdelay $0x3  }
0x37: {  	[smem:$0x3FB2] =	sst s10  }
0x38: {  	s10 =	sld [smem:$0x3FB3]  }
0x39: {  	_ = 	snop;
	(pc) =	sbr.ind lr, $3  }
0x3a: {  	_ = 	snop  }
0x3b: {  	_ = 	snop  }
0x3c: {  	p2 =	seq.s32 s10, $0x1;
	s10 =	sld [smem:$0x3FB2]  }
0x3d: {  	_ =	shalt  }
0x3e: {  	_ =	shalt  }
0x3f: {  	_ =	shalt  }
0x40: {  	_ =	shalt  }
0x41: {  	_ =	shalt  }
0x42: {  	_ =	shalt  }
0x43: {  	_ =	shalt  }
0x44: {  	_ =	shalt  }
0x45: {  	_ =	shalt  }
0x46: {  	_ =	shalt  }
0x47: {  	_ =	shalt  }
0x48: {  	_ =	shalt  }
0x49: {  	_ =	shalt  }
0x4a: {  	_ =	shalt  }
0x4b: {  	_ =	shalt  }
0x4c: {  	_ =	shalt  }
0x4d: {  	_ =	shalt  }
0x4e: {  	_ =	shalt  }
0x4f: {  	_ =	shalt  }
0x50: {  	_ =	shalt  }
0x51: {  	_ =	shalt  }
0x52: {  	_ =	shalt  }
0x53: {  	_ =	shalt  }
0x54: {  	_ =	shalt  }
0x55: {  	_ =	shalt  }
0x56: {  	_ =	shalt  }
0x57: {  	_ =	shalt  }
0x58: {  	_ =	shalt  }
0x59: {  	_ =	shalt  }
0x5a: {  	_ =	shalt  }
0x5b: {  	_ =	shalt  }
0x5c: {  	_ =	shalt  }
0x5d: {  	_ =	shalt  }
0x5e: {  	_ =	shalt  }
0x5f: {  	_ =	shalt  }
0x60: {  	_ =	shalt  }
0x61: {  	_ =	shalt  }
0x62: {  	_ =	shalt  }
0x63: {  	_ =	shalt  }
0x64: {  	_ =	shalt  }
0x65: {  	_ =	shalt  }
0x66: {  	_ =	shalt  }
0x67: {  	_ =	shalt  }
0x68: {  	_ =	shalt  }
0x69: {  	_ =	shalt  }
0x6a: {  	_ =	shalt  }
0x6b: {  	_ =	shalt  }
0x6c: {  	_ =	shalt  }
0x6d: {  	_ =	shalt  }
0x6e: {  	_ =	shalt  }
0x6f: {  	_ =	shalt  }
0x70: {  	_ =	shalt  }
0x71: {  	_ =	shalt  }
0x72: {  	_ =	shalt  }
0x73: {  	_ =	shalt  }
0x74: {  	_ =	shalt  }
0x75: {  	_ =	shalt  }
0x76: {  	_ =	shalt  }
0x77: {  	_ =	shalt  }
0x78: {  	_ =	shalt  }
0x79: {  	_ =	shalt  }
0x7a: {  	_ =	shalt  }
0x7b: {  	_ =	shalt  }
0x7c: {  	_ =	shalt  }
0x7d: {  	_ =	shalt  }
0x7e: {  	_ =	shalt  }
0x7f: {  	_ =	shalt  }
0x80: {  	_ =	shalt  }
0x81: {  	_ =	shalt  }
0x82: {  	_ =	shalt  }
0x83: {  	_ =	shalt  }
0x84: {  	_ =	shalt  }
0x85: {  	_ =	shalt  }
0x86: {  	_ =	shalt  }
0x87: {  	_ =	shalt  }
.Lfunc_end0:
.L_simem_size_0:
called_computation.2_lowered:
.L_overlay_start_0:
0x88: {  	s2 =	sld [smem:$0x3FD9]  }
0x89: {  	s3 =	sld [smem:$0x3FFE];
	_ =	sdelay $0x1  }
0x8a: {  	s1 =	srdreg.scid  }
0x8b: {  	s0 =	sand.u32 $0x1, s1  }
0x8c: {  	s17 =	sshll.u32 s0, $0xA;
	s2 =	sadd.s32 s3, s2  }
0x8d: {  	s2 =	sadd.s32 s2, s17  }
0x8e: {  	[smem:$0x3FBE] =	sst s2  }
0x8f: {  	_ = 	snop  }
0x90: {  	s2 =	sld [smem:$0x3FD0];
	(tm) =	ssettm $0x1  }
0x91: {  	s18 =	sld [smem:$0x3FFB];
	_ =	sdelay $0x3  }
0x92: {  	_ =	strace s18  }
0x93: {  	s3 =	sld [smem:$0x3FFC];
	_ =	sdelay $0x3  }
0x94: {  	_ =	strace s3  }
0x95: {  	s3 =	sld [smem:$0x3FFD];
	_ =	sdelay $0x3  }
0x96: {  	_ =	strace s3  }
0x97: {  	_ =	strace $0x8FFFFFFF  }
0x98: {  	s19 =	sld [smem:$0x3FDB];
	_ =	sdelay $0x1  }
0x99: {  	s4 =	simm.s32 $_scs_section_size  }
0x9a: {  	s5 =	simm.s32 $_size__tile_overlayer_lowered;
	s6 =	simm.s32 $_tile_overlayer_lowered  }
0x9b: {  	s22 =	simm.s32 $0x1BFF;
	s21 =	sshll.u32 s6, $0x1;
	s3 =	sadd.s32 s4, s19  }
0x9c: {  	s7 =	simm.s32 $0x0;
	s20 =	sshll.u32 s5, $0x1;
	s5 =	sadd.s32 s21, s3  }
0x9d: {  	[timem:s7], [sflag:s22] =	dma.local [hbm:s5], s20  }
0x9e: {  	_ =	swait.ge [sflag:s22], s20  }
0x9f: {  	s4 =	ssub.s32 $0x0, s20;
	[sflag:s22] =	ssyncset.done $0x0  }
0xa0: {  	[sflag:s22] =	ssyncadd.s32 s4;
	_ =	sdelay $0x1  }
0xa1: {  	s23 =	simm.s32 $0x1B8B  }
0xa2: {  	_ =	swait.ge [sflag:s23], $0x1  }
0xa3: {  	[sflag:s23] =	ssyncset.done $0x0  }
0xa4: {  	s25 =	simm.s32 $0x1B8E;
	s24 =	sld [smem:$0x3FFE];
	[sflag:s23] =	ssyncadd.s32 $0xFFFFFFFF  }
0xa5: {  	s26 =	simm.s32 $execute0_lowered;
	[smem:$0x3FD2] =	sst s25  }
0xa6: {  	s5 =	sshll.u32 s26, $0x1;
	_ =	strace $0x8000004C;
	[dreg:$0x1] =	wrdreg $0xFFFFFFFF  }
0xa7: {  	s28 =	simm.s32 $_size_execute0_lowered;
	s3 =	sadd.s32 s3, s5;
	[dreg:$0x0] =	wrdreg $0x0  }
0xa8: {  	s5 =	sshll.u32 s28, $0x1;
	[dreg:$0x2] =	wrdreg s3  }
0xa9: {  	[dreg:$0x3] =	wrdreg s5  }
0xaa: {  	[dreg:$0x4] =	wrdreg $0xC0  }
0xab: {  	_ =	task [dreg:s7], $0x5FFFF  }
0xac: {  	[dreg:$0x1] =	wrdreg $0xFFFFFFFF  }
0xad: {  	[dreg:$0x0] =	wrdreg $0x60  }
0xae: {  	[dreg:$0x2] =	wrdreg s24  }
0xaf: {  	[dreg:$0x3] =	wrdreg s2  }
0xb0: {  	[dreg:$0x4] =	wrdreg $0x94000  }
0xb1: {  	[dreg:$0x5] =	wrdreg $0x9  }
0xb2: {  	_ =	task.clear_ibuf [dreg:s7], $0x6FFFF;
	_ =	strace $0x9000004C  }
0xb3: {  	s29 =	simm.s32 $0x9;
	_ =	strace $0x8000004E  }
0xb4: {  	_ =	swait.ge [sflag:s29], $0x1  }
0xb5: {  	[sflag:s29] =	ssyncadd.s32 $0xFFFFFFFF  }
0xb6: {  	_ =	strace $0x9000004E  }
0xb7: {  	_ =	sfence  }
0xb8: {  	s30 =	sld [smem:$0x0];
	_ =	sdelay $0x2  }
0xb9: {  	s31 =	sshll.u32 s1, $0xD;
	s1 =	sshrl.u32 s1, $0x2  }
0xba: {  	s3 =	sand.u32 $0x4000, s31;
	s1 =	sadd.s32 s1, s30  }
0xbb: {  	s0 =	sor.u32 s3, s0;
	s1 =	sshll.u32 s1, $0x11  }
0xbc: {  	s0 =	sor.u32 s1, s0  }
0xbd: {  	s0 =	sadd.s32 $0x8F2B, s0  }
0xbe: {  	[sflag:s0] =	ssyncadd.remote.s32 $0x1  }
0xbf: {  	_ =	sfence.sel $0xFFFF  }
0xc0: {  	[dreg:$0x0] =	wrdreg $0xFFFFFFFF;
	(pc) =	sbr.abs _section_cstart, $3  }
0xc1: {  	[dreg:$0x1] =	wrdreg $0xFFFFFFFF  }
0xc2: {  	_ =	task.clear_ibuf [dreg:s7], $0x2FFFF;
	_ =	strace $0x9FFFFFFF  }
0xc3: {  	(tm) =	ssettm $0x7FFFFFFF  }
tec
execute0_lowered:
.L_overlay_start_1:
0x0: {  	(tag) =	ssettag $0x1  }
0x1: {  	s0 =	srdreg.scid;
	s5 =	rddreg [dreg:$0x0]  }
0x2: {  	s8 =	stileid.u32;
	s2 =	rddreg [dreg:$0x1]  }
0x3: {  	s3 =	rddreg [dreg:$0x2];
	s12 =	simm.s32 $0x80;
	s14 =	simm.s32 $0x100  }
0x4: {  	s15 =	simm.s32 $0x880;
	s17 =	simm.s32 $0x180;
	s18 =	simm.s32 $0x900  }
0x5: {  	s19 =	simm.s32 $0x200;
	s0 =	sand.u32 $0x1, s0;
	s1 =	smul.u32 $0x5000, s8  }
0x6: {  	s20 =	simm.s32 $0x980;
	s21 =	simm.s32 $0x280;
	s4 =	smul.u32 $0x2800, s0  }
0x7: {  	s9 =	simm.s32 $0x3;
	s22 =	simm.s32 $0xA00;
	s23 =	simm.s32 $0x300  }
0x8: {  	s24 =	simm.s32 $0xA80;
	s1 =	sadd.s32 s4, s1;
	s4 =	simm.s32 $0x0  }
0x9: {  	s25 =	simm.s32 $0x380;
	s26 =	simm.s32 $0xB00;
	[smem:$0x7FF] =	sst s4  }
0xa: {  	s28 =	simm.s32 $0xE00;
	_ =	strace $0x8000004D;
	[dreg:$0x6] =	wrdreg s12  }
0xb: {  	s6 =	smul.u32 $0x13C000, s0;
	s0 =	ssub.s32 $0x2, s0;
	[dreg:$0x7] =	wrdreg s14  }
0xc: {  	s29 =	simm.s32 $0x700;
	s11 =	sshrl.u32 s0, $0x1;
	[dreg:$0x8] =	wrdreg s15  }
0xd: {  	s30 =	simm.s32 $0xE80;
	s0 =	ssub.s32 s0, s11;
	[dreg:$0x9] =	wrdreg s17  }
0xe: {  	s13 =	smul.u32 $0x4F000, s8;
	s0 =	smax.u32 s0, $0x1;
	[dreg:$0xa] =	wrdreg s18  }
0xf: {  	s31 =	simm.s32 $0x780;
	s7 =	smul.u32 $0x13C00, s8;
	[dreg:$0x14] =	wrdreg s0  }
0x10: {  	s8 =	simm.s32 $0x1000;
	s16 =	sshrl.u32 s13, $0x2;
	[dreg:$0xb] =	wrdreg s19  }
0x11: {  	s13 =	simm.s32 $0x5400;
	s6 =	sadd.s32 s7, s6;
	[dreg:$0xc] =	wrdreg s20  }
0x12: {  	s11 =	simm.s32 $0x7D;
	s7 =	simm.s32 $0x0;
	[dreg:$0xd] =	wrdreg s21  }
0x13: {  	s1 =	sshrl.u32 s1, $0x3;
	s6 =	sshrl.u32 s6, $0x3;
	[dreg:$0xe] =	wrdreg s22  }
0x14: {  	s1 =	sadd.s32 s1, s5;
	s6 =	sadd.s32 s6, s5;
	[dreg:$0xf] =	wrdreg s23  }
0x15: {  	s5 =	sadd.s32 s16, s3;
	s12 =	simm.s32 $0x1400;
	[dreg:$0x10] =	wrdreg s24  }
0x16: {  	[dreg:$0x11] =	wrdreg s25;
	s14 =	simm.s32 $0x1;
	s15 =	simm.s32 $0x2  }
0x17: {  	[dreg:$0x12] =	wrdreg s26;
	s16 =	simm.s32 $0x400;
	s17 =	simm.s32 $0xB80  }
0x18: {  	s18 =	simm.s32 $0x480;
	s19 =	simm.s32 $0xC00;
	s20 =	simm.s32 $0x500  }
0x19: {  	s21 =	simm.s32 $0xC80;
	s22 =	simm.s32 $0x580;
	s23 =	simm.s32 $0xD00  }
0x1a: {  	s24 =	simm.s32 $0x600;
	s25 =	simm.s32 $0xD80;
	s10 =	sadd.s32 $0x4800, s1  }
0x1b: {  	s26 =	simm.s32 $0x680;
	s1 =	sadd.s32 $0x5D800, s1;
	[dreg:$0x4] =	wrdreg s10  }
0x1c: {  	s0 =	simm.s32 $0xF80;
	s6 =	sadd.s32 $0x67800, s6;
	[dreg:$0x5] =	wrdreg s1  }
0x1d: {  	v0 =	vimm.f32 $0.0e+00;
	[dreg:$0x13] =	wrdreg s6;
	s10 =	simm.s32 $0x800;
	s1 =	simm.s32 $0xF00  }
.LBB2_1:
0x1e: {  	[tilespmem:$0x1000] =	vst v0  }
0x1f: {  	[tilespmem:$0x1010] =	vst v0  }
0x20: {  	[tilespmem:$0x1020] =	vst v0  }
0x21: {  	[tilespmem:$0x1030] =	vst v0  }
0x22: {  	[tilespmem:$0x1040] =	vst v0  }
0x23: {  	[tilespmem:$0x1050] =	vst v0  }
0x24: {  	[tilespmem:$0x1060] =	vst v0  }
0x25: {  	[tilespmem:$0x1070] =	vst v0  }
0x26: {  	[tilespmem:$0x1080] =	vst v0  }
0x27: {  	[tilespmem:$0x1090] =	vst v0  }
0x28: {  	[tilespmem:$0x10A0] =	vst v0  }
0x29: {  	[tilespmem:$0x10B0] =	vst v0  }
0x2a: {  	[tilespmem:$0x10C0] =	vst v0  }
0x2b: {  	[tilespmem:$0x10D0] =	vst v0  }
0x2c: {  	[tilespmem:$0x10E0] =	vst v0  }
0x2d: {  	[tilespmem:$0x10F0] =	vst v0  }
0x2e: {  	[tilespmem:$0x1100] =	vst v0  }
0x2f: {  	[tilespmem:$0x1110] =	vst v0  }
0x30: {  	[tilespmem:$0x1120] =	vst v0  }
0x31: {  	[tilespmem:$0x1130] =	vst v0  }
0x32: {  	[tilespmem:$0x1140] =	vst v0  }
0x33: {  	[tilespmem:$0x1150] =	vst v0  }
0x34: {  	[tilespmem:$0x1160] =	vst v0  }
0x35: {  	[tilespmem:$0x1170] =	vst v0  }
0x36: {  	[tilespmem:$0x1180] =	vst v0  }
0x37: {  	[tilespmem:$0x1190] =	vst v0  }
0x38: {  	[tilespmem:$0x11A0] =	vst v0  }
0x39: {  	[tilespmem:$0x11B0] =	vst v0  }
0x3a: {  	[tilespmem:$0x11C0] =	vst v0  }
0x3b: {  	[tilespmem:$0x11D0] =	vst v0  }
0x3c: {  	[tilespmem:$0x11E0] =	vst v0  }
0x3d: {  	[tilespmem:$0x11F0] =	vst v0  }
0x3e: {  	[tilespmem:$0x1200] =	vst v0  }
0x3f: {  	[tilespmem:$0x1210] =	vst v0  }
0x40: {  	[tilespmem:$0x1220] =	vst v0  }
0x41: {  	[tilespmem:$0x1230] =	vst v0  }
0x42: {  	[tilespmem:$0x1240] =	vst v0  }
0x43: {  	[tilespmem:$0x1250] =	vst v0  }
0x44: {  	[tilespmem:$0x1260] =	vst v0  }
0x45: {  	[tilespmem:$0x1270] =	vst v0  }
0x46: {  	[tilespmem:$0x1280] =	vst v0  }
0x47: {  	[tilespmem:$0x1290] =	vst v0  }
0x48: {  	[tilespmem:$0x12A0] =	vst v0  }
0x49: {  	[tilespmem:$0x12B0] =	vst v0  }
0x4a: {  	[tilespmem:$0x12C0] =	vst v0  }
0x4b: {  	[tilespmem:$0x12D0] =	vst v0  }
0x4c: {  	[tilespmem:$0x12E0] =	vst v0  }
0x4d: {  	[tilespmem:$0x12F0] =	vst v0  }
0x4e: {  	[tilespmem:$0x1300] =	vst v0  }
0x4f: {  	[tilespmem:$0x1310] =	vst v0  }
0x50: {  	[tilespmem:$0x1320] =	vst v0  }
0x51: {  	[tilespmem:$0x1330] =	vst v0  }
0x52: {  	[tilespmem:$0x1340] =	vst v0  }
0x53: {  	[tilespmem:$0x1350] =	vst v0  }
0x54: {  	[tilespmem:$0x1360] =	vst v0  }
0x55: {  	[tilespmem:$0x1370] =	vst v0  }
0x56: {  	[tilespmem:$0x1380] =	vst v0  }
0x57: {  	[tilespmem:$0x1390] =	vst v0  }
0x58: {  	[tilespmem:$0x13A0] =	vst v0  }
0x59: {  	[tilespmem:$0x13B0] =	vst v0  }
0x5a: {  	[tilespmem:$0x13C0] =	vst v0  }
0x5b: {  	[tilespmem:$0x13D0] =	vst v0  }
0x5c: {  	[tilespmem:$0x13E0] =	vst v0  }
0x5d: {  	[dreg:$0x15] =	wrdreg s7;
	[tilespmem:$0x13F0] =	vst v0;
	s6 =	sadd.s32 $0x0, s5  }
0x5e: {  	[spmem:s6] =	stream.linear.scatter [tilespmem:s8], [sflag:$0x3], $0x400, $0x38;
	[tilespmem:$0x1D000] =	vst v63  }
0x5f: {  	s6 =	simm.s32 $0x1000;
	_ =	swait.ge [sflag:s9], $0x400  }
.LBB2_2:
0x60: {  	s7 =	sshra.s32 s6, $0x2;
	[sflag:s9] =	ssyncset.done $0x0;
	p0 =	sne.s32 s6, $0x4E000  }
.Ltmp0:
0x61: {  	s7 =	sadd.s32 s7, s5;
	[sflag:s9] =	ssyncadd.s32 $0xFFFFFC00;
	(pc) =	sbr.rel @p0 .LBB2_2-.Ltmp0, $3  }
0x62: {  	[spmem:s7] =	stream.linear.scatter [tilespmem:s8], [sflag:$0x3], $0x400, $0x38;
	[tilespmem:$0x1D000] =	vst v63  }
0x63: {  	s6 =	sadd.s32 $0x1000, s6;
	_ =	sdelay $0x1  }
0x64: {  	_ =	swait.ge [sflag:s9], $0x400  }
0x65: {  	[sflag:s9] =	ssyncset.done $0x0  }
0x66: {  	[sflag:s9] =	ssyncadd.s32 $0xFFFFFC00  }
0x67: {  	[bflag:$0x0] =	sbarrier.arrive $0xFFFF  }
0x68: {  	s6 =	rddreg [dreg:$0x5]  }
0x69: {  	s6 =	sadd.s32 $0x0, s6  }
0x6a: {  	[tilespmem:s4], [sflag:$0x3] =	stream.linear.gather [hbm4b:s6+s4], $0x800, $0x38;
	[tilespmem:$0x1D000] =	vst v63  }
0x6b: {  	_ =	swait.ge [sflag:s9], $0x800  }
0x6c: {  	s7 =	rddreg [dreg:$0x4];
	[sflag:s9] =	ssyncset.done $0x0  }
0x6d: {  	[sflag:s9] =	ssyncadd.s32 $0xFFFFF800;
	s6 =	sadd.s32 $0x0, s7  }
0x6e: {  	[tilespmem:s10], [sflag:$0x3] =	stream.linear.gather [hbm4b:s6+s4], $0x800, $0x38;
	[tilespmem:$0x1D000] =	vst v63  }
0x6f: {  	_ =	swait.ge [sflag:s9], $0x800  }
0x70: {  	[sflag:s9] =	ssyncset.done $0x0  }
0x71: {  	[sflag:s9] =	ssyncadd.s32 $0xFFFFF800  }
0x72: {  	[tilespmem:s12], [sflag:$0x1] =	stream.indirect.gather [hbm4b:s2+s11], $0x80, s4, s11, $0xb8;
	[tilespmem:$0x1D000] =	vst v63  }
0x73: {  	s8 =	rddreg [dreg:$0x6]  }
0x74: {  	[tilespmem:s13], [sflag:$0x2] =	stream.indirect.gather [hbm4b:s2+s11], $0x80, s8, s11, $0xb8;
	[tilespmem:$0x1D000] =	vst v63  }
0x75: {  	_ =	swait.ge [sflag:s14], $0x3E80  }
0x76: {  	[sflag:s14] =	ssyncset.done $0x0  }
0x77: {  	[sflag:s14] =	ssyncadd.s32 $0xFFFFC180  }
0x78: {  	[spmem:s3] =	stream.indirect.scatter.add.f32 [tilespmem:s12], [sflag:$0x3], $0x80, s10, s11, $0xb8;
	[tilespmem:$0x1D000] =	vst v63  }
0x79: {  	_ =	swait.ge [sflag:s9], $0x3E80  }
0x7a: {  	[sflag:s9] =	ssyncset.done $0x0  }
0x7b: {  	s7 =	rddreg [dreg:$0x7];
	[sflag:s9] =	ssyncadd.s32 $0xFFFFC180  }
0x7c: {  	[tilespmem:s12], [sflag:$0x1] =	stream.indirect.gather [hbm4b:s2+s11], $0x80, s7, s11, $0xb8;
	[tilespmem:$0x1D000] =	vst v63  }
0x7d: {  	_ =	swait.ge [sflag:s15], $0x3E80  }
0x7e: {  	[sflag:s15] =	ssyncset.done $0x0  }
0x7f: {  	s8 =	rddreg [dreg:$0x8];
	[sflag:s15] =	ssyncadd.s32 $0xFFFFC180  }
0x80: {  	[spmem:s3] =	stream.indirect.scatter.add.f32 [tilespmem:s13], [sflag:$0x3], $0x80, s8, s11, $0xb8;
	[tilespmem:$0x1D000] =	vst v63  }
0x81: {  	_ =	swait.ge [sflag:s9], $0x3E80  }
0x82: {  	[sflag:s9] =	ssyncset.done $0x0  }
0x83: {  	s7 =	rddreg [dreg:$0x9];
	[sflag:s9] =	ssyncadd.s32 $0xFFFFC180  }
0x84: {  	[tilespmem:s13], [sflag:$0x2] =	stream.indirect.gather [hbm4b:s2+s11], $0x80, s7, s11, $0xb8;
	[tilespmem:$0x1D000] =	vst v63  }
0x85: {  	_ =	swait.ge [sflag:s14], $0x3E80  }
0x86: {  	[sflag:s14] =	ssyncset.done $0x0  }
0x87: {  	s8 =	rddreg [dreg:$0xa];
	[sflag:s14] =	ssyncadd.s32 $0xFFFFC180  }
0x88: {  	[spmem:s3] =	stream.indirect.scatter.add.f32 [tilespmem:s12], [sflag:$0x3], $0x80, s8, s11, $0xb8;
	[tilespmem:$0x1D000] =	vst v63  }
0x89: {  	_ =	swait.ge [sflag:s9], $0x3E80  }
0x8a: {  	[sflag:s9] =	ssyncset.done $0x0  }
0x8b: {  	s7 =	rddreg [dreg:$0xb];
	[sflag:s9] =	ssyncadd.s32 $0xFFFFC180  }
0x8c: {  	[tilespmem:s12], [sflag:$0x1] =	stream.indirect.gather [hbm4b:s2+s11], $0x80, s7, s11, $0xb8;
	[tilespmem:$0x1D000] =	vst v63  }
0x8d: {  	_ =	swait.ge [sflag:s15], $0x3E80  }
0x8e: {  	[sflag:s15] =	ssyncset.done $0x0  }
0x8f: {  	s8 =	rddreg [dreg:$0xc];
	[sflag:s15] =	ssyncadd.s32 $0xFFFFC180  }
0x90: {  	[spmem:s3] =	stream.indirect.scatter.add.f32 [tilespmem:s13], [sflag:$0x3], $0x80, s8, s11, $0xb8;
	[tilespmem:$0x1D000] =	vst v63  }
0x91: {  	_ =	swait.ge [sflag:s9], $0x3E80  }
0x92: {  	[sflag:s9] =	ssyncset.done $0x0  }
0x93: {  	s7 =	rddreg [dreg:$0xd];
	[sflag:s9] =	ssyncadd.s32 $0xFFFFC180  }
0x94: {  	[tilespmem:s13], [sflag:$0x2] =	stream.indirect.gather [hbm4b:s2+s11], $0x80, s7, s11, $0xb8;
	[tilespmem:$0x1D000] =	vst v63  }
0x95: {  	_ =	swait.ge [sflag:s14], $0x3E80  }
0x96: {  	[sflag:s14] =	ssyncset.done $0x0  }
0x97: {  	s8 =	rddreg [dreg:$0xe];
	[sflag:s14] =	ssyncadd.s32 $0xFFFFC180  }
0x98: {  	[spmem:s3] =	stream.indirect.scatter.add.f32 [tilespmem:s12], [sflag:$0x3], $0x80, s8, s11, $0xb8;
	[tilespmem:$0x1D000] =	vst v63  }
0x99: {  	_ =	swait.ge [sflag:s9], $0x3E80  }
0x9a: {  	[sflag:s9] =	ssyncset.done $0x0  }
0x9b: {  	s7 =	rddreg [dreg:$0xf];
	[sflag:s9] =	ssyncadd.s32 $0xFFFFC180  }
0x9c: {  	[tilespmem:s12], [sflag:$0x1] =	stream.indirect.gather [hbm4b:s2+s11], $0x80, s7, s11, $0xb8;
	[tilespmem:$0x1D000] =	vst v63  }
0x9d: {  	_ =	swait.ge [sflag:s15], $0x3E80  }
0x9e: {  	[sflag:s15] =	ssyncset.done $0x0  }
0x9f: {  	s8 =	rddreg [dreg:$0x10];
	[sflag:s15] =	ssyncadd.s32 $0xFFFFC180  }
0xa0: {  	[spmem:s3] =	stream.indirect.scatter.add.f32 [tilespmem:s13], [sflag:$0x3], $0x80, s8, s11, $0xb8;
	[tilespmem:$0x1D000] =	vst v63  }
0xa1: {  	_ =	swait.ge [sflag:s9], $0x3E80  }
0xa2: {  	[sflag:s9] =	ssyncset.done $0x0  }
0xa3: {  	s7 =	rddreg [dreg:$0x11];
	[sflag:s9] =	ssyncadd.s32 $0xFFFFC180  }
0xa4: {  	[tilespmem:s13], [sflag:$0x2] =	stream.indirect.gather [hbm4b:s2+s11], $0x80, s7, s11, $0xb8;
	[tilespmem:$0x1D000] =	vst v63  }
0xa5: {  	_ =	swait.ge [sflag:s14], $0x3E80  }
0xa6: {  	[sflag:s14] =	ssyncset.done $0x0  }
0xa7: {  	s8 =	rddreg [dreg:$0x12];
	[sflag:s14] =	ssyncadd.s32 $0xFFFFC180  }
0xa8: {  	[spmem:s3] =	stream.indirect.scatter.add.f32 [tilespmem:s12], [sflag:$0x3], $0x80, s8, s11, $0xb8;
	[tilespmem:$0x1D000] =	vst v63  }
0xa9: {  	_ =	swait.ge [sflag:s9], $0x3E80  }
0xaa: {  	[sflag:s9] =	ssyncset.done $0x0  }
0xab: {  	[sflag:s9] =	ssyncadd.s32 $0xFFFFC180  }
0xac: {  	[tilespmem:s12], [sflag:$0x1] =	stream.indirect.gather [hbm4b:s2+s11], $0x80, s16, s11, $0xb8;
	[tilespmem:$0x1D000] =	vst v63  }
0xad: {  	_ =	swait.ge [sflag:s15], $0x3E80  }
0xae: {  	[sflag:s15] =	ssyncset.done $0x0  }
0xaf: {  	[sflag:s15] =	ssyncadd.s32 $0xFFFFC180  }
0xb0: {  	[spmem:s3] =	stream.indirect.scatter.add.f32 [tilespmem:s13], [sflag:$0x3], $0x80, s17, s11, $0xb8;
	[tilespmem:$0x1D000] =	vst v63  }
0xb1: {  	_ =	swait.ge [sflag:s9], $0x3E80  }
0xb2: {  	[sflag:s9] =	ssyncset.done $0x0  }
0xb3: {  	[sflag:s9] =	ssyncadd.s32 $0xFFFFC180  }
0xb4: {  	[tilespmem:s13], [sflag:$0x2] =	stream.indirect.gather [hbm4b:s2+s11], $0x80, s18, s11, $0xb8;
	[tilespmem:$0x1D000] =	vst v63  }
0xb5: {  	_ =	swait.ge [sflag:s14], $0x3E80  }
0xb6: {  	[sflag:s14] =	ssyncset.done $0x0  }
0xb7: {  	[sflag:s14] =	ssyncadd.s32 $0xFFFFC180  }
0xb8: {  	[spmem:s3] =	stream.indirect.scatter.add.f32 [tilespmem:s12], [sflag:$0x3], $0x80, s19, s11, $0xb8;
	[tilespmem:$0x1D000] =	vst v63  }
0xb9: {  	_ =	swait.ge [sflag:s9], $0x3E80  }
0xba: {  	[sflag:s9] =	ssyncset.done $0x0  }
0xbb: {  	[sflag:s9] =	ssyncadd.s32 $0xFFFFC180  }
0xbc: {  	[tilespmem:s12], [sflag:$0x1] =	stream.indirect.gather [hbm4b:s2+s11], $0x80, s20, s11, $0xb8;
	[tilespmem:$0x1D000] =	vst v63  }
0xbd: {  	_ =	swait.ge [sflag:s15], $0x3E80  }
0xbe: {  	[sflag:s15] =	ssyncset.done $0x0  }
0xbf: {  	[sflag:s15] =	ssyncadd.s32 $0xFFFFC180  }
0xc0: {  	[spmem:s3] =	stream.indirect.scatter.add.f32 [tilespmem:s13], [sflag:$0x3], $0x80, s21, s11, $0xb8;
	[tilespmem:$0x1D000] =	vst v63  }
0xc1: {  	_ =	swait.ge [sflag:s9], $0x3E80  }
0xc2: {  	[sflag:s9] =	ssyncset.done $0x0  }
0xc3: {  	[sflag:s9] =	ssyncadd.s32 $0xFFFFC180  }
0xc4: {  	[tilespmem:s13], [sflag:$0x2] =	stream.indirect.gather [hbm4b:s2+s11], $0x80, s22, s11, $0xb8;
	[tilespmem:$0x1D000] =	vst v63  }
0xc5: {  	_ =	swait.ge [sflag:s14], $0x3E80  }
0xc6: {  	[sflag:s14] =	ssyncset.done $0x0  }
0xc7: {  	[sflag:s14] =	ssyncadd.s32 $0xFFFFC180  }
0xc8: {  	[spmem:s3] =	stream.indirect.scatter.add.f32 [tilespmem:s12], [sflag:$0x3], $0x80, s23, s11, $0xb8;
	[tilespmem:$0x1D000] =	vst v63  }
0xc9: {  	_ =	swait.ge [sflag:s9], $0x3E80  }
0xca: {  	[sflag:s9] =	ssyncset.done $0x0  }
0xcb: {  	[sflag:s9] =	ssyncadd.s32 $0xFFFFC180  }
0xcc: {  	[tilespmem:s12], [sflag:$0x1] =	stream.indirect.gather [hbm4b:s2+s11], $0x80, s24, s11, $0xb8;
	[tilespmem:$0x1D000] =	vst v63  }
0xcd: {  	_ =	swait.ge [sflag:s15], $0x3E80  }
0xce: {  	[sflag:s15] =	ssyncset.done $0x0  }
0xcf: {  	[sflag:s15] =	ssyncadd.s32 $0xFFFFC180  }
0xd0: {  	[spmem:s3] =	stream.indirect.scatter.add.f32 [tilespmem:s13], [sflag:$0x3], $0x80, s25, s11, $0xb8;
	[tilespmem:$0x1D000] =	vst v63  }
0xd1: {  	_ =	swait.ge [sflag:s9], $0x3E80  }
0xd2: {  	[sflag:s9] =	ssyncset.done $0x0  }
0xd3: {  	[sflag:s9] =	ssyncadd.s32 $0xFFFFC180  }
0xd4: {  	[tilespmem:s13], [sflag:$0x2] =	stream.indirect.gather [hbm4b:s2+s11], $0x80, s26, s11, $0xb8;
	[tilespmem:$0x1D000] =	vst v63  }
0xd5: {  	_ =	swait.ge [sflag:s14], $0x3E80  }
0xd6: {  	[sflag:s14] =	ssyncset.done $0x0  }
0xd7: {  	[sflag:s14] =	ssyncadd.s32 $0xFFFFC180  }
0xd8: {  	[spmem:s3] =	stream.indirect.scatter.add.f32 [tilespmem:s12], [sflag:$0x3], $0x80, s28, s11, $0xb8;
	[tilespmem:$0x1D000] =	vst v63  }
0xd9: {  	_ =	swait.ge [sflag:s9], $0x3E80  }
0xda: {  	[sflag:s9] =	ssyncset.done $0x0  }
0xdb: {  	[sflag:s9] =	ssyncadd.s32 $0xFFFFC180  }
0xdc: {  	[tilespmem:s12], [sflag:$0x1] =	stream.indirect.gather [hbm4b:s2+s11], $0x80, s29, s11, $0xb8;
	[tilespmem:$0x1D000] =	vst v63  }
0xdd: {  	_ =	swait.ge [sflag:s15], $0x3E80  }
0xde: {  	[sflag:s15] =	ssyncset.done $0x0  }
0xdf: {  	[sflag:s15] =	ssyncadd.s32 $0xFFFFC180  }
0xe0: {  	[spmem:s3] =	stream.indirect.scatter.add.f32 [tilespmem:s13], [sflag:$0x3], $0x80, s30, s11, $0xb8;
	[tilespmem:$0x1D000] =	vst v63  }
0xe1: {  	_ =	swait.ge [sflag:s9], $0x3E80  }
0xe2: {  	[sflag:s9] =	ssyncset.done $0x0  }
0xe3: {  	[sflag:s9] =	ssyncadd.s32 $0xFFFFC180  }
0xe4: {  	[tilespmem:s13], [sflag:$0x2] =	stream.indirect.gather [hbm4b:s2+s11], $0x80, s31, s11, $0xb8;
	[tilespmem:$0x1D000] =	vst v63  }
0xe5: {  	_ =	swait.ge [sflag:s14], $0x3E80  }
0xe6: {  	[sflag:s14] =	ssyncset.done $0x0  }
0xe7: {  	[sflag:s14] =	ssyncadd.s32 $0xFFFFC180  }
0xe8: {  	[spmem:s3] =	stream.indirect.scatter.add.f32 [tilespmem:s12], [sflag:$0x3], $0x80, s1, s11, $0xb8;
	[tilespmem:$0x1D000] =	vst v63  }
0xe9: {  	_ =	swait.ge [sflag:s9], $0x3E80  }
0xea: {  	[sflag:s9] =	ssyncset.done $0x0  }
0xeb: {  	[sflag:s9] =	ssyncadd.s32 $0xFFFFC180  }
0xec: {  	_ =	swait.ge [sflag:s15], $0x3E80  }
0xed: {  	[sflag:s15] =	ssyncset.done $0x0  }
0xee: {  	[sflag:s15] =	ssyncadd.s32 $0xFFFFC180  }
0xef: {  	[spmem:s3] =	stream.indirect.scatter.add.f32 [tilespmem:s13], [sflag:$0x3], $0x80, s0, s11, $0xb8;
	[tilespmem:$0x1D000] =	vst v63  }
0xf0: {  	s6 =	simm.s32 $0x200;
	_ =	swait.ge [sflag:s9], $0x3E80  }
0xf1: {  	s7 =	simm.s32 $0x100;
	s8 =	rddreg [dreg:$0x5];
	[sflag:s9] =	ssyncset.done $0x0  }
.LBB2_4:
0xf2: {  	[sflag:s9] =	ssyncadd.s32 $0xFFFFC180;
	s8 =	sadd.s32 s7, s8  }
0xf3: {  	[tilespmem:s4], [sflag:$0x3] =	stream.linear.gather [hbm4b:s8+s4], $0x800, $0x38;
	[tilespmem:$0x1D000] =	vst v63  }
0xf4: {  	_ =	swait.ge [sflag:s9], $0x800  }
0xf5: {  	s8 =	rddreg [dreg:$0x4];
	[sflag:s9] =	ssyncset.done $0x0  }
0xf6: {  	[sflag:s9] =	ssyncadd.s32 $0xFFFFF800;
	s8 =	sadd.s32 s7, s8  }
0xf7: {  	[tilespmem:s10], [sflag:$0x3] =	stream.linear.gather [hbm4b:s8+s4], $0x800, $0x38;
	[tilespmem:$0x1D000] =	vst v63  }
0xf8: {  	_ =	swait.ge [sflag:s9], $0x800  }
0xf9: {  	[sflag:s9] =	ssyncset.done $0x0  }
0xfa: {  	[sflag:s9] =	ssyncadd.s32 $0xFFFFF800  }
0xfb: {  	[tilespmem:s12], [sflag:$0x1] =	stream.indirect.gather [hbm4b:s2+s11], $0x80, s4, s11, $0xb8;
	[tilespmem:$0x1D000] =	vst v63  }
0xfc: {  	s8 =	rddreg [dreg:$0x6]  }
0xfd: {  	[tilespmem:s13], [sflag:$0x2] =	stream.indirect.gather [hbm4b:s2+s11], $0x80, s8, s11, $0xb8;
	[tilespmem:$0x1D000] =	vst v63  }
0xfe: {  	_ =	swait.ge [sflag:s14], $0x3E80  }
0xff: {  	[sflag:s14] =	ssyncset.done $0x0  }
0x100: {  	[sflag:s14] =	ssyncadd.s32 $0xFFFFC180  }
0x101: {  	[spmem:s3] =	stream.indirect.scatter.add.f32 [tilespmem:s12], [sflag:$0x3], $0x80, s10, s11, $0xb8;
	[tilespmem:$0x1D000] =	vst v63  }
0x102: {  	_ =	swait.ge [sflag:s9], $0x3E80  }
0x103: {  	[sflag:s9] =	ssyncset.done $0x0  }
0x104: {  	s8 =	rddreg [dreg:$0x7];
	[sflag:s9] =	ssyncadd.s32 $0xFFFFC180  }
0x105: {  	[tilespmem:s12], [sflag:$0x1] =	stream.indirect.gather [hbm4b:s2+s11], $0x80, s8, s11, $0xb8;
	[tilespmem:$0x1D000] =	vst v63  }
0x106: {  	_ =	swait.ge [sflag:s15], $0x3E80  }
0x107: {  	[sflag:s15] =	ssyncset.done $0x0  }
0x108: {  	s8 =	rddreg [dreg:$0x8];
	[sflag:s15] =	ssyncadd.s32 $0xFFFFC180  }
0x109: {  	[spmem:s3] =	stream.indirect.scatter.add.f32 [tilespmem:s13], [sflag:$0x3], $0x80, s8, s11, $0xb8;
	[tilespmem:$0x1D000] =	vst v63  }
0x10a: {  	_ =	swait.ge [sflag:s9], $0x3E80  }
0x10b: {  	[sflag:s9] =	ssyncset.done $0x0  }
0x10c: {  	s8 =	rddreg [dreg:$0x9];
	[sflag:s9] =	ssyncadd.s32 $0xFFFFC180  }
0x10d: {  	[tilespmem:s13], [sflag:$0x2] =	stream.indirect.gather [hbm4b:s2+s11], $0x80, s8, s11, $0xb8;
	[tilespmem:$0x1D000] =	vst v63  }
0x10e: {  	_ =	swait.ge [sflag:s14], $0x3E80  }
0x10f: {  	[sflag:s14] =	ssyncset.done $0x0  }
0x110: {  	s8 =	rddreg [dreg:$0xa];
	[sflag:s14] =	ssyncadd.s32 $0xFFFFC180  }
0x111: {  	[spmem:s3] =	stream.indirect.scatter.add.f32 [tilespmem:s12], [sflag:$0x3], $0x80, s8, s11, $0xb8;
	[tilespmem:$0x1D000] =	vst v63  }
0x112: {  	_ =	swait.ge [sflag:s9], $0x3E80  }
0x113: {  	[sflag:s9] =	ssyncset.done $0x0  }
0x114: {  	s8 =	rddreg [dreg:$0xb];
	[sflag:s9] =	ssyncadd.s32 $0xFFFFC180  }
0x115: {  	[tilespmem:s12], [sflag:$0x1] =	stream.indirect.gather [hbm4b:s2+s11], $0x80, s8, s11, $0xb8;
	[tilespmem:$0x1D000] =	vst v63  }
0x116: {  	_ =	swait.ge [sflag:s15], $0x3E80  }
0x117: {  	[sflag:s15] =	ssyncset.done $0x0  }
0x118: {  	s8 =	rddreg [dreg:$0xc];
	[sflag:s15] =	ssyncadd.s32 $0xFFFFC180  }
0x119: {  	[spmem:s3] =	stream.indirect.scatter.add.f32 [tilespmem:s13], [sflag:$0x3], $0x80, s8, s11, $0xb8;
	[tilespmem:$0x1D000] =	vst v63  }
0x11a: {  	_ =	swait.ge [sflag:s9], $0x3E80  }
0x11b: {  	[sflag:s9] =	ssyncset.done $0x0  }
0x11c: {  	s8 =	rddreg [dreg:$0xd];
	[sflag:s9] =	ssyncadd.s32 $0xFFFFC180  }
0x11d: {  	[tilespmem:s13], [sflag:$0x2] =	stream.indirect.gather [hbm4b:s2+s11], $0x80, s8, s11, $0xb8;
	[tilespmem:$0x1D000] =	vst v63  }
0x11e: {  	_ =	swait.ge [sflag:s14], $0x3E80  }
0x11f: {  	[sflag:s14] =	ssyncset.done $0x0  }
0x120: {  	s8 =	rddreg [dreg:$0xe];
	[sflag:s14] =	ssyncadd.s32 $0xFFFFC180  }
0x121: {  	[spmem:s3] =	stream.indirect.scatter.add.f32 [tilespmem:s12], [sflag:$0x3], $0x80, s8, s11, $0xb8;
	[tilespmem:$0x1D000] =	vst v63  }
0x122: {  	_ =	swait.ge [sflag:s9], $0x3E80  }
0x123: {  	[sflag:s9] =	ssyncset.done $0x0  }
0x124: {  	s8 =	rddreg [dreg:$0xf];
	[sflag:s9] =	ssyncadd.s32 $0xFFFFC180  }
0x125: {  	[tilespmem:s12], [sflag:$0x1] =	stream.indirect.gather [hbm4b:s2+s11], $0x80, s8, s11, $0xb8;
	[tilespmem:$0x1D000] =	vst v63  }
0x126: {  	_ =	swait.ge [sflag:s15], $0x3E80  }
0x127: {  	[sflag:s15] =	ssyncset.done $0x0  }
0x128: {  	s8 =	rddreg [dreg:$0x10];
	[sflag:s15] =	ssyncadd.s32 $0xFFFFC180  }
0x129: {  	[spmem:s3] =	stream.indirect.scatter.add.f32 [tilespmem:s13], [sflag:$0x3], $0x80, s8, s11, $0xb8;
	[tilespmem:$0x1D000] =	vst v63  }
0x12a: {  	_ =	swait.ge [sflag:s9], $0x3E80  }
0x12b: {  	[sflag:s9] =	ssyncset.done $0x0  }
0x12c: {  	s8 =	rddreg [dreg:$0x11];
	[sflag:s9] =	ssyncadd.s32 $0xFFFFC180  }
0x12d: {  	[tilespmem:s13], [sflag:$0x2] =	stream.indirect.gather [hbm4b:s2+s11], $0x80, s8, s11, $0xb8;
	[tilespmem:$0x1D000] =	vst v63  }
0x12e: {  	_ =	swait.ge [sflag:s14], $0x3E80  }
0x12f: {  	[sflag:s14] =	ssyncset.done $0x0  }
0x130: {  	s8 =	rddreg [dreg:$0x12];
	[sflag:s14] =	ssyncadd.s32 $0xFFFFC180  }
0x131: {  	[spmem:s3] =	stream.indirect.scatter.add.f32 [tilespmem:s12], [sflag:$0x3], $0x80, s8, s11, $0xb8;
	[tilespmem:$0x1D000] =	vst v63  }
0x132: {  	_ =	swait.ge [sflag:s9], $0x3E80  }
0x133: {  	s16 =	smov.u32 s6;
	[sflag:s9] =	ssyncset.done $0x0  }
0x134: {  	s7 =	smov.u32 s16;
	s16 =	simm.s32 $0x400;
	[sflag:s9] =	ssyncadd.s32 $0xFFFFC180  }
0x135: {  	[tilespmem:s12], [sflag:$0x1] =	stream.indirect.gather [hbm4b:s2+s11], $0x80, s16, s11, $0xb8;
	[tilespmem:$0x1D000] =	vst v63  }
0x136: {  	_ =	swait.ge [sflag:s15], $0x3E80  }
0x137: {  	[sflag:s15] =	ssyncset.done $0x0  }
0x138: {  	[sflag:s15] =	ssyncadd.s32 $0xFFFFC180  }
0x139: {  	[spmem:s3] =	stream.indirect.scatter.add.f32 [tilespmem:s13], [sflag:$0x3], $0x80, s17, s11, $0xb8;
	[tilespmem:$0x1D000] =	vst v63  }
0x13a: {  	_ =	swait.ge [sflag:s9], $0x3E80  }
0x13b: {  	[sflag:s9] =	ssyncset.done $0x0  }
0x13c: {  	[sflag:s9] =	ssyncadd.s32 $0xFFFFC180  }
0x13d: {  	[tilespmem:s13], [sflag:$0x2] =	stream.indirect.gather [hbm4b:s2+s11], $0x80, s18, s11, $0xb8;
	[tilespmem:$0x1D000] =	vst v63  }
0x13e: {  	_ =	swait.ge [sflag:s14], $0x3E80  }
0x13f: {  	[sflag:s14] =	ssyncset.done $0x0  }
0x140: {  	[sflag:s14] =	ssyncadd.s32 $0xFFFFC180  }
0x141: {  	[spmem:s3] =	stream.indirect.scatter.add.f32 [tilespmem:s12], [sflag:$0x3], $0x80, s19, s11, $0xb8;
	[tilespmem:$0x1D000] =	vst v63  }
0x142: {  	_ =	swait.ge [sflag:s9], $0x3E80  }
0x143: {  	[sflag:s9] =	ssyncset.done $0x0  }
0x144: {  	[sflag:s9] =	ssyncadd.s32 $0xFFFFC180  }
0x145: {  	[tilespmem:s12], [sflag:$0x1] =	stream.indirect.gather [hbm4b:s2+s11], $0x80, s20, s11, $0xb8;
	[tilespmem:$0x1D000] =	vst v63  }
0x146: {  	_ =	swait.ge [sflag:s15], $0x3E80  }
0x147: {  	[sflag:s15] =	ssyncset.done $0x0  }
0x148: {  	[sflag:s15] =	ssyncadd.s32 $0xFFFFC180  }
0x149: {  	[spmem:s3] =	stream.indirect.scatter.add.f32 [tilespmem:s13], [sflag:$0x3], $0x80, s21, s11, $0xb8;
	[tilespmem:$0x1D000] =	vst v63  }
0x14a: {  	_ =	swait.ge [sflag:s9], $0x3E80  }
0x14b: {  	[sflag:s9] =	ssyncset.done $0x0  }
0x14c: {  	[sflag:s9] =	ssyncadd.s32 $0xFFFFC180  }
0x14d: {  	[tilespmem:s13], [sflag:$0x2] =	stream.indirect.gather [hbm4b:s2+s11], $0x80, s22, s11, $0xb8;
	[tilespmem:$0x1D000] =	vst v63  }
0x14e: {  	_ =	swait.ge [sflag:s14], $0x3E80  }
0x14f: {  	[sflag:s14] =	ssyncset.done $0x0  }
0x150: {  	[sflag:s14] =	ssyncadd.s32 $0xFFFFC180  }
0x151: {  	[spmem:s3] =	stream.indirect.scatter.add.f32 [tilespmem:s12], [sflag:$0x3], $0x80, s23, s11, $0xb8;
	[tilespmem:$0x1D000] =	vst v63  }
0x152: {  	_ =	swait.ge [sflag:s9], $0x3E80  }
0x153: {  	[sflag:s9] =	ssyncset.done $0x0  }
0x154: {  	[sflag:s9] =	ssyncadd.s32 $0xFFFFC180  }
0x155: {  	[tilespmem:s12], [sflag:$0x1] =	stream.indirect.gather [hbm4b:s2+s11], $0x80, s24, s11, $0xb8;
	[tilespmem:$0x1D000] =	vst v63  }
0x156: {  	_ =	swait.ge [sflag:s15], $0x3E80  }
0x157: {  	[sflag:s15] =	ssyncset.done $0x0  }
0x158: {  	[sflag:s15] =	ssyncadd.s32 $0xFFFFC180  }
0x159: {  	[spmem:s3] =	stream.indirect.scatter.add.f32 [tilespmem:s13], [sflag:$0x3], $0x80, s25, s11, $0xb8;
	[tilespmem:$0x1D000] =	vst v63  }
0x15a: {  	_ =	swait.ge [sflag:s9], $0x3E80  }
0x15b: {  	[sflag:s9] =	ssyncset.done $0x0  }
0x15c: {  	[sflag:s9] =	ssyncadd.s32 $0xFFFFC180  }
0x15d: {  	[tilespmem:s13], [sflag:$0x2] =	stream.indirect.gather [hbm4b:s2+s11], $0x80, s26, s11, $0xb8;
	[tilespmem:$0x1D000] =	vst v63  }
0x15e: {  	_ =	swait.ge [sflag:s14], $0x3E80  }
0x15f: {  	[sflag:s14] =	ssyncset.done $0x0  }
0x160: {  	[sflag:s14] =	ssyncadd.s32 $0xFFFFC180  }
0x161: {  	[spmem:s3] =	stream.indirect.scatter.add.f32 [tilespmem:s12], [sflag:$0x3], $0x80, s28, s11, $0xb8;
	[tilespmem:$0x1D000] =	vst v63  }
0x162: {  	_ =	swait.ge [sflag:s9], $0x3E80  }
0x163: {  	[sflag:s9] =	ssyncset.done $0x0  }
0x164: {  	[sflag:s9] =	ssyncadd.s32 $0xFFFFC180  }
0x165: {  	[tilespmem:s12], [sflag:$0x1] =	stream.indirect.gather [hbm4b:s2+s11], $0x80, s29, s11, $0xb8;
	[tilespmem:$0x1D000] =	vst v63  }
0x166: {  	_ =	swait.ge [sflag:s15], $0x3E80  }
0x167: {  	[sflag:s15] =	ssyncset.done $0x0  }
0x168: {  	[sflag:s15] =	ssyncadd.s32 $0xFFFFC180  }
0x169: {  	[spmem:s3] =	stream.indirect.scatter.add.f32 [tilespmem:s13], [sflag:$0x3], $0x80, s30, s11, $0xb8;
	[tilespmem:$0x1D000] =	vst v63  }
0x16a: {  	_ =	swait.ge [sflag:s9], $0x3E80  }
0x16b: {  	[sflag:s9] =	ssyncset.done $0x0  }
0x16c: {  	[sflag:s9] =	ssyncadd.s32 $0xFFFFC180  }
0x16d: {  	[tilespmem:s13], [sflag:$0x2] =	stream.indirect.gather [hbm4b:s2+s11], $0x80, s31, s11, $0xb8;
	[tilespmem:$0x1D000] =	vst v63  }
0x16e: {  	_ =	swait.ge [sflag:s14], $0x3E80  }
0x16f: {  	[sflag:s14] =	ssyncset.done $0x0  }
0x170: {  	[sflag:s14] =	ssyncadd.s32 $0xFFFFC180  }
0x171: {  	[spmem:s3] =	stream.indirect.scatter.add.f32 [tilespmem:s12], [sflag:$0x3], $0x80, s1, s11, $0xb8;
	[tilespmem:$0x1D000] =	vst v63  }
0x172: {  	_ =	swait.ge [sflag:s9], $0x3E80  }
0x173: {  	[sflag:s9] =	ssyncset.done $0x0  }
0x174: {  	[sflag:s9] =	ssyncadd.s32 $0xFFFFC180  }
0x175: {  	p0 =	sne.s32 s6, $0x400;
	_ =	swait.ge [sflag:s15], $0x3E80  }
.Ltmp1:
0x176: {  	[sflag:s15] =	ssyncset.done $0x0;
	(pc) =	sbr.rel @p0 .LBB2_4-.Ltmp1, $4  }
0x177: {  	[sflag:s15] =	ssyncadd.s32 $0xFFFFC180  }
0x178: {  	[spmem:s3] =	stream.indirect.scatter.add.f32 [tilespmem:s13], [sflag:$0x3], $0x80, s0, s11, $0xb8;
	[tilespmem:$0x1D000] =	vst v63  }
0x179: {  	_ =	swait.ge [sflag:s9], $0x3E80  }
0x17a: {  	s6 =	sadd.s32 $0x100, s6;
	s8 =	rddreg [dreg:$0x5];
	[sflag:s9] =	ssyncset.done $0x0  }
0x17b: {  	[sflag:s9] =	ssyncadd.s32 $0xFFFFC180;
	s6 =	sadd.s32 s7, s8  }
0x17c: {  	[tilespmem:s4], [sflag:$0x3] =	stream.linear.gather [hbm4b:s6+s4], $0x800, $0x38;
	[tilespmem:$0x1D000] =	vst v63  }
0x17d: {  	_ =	swait.ge [sflag:s9], $0x800  }
0x17e: {  	s8 =	rddreg [dreg:$0x4];
	[sflag:s9] =	ssyncset.done $0x0  }
0x17f: {  	[sflag:s9] =	ssyncadd.s32 $0xFFFFF800;
	s6 =	sadd.s32 s7, s8  }
0x180: {  	[tilespmem:s10], [sflag:$0x3] =	stream.linear.gather [hbm4b:s6+s4], $0x800, $0x38;
	[tilespmem:$0x1D000] =	vst v63  }
0x181: {  	_ =	swait.ge [sflag:s9], $0x800  }
0x182: {  	[sflag:s9] =	ssyncset.done $0x0  }
0x183: {  	[sflag:s9] =	ssyncadd.s32 $0xFFFFF800  }
0x184: {  	[tilespmem:s12], [sflag:$0x1] =	stream.indirect.gather [hbm4b:s2+s11], $0x80, s4, s11, $0xb8;
	[tilespmem:$0x1D000] =	vst v63  }
0x185: {  	s7 =	rddreg [dreg:$0x6]  }
0x186: {  	[tilespmem:s13], [sflag:$0x2] =	stream.indirect.gather [hbm4b:s2+s11], $0x80, s7, s11, $0xb8;
	[tilespmem:$0x1D000] =	vst v63  }
0x187: {  	_ =	swait.ge [sflag:s14], $0x3E80  }
0x188: {  	[sflag:s14] =	ssyncset.done $0x0  }
0x189: {  	[sflag:s14] =	ssyncadd.s32 $0xFFFFC180  }
0x18a: {  	[spmem:s3] =	stream.indirect.scatter.add.f32 [tilespmem:s12], [sflag:$0x3], $0x80, s10, s11, $0xb8;
	[tilespmem:$0x1D000] =	vst v63  }
0x18b: {  	_ =	swait.ge [sflag:s9], $0x3E80  }
0x18c: {  	[sflag:s9] =	ssyncset.done $0x0  }
0x18d: {  	s8 =	rddreg [dreg:$0x7];
	[sflag:s9] =	ssyncadd.s32 $0xFFFFC180  }
0x18e: {  	[tilespmem:s12], [sflag:$0x1] =	stream.indirect.gather [hbm4b:s2+s11], $0x80, s8, s11, $0xb8;
	[tilespmem:$0x1D000] =	vst v63  }
0x18f: {  	_ =	swait.ge [sflag:s15], $0x3E80  }
0x190: {  	[sflag:s15] =	ssyncset.done $0x0  }
0x191: {  	s7 =	rddreg [dreg:$0x8];
	[sflag:s15] =	ssyncadd.s32 $0xFFFFC180  }
0x192: {  	[spmem:s3] =	stream.indirect.scatter.add.f32 [tilespmem:s13], [sflag:$0x3], $0x80, s7, s11, $0xb8;
	[tilespmem:$0x1D000] =	vst v63  }
0x193: {  	_ =	swait.ge [sflag:s9], $0x3E80  }
0x194: {  	[sflag:s9] =	ssyncset.done $0x0  }
0x195: {  	s8 =	rddreg [dreg:$0x9];
	[sflag:s9] =	ssyncadd.s32 $0xFFFFC180  }
0x196: {  	[tilespmem:s13], [sflag:$0x2] =	stream.indirect.gather [hbm4b:s2+s11], $0x80, s8, s11, $0xb8;
	[tilespmem:$0x1D000] =	vst v63  }
0x197: {  	_ =	swait.ge [sflag:s14], $0x3E80  }
0x198: {  	[sflag:s14] =	ssyncset.done $0x0  }
0x199: {  	s7 =	rddreg [dreg:$0xa];
	[sflag:s14] =	ssyncadd.s32 $0xFFFFC180  }
0x19a: {  	[spmem:s3] =	stream.indirect.scatter.add.f32 [tilespmem:s12], [sflag:$0x3], $0x80, s7, s11, $0xb8;
	[tilespmem:$0x1D000] =	vst v63  }
0x19b: {  	_ =	swait.ge [sflag:s9], $0x3E80  }
0x19c: {  	[sflag:s9] =	ssyncset.done $0x0  }
0x19d: {  	s8 =	rddreg [dreg:$0xb];
	[sflag:s9] =	ssyncadd.s32 $0xFFFFC180  }
0x19e: {  	[tilespmem:s12], [sflag:$0x1] =	stream.indirect.gather [hbm4b:s2+s11], $0x80, s8, s11, $0xb8;
	[tilespmem:$0x1D000] =	vst v63  }
0x19f: {  	_ =	swait.ge [sflag:s15], $0x3E80  }
0x1a0: {  	[sflag:s15] =	ssyncset.done $0x0  }
0x1a1: {  	s7 =	rddreg [dreg:$0xc];
	[sflag:s15] =	ssyncadd.s32 $0xFFFFC180  }
0x1a2: {  	[spmem:s3] =	stream.indirect.scatter.add.f32 [tilespmem:s13], [sflag:$0x3], $0x80, s7, s11, $0xb8;
	[tilespmem:$0x1D000] =	vst v63  }
0x1a3: {  	_ =	swait.ge [sflag:s9], $0x3E80  }
0x1a4: {  	[sflag:s9] =	ssyncset.done $0x0  }
0x1a5: {  	s8 =	rddreg [dreg:$0xd];
	[sflag:s9] =	ssyncadd.s32 $0xFFFFC180  }
0x1a6: {  	[tilespmem:s13], [sflag:$0x2] =	stream.indirect.gather [hbm4b:s2+s11], $0x80, s8, s11, $0xb8;
	[tilespmem:$0x1D000] =	vst v63  }
0x1a7: {  	_ =	swait.ge [sflag:s14], $0x3E80  }
0x1a8: {  	[sflag:s14] =	ssyncset.done $0x0  }
0x1a9: {  	s7 =	rddreg [dreg:$0xe];
	[sflag:s14] =	ssyncadd.s32 $0xFFFFC180  }
0x1aa: {  	[spmem:s3] =	stream.indirect.scatter.add.f32 [tilespmem:s12], [sflag:$0x3], $0x80, s7, s11, $0xb8;
	[tilespmem:$0x1D000] =	vst v63  }
0x1ab: {  	_ =	swait.ge [sflag:s9], $0x3E80  }
0x1ac: {  	[sflag:s9] =	ssyncset.done $0x0  }
0x1ad: {  	s8 =	rddreg [dreg:$0xf];
	[sflag:s9] =	ssyncadd.s32 $0xFFFFC180  }
0x1ae: {  	[tilespmem:s12], [sflag:$0x1] =	stream.indirect.gather [hbm4b:s2+s11], $0x80, s8, s11, $0xb8;
	[tilespmem:$0x1D000] =	vst v63  }
0x1af: {  	_ =	swait.ge [sflag:s15], $0x3E80  }
0x1b0: {  	[sflag:s15] =	ssyncset.done $0x0  }
0x1b1: {  	s7 =	rddreg [dreg:$0x10];
	[sflag:s15] =	ssyncadd.s32 $0xFFFFC180  }
0x1b2: {  	[spmem:s3] =	stream.indirect.scatter.add.f32 [tilespmem:s13], [sflag:$0x3], $0x80, s7, s11, $0xb8;
	[tilespmem:$0x1D000] =	vst v63  }
0x1b3: {  	_ =	swait.ge [sflag:s9], $0x3E80  }
0x1b4: {  	[sflag:s9] =	ssyncset.done $0x0  }
0x1b5: {  	s8 =	rddreg [dreg:$0x11];
	[sflag:s9] =	ssyncadd.s32 $0xFFFFC180  }
0x1b6: {  	[tilespmem:s13], [sflag:$0x2] =	stream.indirect.gather [hbm4b:s2+s11], $0x80, s8, s11, $0xb8;
	[tilespmem:$0x1D000] =	vst v63  }
0x1b7: {  	_ =	swait.ge [sflag:s14], $0x3E80  }
0x1b8: {  	[sflag:s14] =	ssyncset.done $0x0  }
0x1b9: {  	s7 =	rddreg [dreg:$0x12];
	[sflag:s14] =	ssyncadd.s32 $0xFFFFC180  }
0x1ba: {  	[spmem:s3] =	stream.indirect.scatter.add.f32 [tilespmem:s12], [sflag:$0x3], $0x80, s7, s11, $0xb8;
	[tilespmem:$0x1D000] =	vst v63  }
0x1bb: {  	_ =	swait.ge [sflag:s9], $0x3E80  }
0x1bc: {  	[sflag:s9] =	ssyncset.done $0x0  }
0x1bd: {  	[sflag:s9] =	ssyncadd.s32 $0xFFFFC180  }
0x1be: {  	[tilespmem:s12], [sflag:$0x1] =	stream.indirect.gather [hbm4b:s2+s11], $0x80, s16, s11, $0xb8;
	[tilespmem:$0x1D000] =	vst v63  }
0x1bf: {  	_ =	swait.ge [sflag:s15], $0x3E80  }
0x1c0: {  	[sflag:s15] =	ssyncset.done $0x0  }
0x1c1: {  	[sflag:s15] =	ssyncadd.s32 $0xFFFFC180  }
0x1c2: {  	[spmem:s3] =	stream.indirect.scatter.add.f32 [tilespmem:s13], [sflag:$0x3], $0x80, s17, s11, $0xb8;
	[tilespmem:$0x1D000] =	vst v63  }
0x1c3: {  	_ =	swait.ge [sflag:s9], $0x3E80  }
0x1c4: {  	[sflag:s9] =	ssyncset.done $0x0  }
0x1c5: {  	[sflag:s9] =	ssyncadd.s32 $0xFFFFC180  }
0x1c6: {  	[tilespmem:s13], [sflag:$0x2] =	stream.indirect.gather [hbm4b:s2+s11], $0x80, s18, s11, $0xb8;
	[tilespmem:$0x1D000] =	vst v63  }
0x1c7: {  	_ =	swait.ge [sflag:s14], $0x3E80  }
0x1c8: {  	[sflag:s14] =	ssyncset.done $0x0  }
0x1c9: {  	[sflag:s14] =	ssyncadd.s32 $0xFFFFC180  }
0x1ca: {  	[spmem:s3] =	stream.indirect.scatter.add.f32 [tilespmem:s12], [sflag:$0x3], $0x80, s19, s11, $0xb8;
	[tilespmem:$0x1D000] =	vst v63  }
0x1cb: {  	_ =	swait.ge [sflag:s9], $0x3E80  }
0x1cc: {  	[sflag:s9] =	ssyncset.done $0x0  }
0x1cd: {  	[sflag:s9] =	ssyncadd.s32 $0xFFFFC180  }
0x1ce: {  	[tilespmem:s12], [sflag:$0x1] =	stream.indirect.gather [hbm4b:s2+s11], $0x80, s20, s11, $0xb8;
	[tilespmem:$0x1D000] =	vst v63  }
0x1cf: {  	_ =	swait.ge [sflag:s15], $0x3E80  }
0x1d0: {  	[sflag:s15] =	ssyncset.done $0x0  }
0x1d1: {  	[sflag:s15] =	ssyncadd.s32 $0xFFFFC180  }
0x1d2: {  	[spmem:s3] =	stream.indirect.scatter.add.f32 [tilespmem:s13], [sflag:$0x3], $0x80, s21, s11, $0xb8;
	[tilespmem:$0x1D000] =	vst v63  }
0x1d3: {  	_ =	swait.ge [sflag:s9], $0x3E80  }
0x1d4: {  	[sflag:s9] =	ssyncset.done $0x0  }
0x1d5: {  	[sflag:s9] =	ssyncadd.s32 $0xFFFFC180  }
0x1d6: {  	[tilespmem:s13], [sflag:$0x2] =	stream.indirect.gather [hbm4b:s2+s11], $0x80, s22, s11, $0xb8;
	[tilespmem:$0x1D000] =	vst v63  }
0x1d7: {  	_ =	swait.ge [sflag:s14], $0x3E80  }
0x1d8: {  	[sflag:s14] =	ssyncset.done $0x0  }
0x1d9: {  	[sflag:s14] =	ssyncadd.s32 $0xFFFFC180  }
0x1da: {  	[spmem:s3] =	stream.indirect.scatter.add.f32 [tilespmem:s12], [sflag:$0x3], $0x80, s23, s11, $0xb8;
	[tilespmem:$0x1D000] =	vst v63  }
0x1db: {  	_ =	swait.ge [sflag:s9], $0x3E80  }
0x1dc: {  	[sflag:s9] =	ssyncset.done $0x0  }
0x1dd: {  	[sflag:s9] =	ssyncadd.s32 $0xFFFFC180  }
0x1de: {  	[tilespmem:s12], [sflag:$0x1] =	stream.indirect.gather [hbm4b:s2+s11], $0x80, s24, s11, $0xb8;
	[tilespmem:$0x1D000] =	vst v63  }
0x1df: {  	_ =	swait.ge [sflag:s15], $0x3E80  }
0x1e0: {  	[sflag:s15] =	ssyncset.done $0x0  }
0x1e1: {  	[sflag:s15] =	ssyncadd.s32 $0xFFFFC180  }
0x1e2: {  	[spmem:s3] =	stream.indirect.scatter.add.f32 [tilespmem:s13], [sflag:$0x3], $0x80, s25, s11, $0xb8;
	[tilespmem:$0x1D000] =	vst v63  }
0x1e3: {  	_ =	swait.ge [sflag:s9], $0x3E80  }
0x1e4: {  	[sflag:s9] =	ssyncset.done $0x0  }
0x1e5: {  	[sflag:s9] =	ssyncadd.s32 $0xFFFFC180  }
0x1e6: {  	[tilespmem:s13], [sflag:$0x2] =	stream.indirect.gather [hbm4b:s2+s11], $0x80, s26, s11, $0xb8;
	[tilespmem:$0x1D000] =	vst v63  }
0x1e7: {  	_ =	swait.ge [sflag:s14], $0x3E80  }
0x1e8: {  	[sflag:s14] =	ssyncset.done $0x0  }
0x1e9: {  	[sflag:s14] =	ssyncadd.s32 $0xFFFFC180  }
0x1ea: {  	[spmem:s3] =	stream.indirect.scatter.add.f32 [tilespmem:s12], [sflag:$0x3], $0x80, s28, s11, $0xb8;
	[tilespmem:$0x1D000] =	vst v63  }
0x1eb: {  	_ =	swait.ge [sflag:s9], $0x3E80  }
0x1ec: {  	[sflag:s9] =	ssyncset.done $0x0  }
0x1ed: {  	[sflag:s9] =	ssyncadd.s32 $0xFFFFC180  }
0x1ee: {  	[tilespmem:s12], [sflag:$0x1] =	stream.indirect.gather [hbm4b:s2+s11], $0x80, s29, s11, $0xb8;
	[tilespmem:$0x1D000] =	vst v63  }
0x1ef: {  	_ =	swait.ge [sflag:s15], $0x3E80  }
0x1f0: {  	[sflag:s15] =	ssyncset.done $0x0  }
0x1f1: {  	[sflag:s15] =	ssyncadd.s32 $0xFFFFC180  }
0x1f2: {  	[spmem:s3] =	stream.indirect.scatter.add.f32 [tilespmem:s13], [sflag:$0x3], $0x80, s30, s11, $0xb8;
	[tilespmem:$0x1D000] =	vst v63  }
0x1f3: {  	_ =	swait.ge [sflag:s9], $0x3E80  }
0x1f4: {  	[sflag:s9] =	ssyncset.done $0x0  }
0x1f5: {  	[sflag:s9] =	ssyncadd.s32 $0xFFFFC180  }
0x1f6: {  	[tilespmem:s13], [sflag:$0x2] =	stream.indirect.gather [hbm4b:s2+s11], $0x80, s31, s11, $0xb8;
	[tilespmem:$0x1D000] =	vst v63  }
0x1f7: {  	_ =	swait.ge [sflag:s14], $0x3E80  }
0x1f8: {  	[sflag:s14] =	ssyncset.done $0x0  }
0x1f9: {  	[sflag:s14] =	ssyncadd.s32 $0xFFFFC180  }
0x1fa: {  	[spmem:s3] =	stream.indirect.scatter.add.f32 [tilespmem:s12], [sflag:$0x3], $0x80, s1, s11, $0xb8;
	[tilespmem:$0x1D000] =	vst v63  }
0x1fb: {  	_ =	swait.ge [sflag:s9], $0x3E80  }
0x1fc: {  	[sflag:s9] =	ssyncset.done $0x0  }
0x1fd: {  	[sflag:s9] =	ssyncadd.s32 $0xFFFFC180  }
0x1fe: {  	_ =	swait.ge [sflag:s15], $0x3E80  }
0x1ff: {  	[sflag:s15] =	ssyncset.done $0x0  }
0x200: {  	[sflag:s15] =	ssyncadd.s32 $0xFFFFC180  }
0x201: {  	[spmem:s3] =	stream.indirect.scatter.add.f32 [tilespmem:s13], [sflag:$0x3], $0x80, s0, s11, $0xb8;
	[tilespmem:$0x1D000] =	vst v63  }
0x202: {  	_ =	swait.ge [sflag:s9], $0x3E80  }
0x203: {  	[sflag:s9] =	ssyncset.done $0x0  }
0x204: {  	s8 =	stileid.u32;
	[sflag:s9] =	ssyncadd.s32 $0xFFFFC180  }
0x205: {  	s6 =	sshll.u32 s8, $0x6;
	[bflag:$0x0] =	sbarrier.arrive $0xFFFF  }
0x206: {  	s6 =	sor.u32 $0x1C03, s6;
	s7 =	sshrl.u32 s5, $0x3;
	s8 =	rddreg [dreg:$0x13]  }
0x207: {  	[hbm:s8], [sflag:s6] =	dma.local [spmem:s7], $0x2780  }
0x208: {  	_ =	swait.ge [sflag:s9], $0x2780  }
0x209: {  	s6 =	rddreg [dreg:$0x15]  }
0x20a: {  	s8 =	rddreg [dreg:$0x14];
	s7 =	sadd.s32 $0x1, s6  }
0x20b: {  	p0 =	sne.s32 s7, s8  }
.Ltmp2:
0x20c: {  	_ = 	snop;
	(pc) =	sbr.rel @p0 .LBB2_1-.Ltmp2, $3  }
0x20d: {  	_ =	sdelay $0x1  }
0x20e: {  	[sflag:s9] =	ssyncset.done $0x0  }
0x20f: {  	[sflag:s9] =	ssyncadd.s32 $0xFFFFD880;
	s8 =	simm.s32 $0x1000  }
0x210: {  	_ =	sfence.sel $0x180000  }
0x211: {  	[bflag:$0x0] =	sbarrier.arrive $0xFFFF  }
0x212: {  	_ =	strace $0x9000004D  }
0x213: {  	s0 =	stileid.u32;
	[bflag:$0x2] =	sbarrier.arrive $0xFFFF  }
0x214: {  	p0 =	sne.s32 s0, $0x0;
	s0 =	rddreg [dreg:$0x3]  }
0x215: {  	s0 =	sadd.s32 @!p0 $0x100000, s0  }
0x216: {  	[sflag:s0] =	ssyncadd.tile.s32 @!p0 $0x1;
	_ =	shalt  }
.Lfunc_end2:
_tile_overlayer_lowered:
.L_overlay_start_2:
0x217: {  	(tag) =	ssettag $0x2  }
0x218: {  	s0 =	rddreg [dreg:$0x0];
	s2 =	stileid.u32  }
0x219: {  	s1 =	rddreg [dreg:$0x1];
	p0 =	sne.s32 s2, $0x0  }
0x21a: {  	s3 =	rddreg [dreg:$0x2];
	[bflag:$0x3] =	sbarrier.arrive $0xFFFF;
	s2 =	simm.s32 @!p0 $0x1C03  }
0x21b: {  	[timem:s3], [sflag:s2] =	dma.local @!p0 [hbm:s0], s1  }
0x21c: {  	s0 =	simm.s32 @!p0 $0x3  }
0x21d: {  	_ =	swait.ge @!p0 [sflag:s0], s1  }
0x21e: {  	s1 =	ssub.s32 @!p0 $0x0, s1;
	[sflag:s0] =	ssyncset.done @!p0 $0x0  }
0x21f: {  	[sflag:s0] =	ssyncadd.s32 @!p0 s1  }
0x220: {  	[bflag:$0x3] =	sbarrier.arrive $0xFFFF  }
0x221: {  	_ =	shalt  }

// kernel: kernel.19.cloned.1.call-start
scs
__scs_entry_jumppad:
0x0: {  	(pc) =	sbr.rel $0x88, $3  }
0x1: {  	(tag) =	ssettag $0x0;
	lr =	simm.s32 $0x1  }
0x2: {  	[smem:$0x3F97] =	sst lr;
	_ =	strace $0xD0000000  }
0x3: {  	_ = 	snop  }
0x4: {  	_ = 	snop  }
0x5: {  	_ = 	snop  }
0x6: {  	_ = 	snop  }
0x7: {  	_ = 	snop  }
__scs_overlays_trampoline_lowered:
0x8: {  	[smem:$0x3FA6] =	sst s0  }
0x9: {  	[smem:$0x3FA7] =	sst s1  }
0xa: {  	[smem:$0x3FA8] =	sst s2  }
0xb: {  	[smem:$0x3FA9] =	sst s3  }
0xc: {  	[smem:$0x3FAA] =	sst s4  }
0xd: {  	[smem:$0x3FAB] =	sst s5  }
0xe: {  	[smem:$0x3FAC] =	sst s6  }
0xf: {  	[smem:$0x3FAD] =	sst s7  }
0x10: {  	[smem:$0x3FAE] =	sst s8  }
0x11: {  	[smem:$0x3FAF] =	sst s9;
	s0 =	simm.s32 @!p0 $0x0  }
0x12: {  	s1 =	sld [smem:$0x3F95];
	s0 =	simm.s32 @p0 $0x1  }
0x13: {  	[smem:$0x3FB0] =	sst s0;
	s0 =	simm.s32 @!p1 $0x0  }
0x14: {  	s2 =	sld [smem:$0x3F94];
	s0 =	simm.s32 @p1 $0x1  }
0x15: {  	[smem:$0x3FB1] =	sst s0;
	s0 =	simm.s32 @!p2 $0x0  }
0x16: {  	s3 =	sld [smem:$0x3FDB];
	s0 =	simm.s32 @p2 $0x1  }
0x17: {  	s4 =	simm.s32 $0x1BF5;
	[smem:$0x3FB3] =	sst s0  }
0x18: {  	s0 =	sld [smem:$0x3F96];
	_ =	swait.ge [sflag:s4], $0x0  }
0x19: {  	s7 =	sld [smem:$0x3F97]  }
0x1a: {  	s8 =	sadd.s32 $0xFFFFE003, lr  }
0x1b: {  	s9 =	sadd.s32 $0xFFFFFEF7, lr;
	s5 =	simm.s32 $0xFFFFFFFF;
	p2 =	slt.u32 s8, $0xFFFFF086  }
0x1c: {  	p1 =	slt.u32 s9, $0xF7A;
	s5 =	simm.s32 @!p2 $0x0  }
0x1d: {  	s5 =	simm.s32 @p1 $0x1;
	p0 =	seq.s32 s7, s2  }
0x1e: {  	s7 =	smul.u32 @!p0 $0xF7A, s2;
	p2 =	seq.s32 @!p0 s5, $0x0  }
0x1f: {  	s9 =	smul.u32 $0xF7A, s1;
	s8 =	simm.s32 @!p0 $0x1BF5;
	p2 =	por !p2, p0  }
0x20: {  	[sflag:s8] =	ssyncset.s32 @!p0 $0xFFFFF086;
	s6 =	sadd.s32 @!p0 s3, s7;
	s7 =	simm.s32 @!p0 $0x108  }
0x21: {  	s3 =	sadd.s32 s3, s9;
	s6 =	sadd.s32 @!p0 $0x88, s6;
	s7 =	simm.s32 @p2 $0x1082  }
0x22: {  	[simem:s7], [sflag:s8] =	dma.local @!p0 [hbm:s6], $0xF7A  }
0x23: {  	s9 =	sor.u32 $0xD0000000, s2;
	s6 =	simm.s32 $0x108;
	_ =	swait.ge @!p0 [sflag:s8], $0x0  }
0x24: {  	s3 =	sadd.s32 $0x88, s3;
	s6 =	simm.s32 @!p1 $0x1082;
	[sflag:s4] =	ssyncset.s32 $0xFFFFF086  }
0x25: {  	[simem:s6], [sflag:s4] =	dma.local [hbm:s3], $0xF7A  }
0x26: {  	[smem:$0x3F97] =	sst s1;
	(tag) =	ssettag s2;
	_ =	strace s9  }
0x27: {  	s1 =	sld [smem:$0x3FA7]  }
0x28: {  	s2 =	sld [smem:$0x3FA8]  }
0x29: {  	s4 =	sld [smem:$0x3FAA]  }
0x2a: {  	p0 =	seq.s32 s5, $0x0;
	s5 =	sld [smem:$0x3FAB]  }
0x2b: {  	s6 =	sld [smem:$0x3FAC]  }
0x2c: {  	s7 =	sld [smem:$0x3FAD]  }
0x2d: {  	s3 =	simm.s32 $0x108;
	s8 =	sld [smem:$0x3FAE]  }
0x2e: {  	s3 =	simm.s32 @!p0 $0x1082;
	s9 =	sld [smem:$0x3FAF]  }
0x2f: {  	lr =	sadd.s32 s0, s3;
	s0 =	sld [smem:$0x3FA6]  }
0x30: {  	s3 =	sld [smem:$0x3FA9]  }
0x31: {  	[smem:$0x3FB2] =	sst s10  }
0x32: {  	s10 =	sld [smem:$0x3FB0];
	_ =	sdelay $0x3  }
0x33: {  	p0 =	seq.s32 s10, $0x1;
	s10 =	sld [smem:$0x3FB2];
	_ =	sdelay $0x3  }
0x34: {  	[smem:$0x3FB2] =	sst s10  }
0x35: {  	s10 =	sld [smem:$0x3FB1];
	_ =	sdelay $0x3  }
0x36: {  	p1 =	seq.s32 s10, $0x1;
	s10 =	sld [smem:$0x3FB2];
	_ =	sdelay $0x3  }
0x37: {  	[smem:$0x3FB2] =	sst s10  }
0x38: {  	s10 =	sld [smem:$0x3FB3]  }
0x39: {  	_ = 	snop;
	(pc) =	sbr.ind lr, $3  }
0x3a: {  	_ = 	snop  }
0x3b: {  	_ = 	snop  }
0x3c: {  	p2 =	seq.s32 s10, $0x1;
	s10 =	sld [smem:$0x3FB2]  }
0x3d: {  	_ =	shalt  }
0x3e: {  	_ =	shalt  }
0x3f: {  	_ =	shalt  }
0x40: {  	_ =	shalt  }
0x41: {  	_ =	shalt  }
0x42: {  	_ =	shalt  }
0x43: {  	_ =	shalt  }
0x44: {  	_ =	shalt  }
0x45: {  	_ =	shalt  }
0x46: {  	_ =	shalt  }
0x47: {  	_ =	shalt  }
0x48: {  	_ =	shalt  }
0x49: {  	_ =	shalt  }
0x4a: {  	_ =	shalt  }
0x4b: {  	_ =	shalt  }
0x4c: {  	_ =	shalt  }
0x4d: {  	_ =	shalt  }
0x4e: {  	_ =	shalt  }
0x4f: {  	_ =	shalt  }
0x50: {  	_ =	shalt  }
0x51: {  	_ =	shalt  }
0x52: {  	_ =	shalt  }
0x53: {  	_ =	shalt  }
0x54: {  	_ =	shalt  }
0x55: {  	_ =	shalt  }
0x56: {  	_ =	shalt  }
0x57: {  	_ =	shalt  }
0x58: {  	_ =	shalt  }
0x59: {  	_ =	shalt  }
0x5a: {  	_ =	shalt  }
0x5b: {  	_ =	shalt  }
0x5c: {  	_ =	shalt  }
0x5d: {  	_ =	shalt  }
0x5e: {  	_ =	shalt  }
0x5f: {  	_ =	shalt  }
0x60: {  	_ =	shalt  }
0x61: {  	_ =	shalt  }
0x62: {  	_ =	shalt  }
0x63: {  	_ =	shalt  }
0x64: {  	_ =	shalt  }
0x65: {  	_ =	shalt  }
0x66: {  	_ =	shalt  }
0x67: {  	_ =	shalt  }
0x68: {  	_ =	shalt  }
0x69: {  	_ =	shalt  }
0x6a: {  	_ =	shalt  }
0x6b: {  	_ =	shalt  }
0x6c: {  	_ =	shalt  }
0x6d: {  	_ =	shalt  }
0x6e: {  	_ =	shalt  }
0x6f: {  	_ =	shalt  }
0x70: {  	_ =	shalt  }
0x71: {  	_ =	shalt  }
0x72: {  	_ =	shalt  }
0x73: {  	_ =	shalt  }
0x74: {  	_ =	shalt  }
0x75: {  	_ =	shalt  }
0x76: {  	_ =	shalt  }
0x77: {  	_ =	shalt  }
0x78: {  	_ =	shalt  }
0x79: {  	_ =	shalt  }
0x7a: {  	_ =	shalt  }
0x7b: {  	_ =	shalt  }
0x7c: {  	_ =	shalt  }
0x7d: {  	_ =	shalt  }
0x7e: {  	_ =	shalt  }
0x7f: {  	_ =	shalt  }
0x80: {  	_ =	shalt  }
0x81: {  	_ =	shalt  }
0x82: {  	_ =	shalt  }
0x83: {  	_ =	shalt  }
0x84: {  	_ =	shalt  }
0x85: {  	_ =	shalt  }
0x86: {  	_ =	shalt  }
0x87: {  	_ =	shalt  }
.Lfunc_end0:
.L_simem_size_0:
called_computation.3_lowered:
.L_overlay_start_0:
0x88: {  	s2 =	sld [smem:$0x3FD9]  }
0x89: {  	s3 =	sld [smem:$0x3FFE];
	_ =	sdelay $0x1  }
0x8a: {  	s1 =	srdreg.scid  }
0x8b: {  	s0 =	sand.u32 $0x1, s1  }
0x8c: {  	s17 =	sshll.u32 s0, $0xA;
	s2 =	sadd.s32 s3, s2  }
0x8d: {  	s2 =	sadd.s32 s2, s17  }
0x8e: {  	[smem:$0x3FBE] =	sst s2  }
0x8f: {  	_ = 	snop  }
0x90: {  	s2 =	sld [smem:$0x3FD0];
	(tm) =	ssettm $0x1  }
0x91: {  	s18 =	sld [smem:$0x3FFB];
	_ =	sdelay $0x3  }
0x92: {  	_ =	strace s18  }
0x93: {  	s3 =	sld [smem:$0x3FFC];
	_ =	sdelay $0x3  }
0x94: {  	_ =	strace s3  }
0x95: {  	s3 =	sld [smem:$0x3FFD];
	_ =	sdelay $0x3  }
0x96: {  	_ =	strace s3  }
0x97: {  	_ =	strace $0x8FFFFFFF  }
0x98: {  	s19 =	sld [smem:$0x3FDB];
	_ =	sdelay $0x1  }
0x99: {  	s4 =	simm.s32 $_scs_section_size  }
0x9a: {  	s5 =	simm.s32 $_size__tile_overlayer_lowered;
	s6 =	simm.s32 $_tile_overlayer_lowered  }
0x9b: {  	s22 =	simm.s32 $0x1BFF;
	s21 =	sshll.u32 s6, $0x1;
	s3 =	sadd.s32 s4, s19  }
0x9c: {  	s7 =	simm.s32 $0x0;
	s20 =	sshll.u32 s5, $0x1;
	s5 =	sadd.s32 s21, s3  }
0x9d: {  	[timem:s7], [sflag:s22] =	dma.local [hbm:s5], s20  }
0x9e: {  	_ =	swait.ge [sflag:s22], s20  }
0x9f: {  	s4 =	ssub.s32 $0x0, s20;
	[sflag:s22] =	ssyncset.done $0x0  }
0xa0: {  	[sflag:s22] =	ssyncadd.s32 s4;
	_ =	sdelay $0x1  }
0xa1: {  	s23 =	simm.s32 $0x1B8B  }
0xa2: {  	_ =	swait.ge [sflag:s23], $0x1  }
0xa3: {  	[sflag:s23] =	ssyncset.done $0x0  }
0xa4: {  	s25 =	simm.s32 $0x1B8E;
	s24 =	sld [smem:$0x3FFE];
	[sflag:s23] =	ssyncadd.s32 $0xFFFFFFFF  }
0xa5: {  	s26 =	simm.s32 $execute0_lowered;
	[smem:$0x3FD2] =	sst s25  }
0xa6: {  	s5 =	sshll.u32 s26, $0x1;
	_ =	strace $0x8000004F;
	[dreg:$0x1] =	wrdreg $0xFFFFFFFF  }
0xa7: {  	s28 =	simm.s32 $_size_execute0_lowered;
	s3 =	sadd.s32 s3, s5;
	[dreg:$0x0] =	wrdreg $0x0  }
0xa8: {  	s5 =	sshll.u32 s28, $0x1;
	[dreg:$0x2] =	wrdreg s3  }
0xa9: {  	[dreg:$0x3] =	wrdreg s5  }
0xaa: {  	[dreg:$0x4] =	wrdreg $0xC0  }
0xab: {  	_ =	task [dreg:s7], $0x5FFFF  }
0xac: {  	[dreg:$0x1] =	wrdreg $0xFFFFFFFF  }
0xad: {  	[dreg:$0x0] =	wrdreg $0x60  }
0xae: {  	[dreg:$0x2] =	wrdreg s24  }
0xaf: {  	[dreg:$0x3] =	wrdreg s2  }
0xb0: {  	[dreg:$0x4] =	wrdreg $0x94000  }
0xb1: {  	[dreg:$0x5] =	wrdreg $0x9  }
0xb2: {  	_ =	task.clear_ibuf [dreg:s7], $0x6FFFF;
	_ =	strace $0x9000004F  }
0xb3: {  	s29 =	simm.s32 $0x9;
	_ =	strace $0x80000051  }
0xb4: {  	_ =	swait.ge [sflag:s29], $0x1  }
0xb5: {  	[sflag:s29] =	ssyncadd.s32 $0xFFFFFFFF  }
0xb6: {  	_ =	strace $0x90000051  }
0xb7: {  	_ =	sfence  }
0xb8: {  	s30 =	sld [smem:$0x0];
	_ =	sdelay $0x2  }
0xb9: {  	s31 =	sshll.u32 s1, $0xD;
	s1 =	sshrl.u32 s1, $0x2  }
0xba: {  	s3 =	sand.u32 $0x4000, s31;
	s1 =	sadd.s32 s1, s30  }
0xbb: {  	s0 =	sor.u32 s3, s0;
	s1 =	sshll.u32 s1, $0x11  }
0xbc: {  	s0 =	sor.u32 s1, s0  }
0xbd: {  	s0 =	sadd.s32 $0x8F2B, s0  }
0xbe: {  	[sflag:s0] =	ssyncadd.remote.s32 $0x1  }
0xbf: {  	_ =	sfence.sel $0xFFFF  }
0xc0: {  	[dreg:$0x0] =	wrdreg $0xFFFFFFFF;
	(pc) =	sbr.abs _section_cstart, $3  }
0xc1: {  	[dreg:$0x1] =	wrdreg $0xFFFFFFFF  }
0xc2: {  	_ =	task.clear_ibuf [dreg:s7], $0x2FFFF;
	_ =	strace $0x9FFFFFFF  }
0xc3: {  	(tm) =	ssettm $0x7FFFFFFF  }
tec
execute0_lowered:
.L_overlay_start_1:
0x0: {  	(tag) =	ssettag $0x1  }
0x1: {  	s0 =	srdreg.scid;
	s5 =	rddreg [dreg:$0x0]  }
0x2: {  	s8 =	stileid.u32;
	s2 =	rddreg [dreg:$0x1]  }
0x3: {  	s3 =	rddreg [dreg:$0x2];
	s12 =	simm.s32 $0x80;
	s14 =	simm.s32 $0x100  }
0x4: {  	s15 =	simm.s32 $0x880;
	s17 =	simm.s32 $0x180;
	s18 =	simm.s32 $0x900  }
0x5: {  	s19 =	simm.s32 $0x200;
	s0 =	sand.u32 $0x1, s0;
	s1 =	smul.u32 $0x5000, s8  }
0x6: {  	s20 =	simm.s32 $0x980;
	s21 =	simm.s32 $0x280;
	s4 =	smul.u32 $0x2800, s0  }
0x7: {  	s9 =	simm.s32 $0x3;
	s22 =	simm.s32 $0xA00;
	s23 =	simm.s32 $0x300  }
0x8: {  	s24 =	simm.s32 $0xA80;
	s1 =	sadd.s32 s4, s1;
	s4 =	simm.s32 $0x0  }
0x9: {  	s25 =	simm.s32 $0x380;
	s26 =	simm.s32 $0xB00;
	[smem:$0x7FF] =	sst s4  }
0xa: {  	s28 =	simm.s32 $0xE00;
	_ =	strace $0x80000050;
	[dreg:$0x6] =	wrdreg s12  }
0xb: {  	s6 =	smul.u32 $0x13C000, s0;
	s0 =	ssub.s32 $0x2, s0;
	[dreg:$0x7] =	wrdreg s14  }
0xc: {  	s29 =	simm.s32 $0x700;
	s11 =	sshrl.u32 s0, $0x1;
	[dreg:$0x8] =	wrdreg s15  }
0xd: {  	s30 =	simm.s32 $0xE80;
	s0 =	ssub.s32 s0, s11;
	[dreg:$0x9] =	wrdreg s17  }
0xe: {  	s13 =	smul.u32 $0x4F000, s8;
	s0 =	smax.u32 s0, $0x1;
	[dreg:$0xa] =	wrdreg s18  }
0xf: {  	s31 =	simm.s32 $0x780;
	s7 =	smul.u32 $0x13C00, s8;
	[dreg:$0x14] =	wrdreg s0  }
0x10: {  	s8 =	simm.s32 $0x1000;
	s16 =	sshrl.u32 s13, $0x2;
	[dreg:$0xb] =	wrdreg s19  }
0x11: {  	s13 =	simm.s32 $0x5400;
	s6 =	sadd.s32 s7, s6;
	[dreg:$0xc] =	wrdreg s20  }
0x12: {  	s11 =	simm.s32 $0x7D;
	s7 =	simm.s32 $0x0;
	[dreg:$0xd] =	wrdreg s21  }
0x13: {  	s1 =	sshrl.u32 s1, $0x3;
	s6 =	sshrl.u32 s6, $0x3;
	[dreg:$0xe] =	wrdreg s22  }
0x14: {  	s1 =	sadd.s32 s1, s5;
	s6 =	sadd.s32 s6, s5;
	[dreg:$0xf] =	wrdreg s23  }
0x15: {  	s5 =	sadd.s32 s16, s3;
	s12 =	simm.s32 $0x1400;
	[dreg:$0x10] =	wrdreg s24  }
0x16: {  	[dreg:$0x11] =	wrdreg s25;
	s14 =	simm.s32 $0x1;
	s15 =	simm.s32 $0x2  }
0x17: {  	[dreg:$0x12] =	wrdreg s26;
	s16 =	simm.s32 $0x400;
	s17 =	simm.s32 $0xB80  }
0x18: {  	s18 =	simm.s32 $0x480;
	s19 =	simm.s32 $0xC00;
	s20 =	simm.s32 $0x500  }
0x19: {  	s21 =	simm.s32 $0xC80;
	s22 =	simm.s32 $0x580;
	s23 =	simm.s32 $0xD00  }
0x1a: {  	s24 =	simm.s32 $0x600;
	s25 =	simm.s32 $0xD80;
	s10 =	sadd.s32 $0x4800, s1  }
0x1b: {  	s26 =	simm.s32 $0x680;
	s1 =	sadd.s32 $0x5D800, s1;
	[dreg:$0x4] =	wrdreg s10  }
0x1c: {  	s0 =	simm.s32 $0xF80;
	s6 =	sadd.s32 $0x67800, s6;
	[dreg:$0x5] =	wrdreg s1  }
0x1d: {  	v0 =	vimm.f32 $0.0e+00;
	[dreg:$0x13] =	wrdreg s6;
	s10 =	simm.s32 $0x800;
	s1 =	simm.s32 $0xF00  }
.LBB2_1:
0x1e: {  	[tilespmem:$0x1000] =	vst v0  }
0x1f: {  	[tilespmem:$0x1010] =	vst v0  }
0x20: {  	[tilespmem:$0x1020] =	vst v0  }
0x21: {  	[tilespmem:$0x1030] =	vst v0  }
0x22: {  	[tilespmem:$0x1040] =	vst v0  }
0x23: {  	[tilespmem:$0x1050] =	vst v0  }
0x24: {  	[tilespmem:$0x1060] =	vst v0  }
0x25: {  	[tilespmem:$0x1070] =	vst v0  }
0x26: {  	[tilespmem:$0x1080] =	vst v0  }
0x27: {  	[tilespmem:$0x1090] =	vst v0  }
0x28: {  	[tilespmem:$0x10A0] =	vst v0  }
0x29: {  	[tilespmem:$0x10B0] =	vst v0  }
0x2a: {  	[tilespmem:$0x10C0] =	vst v0  }
0x2b: {  	[tilespmem:$0x10D0] =	vst v0  }
0x2c: {  	[tilespmem:$0x10E0] =	vst v0  }
0x2d: {  	[tilespmem:$0x10F0] =	vst v0  }
0x2e: {  	[tilespmem:$0x1100] =	vst v0  }
0x2f: {  	[tilespmem:$0x1110] =	vst v0  }
0x30: {  	[tilespmem:$0x1120] =	vst v0  }
0x31: {  	[tilespmem:$0x1130] =	vst v0  }
0x32: {  	[tilespmem:$0x1140] =	vst v0  }
0x33: {  	[tilespmem:$0x1150] =	vst v0  }
0x34: {  	[tilespmem:$0x1160] =	vst v0  }
0x35: {  	[tilespmem:$0x1170] =	vst v0  }
0x36: {  	[tilespmem:$0x1180] =	vst v0  }
0x37: {  	[tilespmem:$0x1190] =	vst v0  }
0x38: {  	[tilespmem:$0x11A0] =	vst v0  }
0x39: {  	[tilespmem:$0x11B0] =	vst v0  }
0x3a: {  	[tilespmem:$0x11C0] =	vst v0  }
0x3b: {  	[tilespmem:$0x11D0] =	vst v0  }
0x3c: {  	[tilespmem:$0x11E0] =	vst v0  }
0x3d: {  	[tilespmem:$0x11F0] =	vst v0  }
0x3e: {  	[tilespmem:$0x1200] =	vst v0  }
0x3f: {  	[tilespmem:$0x1210] =	vst v0  }
0x40: {  	[tilespmem:$0x1220] =	vst v0  }
0x41: {  	[tilespmem:$0x1230] =	vst v0  }
0x42: {  	[tilespmem:$0x1240] =	vst v0  }
0x43: {  	[tilespmem:$0x1250] =	vst v0  }
0x44: {  	[tilespmem:$0x1260] =	vst v0  }
0x45: {  	[tilespmem:$0x1270] =	vst v0  }
0x46: {  	[tilespmem:$0x1280] =	vst v0  }
0x47: {  	[tilespmem:$0x1290] =	vst v0  }
0x48: {  	[tilespmem:$0x12A0] =	vst v0  }
0x49: {  	[tilespmem:$0x12B0] =	vst v0  }
0x4a: {  	[tilespmem:$0x12C0] =	vst v0  }
0x4b: {  	[tilespmem:$0x12D0] =	vst v0  }
0x4c: {  	[tilespmem:$0x12E0] =	vst v0  }
0x4d: {  	[tilespmem:$0x12F0] =	vst v0  }
0x4e: {  	[tilespmem:$0x1300] =	vst v0  }
0x4f: {  	[tilespmem:$0x1310] =	vst v0  }
0x50: {  	[tilespmem:$0x1320] =	vst v0  }
0x51: {  	[tilespmem:$0x1330] =	vst v0  }
0x52: {  	[tilespmem:$0x1340] =	vst v0  }
0x53: {  	[tilespmem:$0x1350] =	vst v0  }
0x54: {  	[tilespmem:$0x1360] =	vst v0  }
0x55: {  	[tilespmem:$0x1370] =	vst v0  }
0x56: {  	[tilespmem:$0x1380] =	vst v0  }
0x57: {  	[tilespmem:$0x1390] =	vst v0  }
0x58: {  	[tilespmem:$0x13A0] =	vst v0  }
0x59: {  	[tilespmem:$0x13B0] =	vst v0  }
0x5a: {  	[tilespmem:$0x13C0] =	vst v0  }
0x5b: {  	[tilespmem:$0x13D0] =	vst v0  }
0x5c: {  	[tilespmem:$0x13E0] =	vst v0  }
0x5d: {  	[dreg:$0x15] =	wrdreg s7;
	[tilespmem:$0x13F0] =	vst v0;
	s6 =	sadd.s32 $0x0, s5  }
0x5e: {  	[spmem:s6] =	stream.linear.scatter [tilespmem:s8], [sflag:$0x3], $0x400, $0x38;
	[tilespmem:$0x1D000] =	vst v63  }
0x5f: {  	s6 =	simm.s32 $0x1000;
	_ =	swait.ge [sflag:s9], $0x400  }
.LBB2_2:
0x60: {  	s7 =	sshra.s32 s6, $0x2;
	[sflag:s9] =	ssyncset.done $0x0;
	p0 =	sne.s32 s6, $0x4E000  }
.Ltmp0:
0x61: {  	s7 =	sadd.s32 s7, s5;
	[sflag:s9] =	ssyncadd.s32 $0xFFFFFC00;
	(pc) =	sbr.rel @p0 .LBB2_2-.Ltmp0, $3  }
0x62: {  	[spmem:s7] =	stream.linear.scatter [tilespmem:s8], [sflag:$0x3], $0x400, $0x38;
	[tilespmem:$0x1D000] =	vst v63  }
0x63: {  	s6 =	sadd.s32 $0x1000, s6;
	_ =	sdelay $0x1  }
0x64: {  	_ =	swait.ge [sflag:s9], $0x400  }
0x65: {  	[sflag:s9] =	ssyncset.done $0x0  }
0x66: {  	[sflag:s9] =	ssyncadd.s32 $0xFFFFFC00  }
0x67: {  	[bflag:$0x0] =	sbarrier.arrive $0xFFFF  }
0x68: {  	s6 =	rddreg [dreg:$0x5]  }
0x69: {  	s6 =	sadd.s32 $0x0, s6  }
0x6a: {  	[tilespmem:s4], [sflag:$0x3] =	stream.linear.gather [hbm4b:s6+s4], $0x800, $0x38;
	[tilespmem:$0x1D000] =	vst v63  }
0x6b: {  	_ =	swait.ge [sflag:s9], $0x800  }
0x6c: {  	s7 =	rddreg [dreg:$0x4];
	[sflag:s9] =	ssyncset.done $0x0  }
0x6d: {  	[sflag:s9] =	ssyncadd.s32 $0xFFFFF800;
	s6 =	sadd.s32 $0x0, s7  }
0x6e: {  	[tilespmem:s10], [sflag:$0x3] =	stream.linear.gather [hbm4b:s6+s4], $0x800, $0x38;
	[tilespmem:$0x1D000] =	vst v63  }
0x6f: {  	_ =	swait.ge [sflag:s9], $0x800  }
0x70: {  	[sflag:s9] =	ssyncset.done $0x0  }
0x71: {  	[sflag:s9] =	ssyncadd.s32 $0xFFFFF800  }
0x72: {  	[tilespmem:s12], [sflag:$0x1] =	stream.indirect.gather [hbm4b:s2+s11], $0x80, s4, s11, $0xb8;
	[tilespmem:$0x1D000] =	vst v63  }
0x73: {  	s8 =	rddreg [dreg:$0x6]  }
0x74: {  	[tilespmem:s13], [sflag:$0x2] =	stream.indirect.gather [hbm4b:s2+s11], $0x80, s8, s11, $0xb8;
	[tilespmem:$0x1D000] =	vst v63  }
0x75: {  	_ =	swait.ge [sflag:s14], $0x3E80  }
0x76: {  	[sflag:s14] =	ssyncset.done $0x0  }
0x77: {  	[sflag:s14] =	ssyncadd.s32 $0xFFFFC180  }
0x78: {  	[spmem:s3] =	stream.indirect.scatter.add.f32 [tilespmem:s12], [sflag:$0x3], $0x80, s10, s11, $0xb8;
	[tilespmem:$0x1D000] =	vst v63  }
0x79: {  	_ =	swait.ge [sflag:s9], $0x3E80  }
0x7a: {  	[sflag:s9] =	ssyncset.done $0x0  }
0x7b: {  	s7 =	rddreg [dreg:$0x7];
	[sflag:s9] =	ssyncadd.s32 $0xFFFFC180  }
0x7c: {  	[tilespmem:s12], [sflag:$0x1] =	stream.indirect.gather [hbm4b:s2+s11], $0x80, s7, s11, $0xb8;
	[tilespmem:$0x1D000] =	vst v63  }
0x7d: {  	_ =	swait.ge [sflag:s15], $0x3E80  }
0x7e: {  	[sflag:s15] =	ssyncset.done $0x0  }
0x7f: {  	s8 =	rddreg [dreg:$0x8];
	[sflag:s15] =	ssyncadd.s32 $0xFFFFC180  }
0x80: {  	[spmem:s3] =	stream.indirect.scatter.add.f32 [tilespmem:s13], [sflag:$0x3], $0x80, s8, s11, $0xb8;
	[tilespmem:$0x1D000] =	vst v63  }
0x81: {  	_ =	swait.ge [sflag:s9], $0x3E80  }
0x82: {  	[sflag:s9] =	ssyncset.done $0x0  }
0x83: {  	s7 =	rddreg [dreg:$0x9];
	[sflag:s9] =	ssyncadd.s32 $0xFFFFC180  }
0x84: {  	[tilespmem:s13], [sflag:$0x2] =	stream.indirect.gather [hbm4b:s2+s11], $0x80, s7, s11, $0xb8;
	[tilespmem:$0x1D000] =	vst v63  }
0x85: {  	_ =	swait.ge [sflag:s14], $0x3E80  }
0x86: {  	[sflag:s14] =	ssyncset.done $0x0  }
0x87: {  	s8 =	rddreg [dreg:$0xa];
	[sflag:s14] =	ssyncadd.s32 $0xFFFFC180  }
0x88: {  	[spmem:s3] =	stream.indirect.scatter.add.f32 [tilespmem:s12], [sflag:$0x3], $0x80, s8, s11, $0xb8;
	[tilespmem:$0x1D000] =	vst v63  }
0x89: {  	_ =	swait.ge [sflag:s9], $0x3E80  }
0x8a: {  	[sflag:s9] =	ssyncset.done $0x0  }
0x8b: {  	s7 =	rddreg [dreg:$0xb];
	[sflag:s9] =	ssyncadd.s32 $0xFFFFC180  }
0x8c: {  	[tilespmem:s12], [sflag:$0x1] =	stream.indirect.gather [hbm4b:s2+s11], $0x80, s7, s11, $0xb8;
	[tilespmem:$0x1D000] =	vst v63  }
0x8d: {  	_ =	swait.ge [sflag:s15], $0x3E80  }
0x8e: {  	[sflag:s15] =	ssyncset.done $0x0  }
0x8f: {  	s8 =	rddreg [dreg:$0xc];
	[sflag:s15] =	ssyncadd.s32 $0xFFFFC180  }
0x90: {  	[spmem:s3] =	stream.indirect.scatter.add.f32 [tilespmem:s13], [sflag:$0x3], $0x80, s8, s11, $0xb8;
	[tilespmem:$0x1D000] =	vst v63  }
0x91: {  	_ =	swait.ge [sflag:s9], $0x3E80  }
0x92: {  	[sflag:s9] =	ssyncset.done $0x0  }
0x93: {  	s7 =	rddreg [dreg:$0xd];
	[sflag:s9] =	ssyncadd.s32 $0xFFFFC180  }
0x94: {  	[tilespmem:s13], [sflag:$0x2] =	stream.indirect.gather [hbm4b:s2+s11], $0x80, s7, s11, $0xb8;
	[tilespmem:$0x1D000] =	vst v63  }
0x95: {  	_ =	swait.ge [sflag:s14], $0x3E80  }
0x96: {  	[sflag:s14] =	ssyncset.done $0x0  }
0x97: {  	s8 =	rddreg [dreg:$0xe];
	[sflag:s14] =	ssyncadd.s32 $0xFFFFC180  }
0x98: {  	[spmem:s3] =	stream.indirect.scatter.add.f32 [tilespmem:s12], [sflag:$0x3], $0x80, s8, s11, $0xb8;
	[tilespmem:$0x1D000] =	vst v63  }
0x99: {  	_ =	swait.ge [sflag:s9], $0x3E80  }
0x9a: {  	[sflag:s9] =	ssyncset.done $0x0  }
0x9b: {  	s7 =	rddreg [dreg:$0xf];
	[sflag:s9] =	ssyncadd.s32 $0xFFFFC180  }
0x9c: {  	[tilespmem:s12], [sflag:$0x1] =	stream.indirect.gather [hbm4b:s2+s11], $0x80, s7, s11, $0xb8;
	[tilespmem:$0x1D000] =	vst v63  }
0x9d: {  	_ =	swait.ge [sflag:s15], $0x3E80  }
0x9e: {  	[sflag:s15] =	ssyncset.done $0x0  }
0x9f: {  	s8 =	rddreg [dreg:$0x10];
	[sflag:s15] =	ssyncadd.s32 $0xFFFFC180  }
0xa0: {  	[spmem:s3] =	stream.indirect.scatter.add.f32 [tilespmem:s13], [sflag:$0x3], $0x80, s8, s11, $0xb8;
	[tilespmem:$0x1D000] =	vst v63  }
0xa1: {  	_ =	swait.ge [sflag:s9], $0x3E80  }
0xa2: {  	[sflag:s9] =	ssyncset.done $0x0  }
0xa3: {  	s7 =	rddreg [dreg:$0x11];
	[sflag:s9] =	ssyncadd.s32 $0xFFFFC180  }
0xa4: {  	[tilespmem:s13], [sflag:$0x2] =	stream.indirect.gather [hbm4b:s2+s11], $0x80, s7, s11, $0xb8;
	[tilespmem:$0x1D000] =	vst v63  }
0xa5: {  	_ =	swait.ge [sflag:s14], $0x3E80  }
0xa6: {  	[sflag:s14] =	ssyncset.done $0x0  }
0xa7: {  	s8 =	rddreg [dreg:$0x12];
	[sflag:s14] =	ssyncadd.s32 $0xFFFFC180  }
0xa8: {  	[spmem:s3] =	stream.indirect.scatter.add.f32 [tilespmem:s12], [sflag:$0x3], $0x80, s8, s11, $0xb8;
	[tilespmem:$0x1D000] =	vst v63  }
0xa9: {  	_ =	swait.ge [sflag:s9], $0x3E80  }
0xaa: {  	[sflag:s9] =	ssyncset.done $0x0  }
0xab: {  	[sflag:s9] =	ssyncadd.s32 $0xFFFFC180  }
0xac: {  	[tilespmem:s12], [sflag:$0x1] =	stream.indirect.gather [hbm4b:s2+s11], $0x80, s16, s11, $0xb8;
	[tilespmem:$0x1D000] =	vst v63  }
0xad: {  	_ =	swait.ge [sflag:s15], $0x3E80  }
0xae: {  	[sflag:s15] =	ssyncset.done $0x0  }
0xaf: {  	[sflag:s15] =	ssyncadd.s32 $0xFFFFC180  }
0xb0: {  	[spmem:s3] =	stream.indirect.scatter.add.f32 [tilespmem:s13], [sflag:$0x3], $0x80, s17, s11, $0xb8;
	[tilespmem:$0x1D000] =	vst v63  }
0xb1: {  	_ =	swait.ge [sflag:s9], $0x3E80  }
0xb2: {  	[sflag:s9] =	ssyncset.done $0x0  }
0xb3: {  	[sflag:s9] =	ssyncadd.s32 $0xFFFFC180  }
0xb4: {  	[tilespmem:s13], [sflag:$0x2] =	stream.indirect.gather [hbm4b:s2+s11], $0x80, s18, s11, $0xb8;
	[tilespmem:$0x1D000] =	vst v63  }
0xb5: {  	_ =	swait.ge [sflag:s14], $0x3E80  }
0xb6: {  	[sflag:s14] =	ssyncset.done $0x0  }
0xb7: {  	[sflag:s14] =	ssyncadd.s32 $0xFFFFC180  }
0xb8: {  	[spmem:s3] =	stream.indirect.scatter.add.f32 [tilespmem:s12], [sflag:$0x3], $0x80, s19, s11, $0xb8;
	[tilespmem:$0x1D000] =	vst v63  }
0xb9: {  	_ =	swait.ge [sflag:s9], $0x3E80  }
0xba: {  	[sflag:s9] =	ssyncset.done $0x0  }
0xbb: {  	[sflag:s9] =	ssyncadd.s32 $0xFFFFC180  }
0xbc: {  	[tilespmem:s12], [sflag:$0x1] =	stream.indirect.gather [hbm4b:s2+s11], $0x80, s20, s11, $0xb8;
	[tilespmem:$0x1D000] =	vst v63  }
0xbd: {  	_ =	swait.ge [sflag:s15], $0x3E80  }
0xbe: {  	[sflag:s15] =	ssyncset.done $0x0  }
0xbf: {  	[sflag:s15] =	ssyncadd.s32 $0xFFFFC180  }
0xc0: {  	[spmem:s3] =	stream.indirect.scatter.add.f32 [tilespmem:s13], [sflag:$0x3], $0x80, s21, s11, $0xb8;
	[tilespmem:$0x1D000] =	vst v63  }
0xc1: {  	_ =	swait.ge [sflag:s9], $0x3E80  }
0xc2: {  	[sflag:s9] =	ssyncset.done $0x0  }
0xc3: {  	[sflag:s9] =	ssyncadd.s32 $0xFFFFC180  }
0xc4: {  	[tilespmem:s13], [sflag:$0x2] =	stream.indirect.gather [hbm4b:s2+s11], $0x80, s22, s11, $0xb8;
	[tilespmem:$0x1D000] =	vst v63  }
0xc5: {  	_ =	swait.ge [sflag:s14], $0x3E80  }
0xc6: {  	[sflag:s14] =	ssyncset.done $0x0  }
0xc7: {  	[sflag:s14] =	ssyncadd.s32 $0xFFFFC180  }
0xc8: {  	[spmem:s3] =	stream.indirect.scatter.add.f32 [tilespmem:s12], [sflag:$0x3], $0x80, s23, s11, $0xb8;
	[tilespmem:$0x1D000] =	vst v63  }
0xc9: {  	_ =	swait.ge [sflag:s9], $0x3E80  }
0xca: {  	[sflag:s9] =	ssyncset.done $0x0  }
0xcb: {  	[sflag:s9] =	ssyncadd.s32 $0xFFFFC180  }
0xcc: {  	[tilespmem:s12], [sflag:$0x1] =	stream.indirect.gather [hbm4b:s2+s11], $0x80, s24, s11, $0xb8;
	[tilespmem:$0x1D000] =	vst v63  }
0xcd: {  	_ =	swait.ge [sflag:s15], $0x3E80  }
0xce: {  	[sflag:s15] =	ssyncset.done $0x0  }
0xcf: {  	[sflag:s15] =	ssyncadd.s32 $0xFFFFC180  }
0xd0: {  	[spmem:s3] =	stream.indirect.scatter.add.f32 [tilespmem:s13], [sflag:$0x3], $0x80, s25, s11, $0xb8;
	[tilespmem:$0x1D000] =	vst v63  }
0xd1: {  	_ =	swait.ge [sflag:s9], $0x3E80  }
0xd2: {  	[sflag:s9] =	ssyncset.done $0x0  }
0xd3: {  	[sflag:s9] =	ssyncadd.s32 $0xFFFFC180  }
0xd4: {  	[tilespmem:s13], [sflag:$0x2] =	stream.indirect.gather [hbm4b:s2+s11], $0x80, s26, s11, $0xb8;
	[tilespmem:$0x1D000] =	vst v63  }
0xd5: {  	_ =	swait.ge [sflag:s14], $0x3E80  }
0xd6: {  	[sflag:s14] =	ssyncset.done $0x0  }
0xd7: {  	[sflag:s14] =	ssyncadd.s32 $0xFFFFC180  }
0xd8: {  	[spmem:s3] =	stream.indirect.scatter.add.f32 [tilespmem:s12], [sflag:$0x3], $0x80, s28, s11, $0xb8;
	[tilespmem:$0x1D000] =	vst v63  }
0xd9: {  	_ =	swait.ge [sflag:s9], $0x3E80  }
0xda: {  	[sflag:s9] =	ssyncset.done $0x0  }
0xdb: {  	[sflag:s9] =	ssyncadd.s32 $0xFFFFC180  }
0xdc: {  	[tilespmem:s12], [sflag:$0x1] =	stream.indirect.gather [hbm4b:s2+s11], $0x80, s29, s11, $0xb8;
	[tilespmem:$0x1D000] =	vst v63  }
0xdd: {  	_ =	swait.ge [sflag:s15], $0x3E80  }
0xde: {  	[sflag:s15] =	ssyncset.done $0x0  }
0xdf: {  	[sflag:s15] =	ssyncadd.s32 $0xFFFFC180  }
0xe0: {  	[spmem:s3] =	stream.indirect.scatter.add.f32 [tilespmem:s13], [sflag:$0x3], $0x80, s30, s11, $0xb8;
	[tilespmem:$0x1D000] =	vst v63  }
0xe1: {  	_ =	swait.ge [sflag:s9], $0x3E80  }
0xe2: {  	[sflag:s9] =	ssyncset.done $0x0  }
0xe3: {  	[sflag:s9] =	ssyncadd.s32 $0xFFFFC180  }
0xe4: {  	[tilespmem:s13], [sflag:$0x2] =	stream.indirect.gather [hbm4b:s2+s11], $0x80, s31, s11, $0xb8;
	[tilespmem:$0x1D000] =	vst v63  }
0xe5: {  	_ =	swait.ge [sflag:s14], $0x3E80  }
0xe6: {  	[sflag:s14] =	ssyncset.done $0x0  }
0xe7: {  	[sflag:s14] =	ssyncadd.s32 $0xFFFFC180  }
0xe8: {  	[spmem:s3] =	stream.indirect.scatter.add.f32 [tilespmem:s12], [sflag:$0x3], $0x80, s1, s11, $0xb8;
	[tilespmem:$0x1D000] =	vst v63  }
0xe9: {  	_ =	swait.ge [sflag:s9], $0x3E80  }
0xea: {  	[sflag:s9] =	ssyncset.done $0x0  }
0xeb: {  	[sflag:s9] =	ssyncadd.s32 $0xFFFFC180  }
0xec: {  	_ =	swait.ge [sflag:s15], $0x3E80  }
0xed: {  	[sflag:s15] =	ssyncset.done $0x0  }
0xee: {  	[sflag:s15] =	ssyncadd.s32 $0xFFFFC180  }
0xef: {  	[spmem:s3] =	stream.indirect.scatter.add.f32 [tilespmem:s13], [sflag:$0x3], $0x80, s0, s11, $0xb8;
	[tilespmem:$0x1D000] =	vst v63  }
0xf0: {  	s6 =	simm.s32 $0x200;
	_ =	swait.ge [sflag:s9], $0x3E80  }
0xf1: {  	s7 =	simm.s32 $0x100;
	s8 =	rddreg [dreg:$0x5];
	[sflag:s9] =	ssyncset.done $0x0  }
.LBB2_4:
0xf2: {  	[sflag:s9] =	ssyncadd.s32 $0xFFFFC180;
	s8 =	sadd.s32 s7, s8  }
0xf3: {  	[tilespmem:s4], [sflag:$0x3] =	stream.linear.gather [hbm4b:s8+s4], $0x800, $0x38;
	[tilespmem:$0x1D000] =	vst v63  }
0xf4: {  	_ =	swait.ge [sflag:s9], $0x800  }
0xf5: {  	s8 =	rddreg [dreg:$0x4];
	[sflag:s9] =	ssyncset.done $0x0  }
0xf6: {  	[sflag:s9] =	ssyncadd.s32 $0xFFFFF800;
	s8 =	sadd.s32 s7, s8  }
0xf7: {  	[tilespmem:s10], [sflag:$0x3] =	stream.linear.gather [hbm4b:s8+s4], $0x800, $0x38;
	[tilespmem:$0x1D000] =	vst v63  }
0xf8: {  	_ =	swait.ge [sflag:s9], $0x800  }
0xf9: {  	[sflag:s9] =	ssyncset.done $0x0  }
0xfa: {  	[sflag:s9] =	ssyncadd.s32 $0xFFFFF800  }
0xfb: {  	[tilespmem:s12], [sflag:$0x1] =	stream.indirect.gather [hbm4b:s2+s11], $0x80, s4, s11, $0xb8;
	[tilespmem:$0x1D000] =	vst v63  }
0xfc: {  	s8 =	rddreg [dreg:$0x6]  }
0xfd: {  	[tilespmem:s13], [sflag:$0x2] =	stream.indirect.gather [hbm4b:s2+s11], $0x80, s8, s11, $0xb8;
	[tilespmem:$0x1D000] =	vst v63  }
0xfe: {  	_ =	swait.ge [sflag:s14], $0x3E80  }
0xff: {  	[sflag:s14] =	ssyncset.done $0x0  }
0x100: {  	[sflag:s14] =	ssyncadd.s32 $0xFFFFC180  }
0x101: {  	[spmem:s3] =	stream.indirect.scatter.add.f32 [tilespmem:s12], [sflag:$0x3], $0x80, s10, s11, $0xb8;
	[tilespmem:$0x1D000] =	vst v63  }
0x102: {  	_ =	swait.ge [sflag:s9], $0x3E80  }
0x103: {  	[sflag:s9] =	ssyncset.done $0x0  }
0x104: {  	s8 =	rddreg [dreg:$0x7];
	[sflag:s9] =	ssyncadd.s32 $0xFFFFC180  }
0x105: {  	[tilespmem:s12], [sflag:$0x1] =	stream.indirect.gather [hbm4b:s2+s11], $0x80, s8, s11, $0xb8;
	[tilespmem:$0x1D000] =	vst v63  }
0x106: {  	_ =	swait.ge [sflag:s15], $0x3E80  }
0x107: {  	[sflag:s15] =	ssyncset.done $0x0  }
0x108: {  	s8 =	rddreg [dreg:$0x8];
	[sflag:s15] =	ssyncadd.s32 $0xFFFFC180  }
0x109: {  	[spmem:s3] =	stream.indirect.scatter.add.f32 [tilespmem:s13], [sflag:$0x3], $0x80, s8, s11, $0xb8;
	[tilespmem:$0x1D000] =	vst v63  }
0x10a: {  	_ =	swait.ge [sflag:s9], $0x3E80  }
0x10b: {  	[sflag:s9] =	ssyncset.done $0x0  }
0x10c: {  	s8 =	rddreg [dreg:$0x9];
	[sflag:s9] =	ssyncadd.s32 $0xFFFFC180  }
0x10d: {  	[tilespmem:s13], [sflag:$0x2] =	stream.indirect.gather [hbm4b:s2+s11], $0x80, s8, s11, $0xb8;
	[tilespmem:$0x1D000] =	vst v63  }
0x10e: {  	_ =	swait.ge [sflag:s14], $0x3E80  }
0x10f: {  	[sflag:s14] =	ssyncset.done $0x0  }
0x110: {  	s8 =	rddreg [dreg:$0xa];
	[sflag:s14] =	ssyncadd.s32 $0xFFFFC180  }
0x111: {  	[spmem:s3] =	stream.indirect.scatter.add.f32 [tilespmem:s12], [sflag:$0x3], $0x80, s8, s11, $0xb8;
	[tilespmem:$0x1D000] =	vst v63  }
0x112: {  	_ =	swait.ge [sflag:s9], $0x3E80  }
0x113: {  	[sflag:s9] =	ssyncset.done $0x0  }
0x114: {  	s8 =	rddreg [dreg:$0xb];
	[sflag:s9] =	ssyncadd.s32 $0xFFFFC180  }
0x115: {  	[tilespmem:s12], [sflag:$0x1] =	stream.indirect.gather [hbm4b:s2+s11], $0x80, s8, s11, $0xb8;
	[tilespmem:$0x1D000] =	vst v63  }
0x116: {  	_ =	swait.ge [sflag:s15], $0x3E80  }
0x117: {  	[sflag:s15] =	ssyncset.done $0x0  }
0x118: {  	s8 =	rddreg [dreg:$0xc];
	[sflag:s15] =	ssyncadd.s32 $0xFFFFC180  }
0x119: {  	[spmem:s3] =	stream.indirect.scatter.add.f32 [tilespmem:s13], [sflag:$0x3], $0x80, s8, s11, $0xb8;
	[tilespmem:$0x1D000] =	vst v63  }
0x11a: {  	_ =	swait.ge [sflag:s9], $0x3E80  }
0x11b: {  	[sflag:s9] =	ssyncset.done $0x0  }
0x11c: {  	s8 =	rddreg [dreg:$0xd];
	[sflag:s9] =	ssyncadd.s32 $0xFFFFC180  }
0x11d: {  	[tilespmem:s13], [sflag:$0x2] =	stream.indirect.gather [hbm4b:s2+s11], $0x80, s8, s11, $0xb8;
	[tilespmem:$0x1D000] =	vst v63  }
0x11e: {  	_ =	swait.ge [sflag:s14], $0x3E80  }
0x11f: {  	[sflag:s14] =	ssyncset.done $0x0  }
0x120: {  	s8 =	rddreg [dreg:$0xe];
	[sflag:s14] =	ssyncadd.s32 $0xFFFFC180  }
0x121: {  	[spmem:s3] =	stream.indirect.scatter.add.f32 [tilespmem:s12], [sflag:$0x3], $0x80, s8, s11, $0xb8;
	[tilespmem:$0x1D000] =	vst v63  }
0x122: {  	_ =	swait.ge [sflag:s9], $0x3E80  }
0x123: {  	[sflag:s9] =	ssyncset.done $0x0  }
0x124: {  	s8 =	rddreg [dreg:$0xf];
	[sflag:s9] =	ssyncadd.s32 $0xFFFFC180  }
0x125: {  	[tilespmem:s12], [sflag:$0x1] =	stream.indirect.gather [hbm4b:s2+s11], $0x80, s8, s11, $0xb8;
	[tilespmem:$0x1D000] =	vst v63  }
0x126: {  	_ =	swait.ge [sflag:s15], $0x3E80  }
0x127: {  	[sflag:s15] =	ssyncset.done $0x0  }
0x128: {  	s8 =	rddreg [dreg:$0x10];
	[sflag:s15] =	ssyncadd.s32 $0xFFFFC180  }
0x129: {  	[spmem:s3] =	stream.indirect.scatter.add.f32 [tilespmem:s13], [sflag:$0x3], $0x80, s8, s11, $0xb8;
	[tilespmem:$0x1D000] =	vst v63  }
0x12a: {  	_ =	swait.ge [sflag:s9], $0x3E80  }
0x12b: {  	[sflag:s9] =	ssyncset.done $0x0  }
0x12c: {  	s8 =	rddreg [dreg:$0x11];
	[sflag:s9] =	ssyncadd.s32 $0xFFFFC180  }
0x12d: {  	[tilespmem:s13], [sflag:$0x2] =	stream.indirect.gather [hbm4b:s2+s11], $0x80, s8, s11, $0xb8;
	[tilespmem:$0x1D000] =	vst v63  }
0x12e: {  	_ =	swait.ge [sflag:s14], $0x3E80  }
0x12f: {  	[sflag:s14] =	ssyncset.done $0x0  }
0x130: {  	s8 =	rddreg [dreg:$0x12];
	[sflag:s14] =	ssyncadd.s32 $0xFFFFC180  }
0x131: {  	[spmem:s3] =	stream.indirect.scatter.add.f32 [tilespmem:s12], [sflag:$0x3], $0x80, s8, s11, $0xb8;
	[tilespmem:$0x1D000] =	vst v63  }
0x132: {  	_ =	swait.ge [sflag:s9], $0x3E80  }
0x133: {  	s16 =	smov.u32 s6;
	[sflag:s9] =	ssyncset.done $0x0  }
0x134: {  	s7 =	smov.u32 s16;
	s16 =	simm.s32 $0x400;
	[sflag:s9] =	ssyncadd.s32 $0xFFFFC180  }
0x135: {  	[tilespmem:s12], [sflag:$0x1] =	stream.indirect.gather [hbm4b:s2+s11], $0x80, s16, s11, $0xb8;
	[tilespmem:$0x1D000] =	vst v63  }
0x136: {  	_ =	swait.ge [sflag:s15], $0x3E80  }
0x137: {  	[sflag:s15] =	ssyncset.done $0x0  }
0x138: {  	[sflag:s15] =	ssyncadd.s32 $0xFFFFC180  }
0x139: {  	[spmem:s3] =	stream.indirect.scatter.add.f32 [tilespmem:s13], [sflag:$0x3], $0x80, s17, s11, $0xb8;
	[tilespmem:$0x1D000] =	vst v63  }
0x13a: {  	_ =	swait.ge [sflag:s9], $0x3E80  }
0x13b: {  	[sflag:s9] =	ssyncset.done $0x0  }
0x13c: {  	[sflag:s9] =	ssyncadd.s32 $0xFFFFC180  }
0x13d: {  	[tilespmem:s13], [sflag:$0x2] =	stream.indirect.gather [hbm4b:s2+s11], $0x80, s18, s11, $0xb8;
	[tilespmem:$0x1D000] =	vst v63  }
0x13e: {  	_ =	swait.ge [sflag:s14], $0x3E80  }
0x13f: {  	[sflag:s14] =	ssyncset.done $0x0  }
0x140: {  	[sflag:s14] =	ssyncadd.s32 $0xFFFFC180  }
0x141: {  	[spmem:s3] =	stream.indirect.scatter.add.f32 [tilespmem:s12], [sflag:$0x3], $0x80, s19, s11, $0xb8;
	[tilespmem:$0x1D000] =	vst v63  }
0x142: {  	_ =	swait.ge [sflag:s9], $0x3E80  }
0x143: {  	[sflag:s9] =	ssyncset.done $0x0  }
0x144: {  	[sflag:s9] =	ssyncadd.s32 $0xFFFFC180  }
0x145: {  	[tilespmem:s12], [sflag:$0x1] =	stream.indirect.gather [hbm4b:s2+s11], $0x80, s20, s11, $0xb8;
	[tilespmem:$0x1D000] =	vst v63  }
0x146: {  	_ =	swait.ge [sflag:s15], $0x3E80  }
0x147: {  	[sflag:s15] =	ssyncset.done $0x0  }
0x148: {  	[sflag:s15] =	ssyncadd.s32 $0xFFFFC180  }
0x149: {  	[spmem:s3] =	stream.indirect.scatter.add.f32 [tilespmem:s13], [sflag:$0x3], $0x80, s21, s11, $0xb8;
	[tilespmem:$0x1D000] =	vst v63  }
0x14a: {  	_ =	swait.ge [sflag:s9], $0x3E80  }
0x14b: {  	[sflag:s9] =	ssyncset.done $0x0  }
0x14c: {  	[sflag:s9] =	ssyncadd.s32 $0xFFFFC180  }
0x14d: {  	[tilespmem:s13], [sflag:$0x2] =	stream.indirect.gather [hbm4b:s2+s11], $0x80, s22, s11, $0xb8;
	[tilespmem:$0x1D000] =	vst v63  }
0x14e: {  	_ =	swait.ge [sflag:s14], $0x3E80  }
0x14f: {  	[sflag:s14] =	ssyncset.done $0x0  }
0x150: {  	[sflag:s14] =	ssyncadd.s32 $0xFFFFC180  }
0x151: {  	[spmem:s3] =	stream.indirect.scatter.add.f32 [tilespmem:s12], [sflag:$0x3], $0x80, s23, s11, $0xb8;
	[tilespmem:$0x1D000] =	vst v63  }
0x152: {  	_ =	swait.ge [sflag:s9], $0x3E80  }
0x153: {  	[sflag:s9] =	ssyncset.done $0x0  }
0x154: {  	[sflag:s9] =	ssyncadd.s32 $0xFFFFC180  }
0x155: {  	[tilespmem:s12], [sflag:$0x1] =	stream.indirect.gather [hbm4b:s2+s11], $0x80, s24, s11, $0xb8;
	[tilespmem:$0x1D000] =	vst v63  }
0x156: {  	_ =	swait.ge [sflag:s15], $0x3E80  }
0x157: {  	[sflag:s15] =	ssyncset.done $0x0  }
0x158: {  	[sflag:s15] =	ssyncadd.s32 $0xFFFFC180  }
0x159: {  	[spmem:s3] =	stream.indirect.scatter.add.f32 [tilespmem:s13], [sflag:$0x3], $0x80, s25, s11, $0xb8;
	[tilespmem:$0x1D000] =	vst v63  }
0x15a: {  	_ =	swait.ge [sflag:s9], $0x3E80  }
0x15b: {  	[sflag:s9] =	ssyncset.done $0x0  }
0x15c: {  	[sflag:s9] =	ssyncadd.s32 $0xFFFFC180  }
0x15d: {  	[tilespmem:s13], [sflag:$0x2] =	stream.indirect.gather [hbm4b:s2+s11], $0x80, s26, s11, $0xb8;
	[tilespmem:$0x1D000] =	vst v63  }
0x15e: {  	_ =	swait.ge [sflag:s14], $0x3E80  }
0x15f: {  	[sflag:s14] =	ssyncset.done $0x0  }
0x160: {  	[sflag:s14] =	ssyncadd.s32 $0xFFFFC180  }
0x161: {  	[spmem:s3] =	stream.indirect.scatter.add.f32 [tilespmem:s12], [sflag:$0x3], $0x80, s28, s11, $0xb8;
	[tilespmem:$0x1D000] =	vst v63  }
0x162: {  	_ =	swait.ge [sflag:s9], $0x3E80  }
0x163: {  	[sflag:s9] =	ssyncset.done $0x0  }
0x164: {  	[sflag:s9] =	ssyncadd.s32 $0xFFFFC180  }
0x165: {  	[tilespmem:s12], [sflag:$0x1] =	stream.indirect.gather [hbm4b:s2+s11], $0x80, s29, s11, $0xb8;
	[tilespmem:$0x1D000] =	vst v63  }
0x166: {  	_ =	swait.ge [sflag:s15], $0x3E80  }
0x167: {  	[sflag:s15] =	ssyncset.done $0x0  }
0x168: {  	[sflag:s15] =	ssyncadd.s32 $0xFFFFC180  }
0x169: {  	[spmem:s3] =	stream.indirect.scatter.add.f32 [tilespmem:s13], [sflag:$0x3], $0x80, s30, s11, $0xb8;
	[tilespmem:$0x1D000] =	vst v63  }
0x16a: {  	_ =	swait.ge [sflag:s9], $0x3E80  }
0x16b: {  	[sflag:s9] =	ssyncset.done $0x0  }
0x16c: {  	[sflag:s9] =	ssyncadd.s32 $0xFFFFC180  }
0x16d: {  	[tilespmem:s13], [sflag:$0x2] =	stream.indirect.gather [hbm4b:s2+s11], $0x80, s31, s11, $0xb8;
	[tilespmem:$0x1D000] =	vst v63  }
0x16e: {  	_ =	swait.ge [sflag:s14], $0x3E80  }
0x16f: {  	[sflag:s14] =	ssyncset.done $0x0  }
0x170: {  	[sflag:s14] =	ssyncadd.s32 $0xFFFFC180  }
0x171: {  	[spmem:s3] =	stream.indirect.scatter.add.f32 [tilespmem:s12], [sflag:$0x3], $0x80, s1, s11, $0xb8;
	[tilespmem:$0x1D000] =	vst v63  }
0x172: {  	_ =	swait.ge [sflag:s9], $0x3E80  }
0x173: {  	[sflag:s9] =	ssyncset.done $0x0  }
0x174: {  	[sflag:s9] =	ssyncadd.s32 $0xFFFFC180  }
0x175: {  	p0 =	sne.s32 s6, $0x400;
	_ =	swait.ge [sflag:s15], $0x3E80  }
.Ltmp1:
0x176: {  	[sflag:s15] =	ssyncset.done $0x0;
	(pc) =	sbr.rel @p0 .LBB2_4-.Ltmp1, $4  }
0x177: {  	[sflag:s15] =	ssyncadd.s32 $0xFFFFC180  }
0x178: {  	[spmem:s3] =	stream.indirect.scatter.add.f32 [tilespmem:s13], [sflag:$0x3], $0x80, s0, s11, $0xb8;
	[tilespmem:$0x1D000] =	vst v63  }
0x179: {  	_ =	swait.ge [sflag:s9], $0x3E80  }
0x17a: {  	s6 =	sadd.s32 $0x100, s6;
	s8 =	rddreg [dreg:$0x5];
	[sflag:s9] =	ssyncset.done $0x0  }
0x17b: {  	[sflag:s9] =	ssyncadd.s32 $0xFFFFC180;
	s6 =	sadd.s32 s7, s8  }
0x17c: {  	[tilespmem:s4], [sflag:$0x3] =	stream.linear.gather [hbm4b:s6+s4], $0x800, $0x38;
	[tilespmem:$0x1D000] =	vst v63  }
0x17d: {  	_ =	swait.ge [sflag:s9], $0x800  }
0x17e: {  	s8 =	rddreg [dreg:$0x4];
	[sflag:s9] =	ssyncset.done $0x0  }
0x17f: {  	[sflag:s9] =	ssyncadd.s32 $0xFFFFF800;
	s6 =	sadd.s32 s7, s8  }
0x180: {  	[tilespmem:s10], [sflag:$0x3] =	stream.linear.gather [hbm4b:s6+s4], $0x800, $0x38;
	[tilespmem:$0x1D000] =	vst v63  }
0x181: {  	_ =	swait.ge [sflag:s9], $0x800  }
0x182: {  	[sflag:s9] =	ssyncset.done $0x0  }
0x183: {  	[sflag:s9] =	ssyncadd.s32 $0xFFFFF800  }
0x184: {  	[tilespmem:s12], [sflag:$0x1] =	stream.indirect.gather [hbm4b:s2+s11], $0x80, s4, s11, $0xb8;
	[tilespmem:$0x1D000] =	vst v63  }
0x185: {  	s7 =	rddreg [dreg:$0x6]  }
0x186: {  	[tilespmem:s13], [sflag:$0x2] =	stream.indirect.gather [hbm4b:s2+s11], $0x80, s7, s11, $0xb8;
	[tilespmem:$0x1D000] =	vst v63  }
0x187: {  	_ =	swait.ge [sflag:s14], $0x3E80  }
0x188: {  	[sflag:s14] =	ssyncset.done $0x0  }
0x189: {  	[sflag:s14] =	ssyncadd.s32 $0xFFFFC180  }
0x18a: {  	[spmem:s3] =	stream.indirect.scatter.add.f32 [tilespmem:s12], [sflag:$0x3], $0x80, s10, s11, $0xb8;
	[tilespmem:$0x1D000] =	vst v63  }
0x18b: {  	_ =	swait.ge [sflag:s9], $0x3E80  }
0x18c: {  	[sflag:s9] =	ssyncset.done $0x0  }
0x18d: {  	s8 =	rddreg [dreg:$0x7];
	[sflag:s9] =	ssyncadd.s32 $0xFFFFC180  }
0x18e: {  	[tilespmem:s12], [sflag:$0x1] =	stream.indirect.gather [hbm4b:s2+s11], $0x80, s8, s11, $0xb8;
	[tilespmem:$0x1D000] =	vst v63  }
0x18f: {  	_ =	swait.ge [sflag:s15], $0x3E80  }
0x190: {  	[sflag:s15] =	ssyncset.done $0x0  }
0x191: {  	s7 =	rddreg [dreg:$0x8];
	[sflag:s15] =	ssyncadd.s32 $0xFFFFC180  }
0x192: {  	[spmem:s3] =	stream.indirect.scatter.add.f32 [tilespmem:s13], [sflag:$0x3], $0x80, s7, s11, $0xb8;
	[tilespmem:$0x1D000] =	vst v63  }
0x193: {  	_ =	swait.ge [sflag:s9], $0x3E80  }
0x194: {  	[sflag:s9] =	ssyncset.done $0x0  }
0x195: {  	s8 =	rddreg [dreg:$0x9];
	[sflag:s9] =	ssyncadd.s32 $0xFFFFC180  }
0x196: {  	[tilespmem:s13], [sflag:$0x2] =	stream.indirect.gather [hbm4b:s2+s11], $0x80, s8, s11, $0xb8;
	[tilespmem:$0x1D000] =	vst v63  }
0x197: {  	_ =	swait.ge [sflag:s14], $0x3E80  }
0x198: {  	[sflag:s14] =	ssyncset.done $0x0  }
0x199: {  	s7 =	rddreg [dreg:$0xa];
	[sflag:s14] =	ssyncadd.s32 $0xFFFFC180  }
0x19a: {  	[spmem:s3] =	stream.indirect.scatter.add.f32 [tilespmem:s12], [sflag:$0x3], $0x80, s7, s11, $0xb8;
	[tilespmem:$0x1D000] =	vst v63  }
0x19b: {  	_ =	swait.ge [sflag:s9], $0x3E80  }
0x19c: {  	[sflag:s9] =	ssyncset.done $0x0  }
0x19d: {  	s8 =	rddreg [dreg:$0xb];
	[sflag:s9] =	ssyncadd.s32 $0xFFFFC180  }
0x19e: {  	[tilespmem:s12], [sflag:$0x1] =	stream.indirect.gather [hbm4b:s2+s11], $0x80, s8, s11, $0xb8;
	[tilespmem:$0x1D000] =	vst v63  }
0x19f: {  	_ =	swait.ge [sflag:s15], $0x3E80  }
0x1a0: {  	[sflag:s15] =	ssyncset.done $0x0  }
0x1a1: {  	s7 =	rddreg [dreg:$0xc];
	[sflag:s15] =	ssyncadd.s32 $0xFFFFC180  }
0x1a2: {  	[spmem:s3] =	stream.indirect.scatter.add.f32 [tilespmem:s13], [sflag:$0x3], $0x80, s7, s11, $0xb8;
	[tilespmem:$0x1D000] =	vst v63  }
0x1a3: {  	_ =	swait.ge [sflag:s9], $0x3E80  }
0x1a4: {  	[sflag:s9] =	ssyncset.done $0x0  }
0x1a5: {  	s8 =	rddreg [dreg:$0xd];
	[sflag:s9] =	ssyncadd.s32 $0xFFFFC180  }
0x1a6: {  	[tilespmem:s13], [sflag:$0x2] =	stream.indirect.gather [hbm4b:s2+s11], $0x80, s8, s11, $0xb8;
	[tilespmem:$0x1D000] =	vst v63  }
0x1a7: {  	_ =	swait.ge [sflag:s14], $0x3E80  }
0x1a8: {  	[sflag:s14] =	ssyncset.done $0x0  }
0x1a9: {  	s7 =	rddreg [dreg:$0xe];
	[sflag:s14] =	ssyncadd.s32 $0xFFFFC180  }
0x1aa: {  	[spmem:s3] =	stream.indirect.scatter.add.f32 [tilespmem:s12], [sflag:$0x3], $0x80, s7, s11, $0xb8;
	[tilespmem:$0x1D000] =	vst v63  }
0x1ab: {  	_ =	swait.ge [sflag:s9], $0x3E80  }
0x1ac: {  	[sflag:s9] =	ssyncset.done $0x0  }
0x1ad: {  	s8 =	rddreg [dreg:$0xf];
	[sflag:s9] =	ssyncadd.s32 $0xFFFFC180  }
0x1ae: {  	[tilespmem:s12], [sflag:$0x1] =	stream.indirect.gather [hbm4b:s2+s11], $0x80, s8, s11, $0xb8;
	[tilespmem:$0x1D000] =	vst v63  }
0x1af: {  	_ =	swait.ge [sflag:s15], $0x3E80  }
0x1b0: {  	[sflag:s15] =	ssyncset.done $0x0  }
0x1b1: {  	s7 =	rddreg [dreg:$0x10];
	[sflag:s15] =	ssyncadd.s32 $0xFFFFC180  }
0x1b2: {  	[spmem:s3] =	stream.indirect.scatter.add.f32 [tilespmem:s13], [sflag:$0x3], $0x80, s7, s11, $0xb8;
	[tilespmem:$0x1D000] =	vst v63  }
0x1b3: {  	_ =	swait.ge [sflag:s9], $0x3E80  }
0x1b4: {  	[sflag:s9] =	ssyncset.done $0x0  }
0x1b5: {  	s8 =	rddreg [dreg:$0x11];
	[sflag:s9] =	ssyncadd.s32 $0xFFFFC180  }
0x1b6: {  	[tilespmem:s13], [sflag:$0x2] =	stream.indirect.gather [hbm4b:s2+s11], $0x80, s8, s11, $0xb8;
	[tilespmem:$0x1D000] =	vst v63  }
0x1b7: {  	_ =	swait.ge [sflag:s14], $0x3E80  }
0x1b8: {  	[sflag:s14] =	ssyncset.done $0x0  }
0x1b9: {  	s7 =	rddreg [dreg:$0x12];
	[sflag:s14] =	ssyncadd.s32 $0xFFFFC180  }
0x1ba: {  	[spmem:s3] =	stream.indirect.scatter.add.f32 [tilespmem:s12], [sflag:$0x3], $0x80, s7, s11, $0xb8;
	[tilespmem:$0x1D000] =	vst v63  }
0x1bb: {  	_ =	swait.ge [sflag:s9], $0x3E80  }
0x1bc: {  	[sflag:s9] =	ssyncset.done $0x0  }
0x1bd: {  	[sflag:s9] =	ssyncadd.s32 $0xFFFFC180  }
0x1be: {  	[tilespmem:s12], [sflag:$0x1] =	stream.indirect.gather [hbm4b:s2+s11], $0x80, s16, s11, $0xb8;
	[tilespmem:$0x1D000] =	vst v63  }
0x1bf: {  	_ =	swait.ge [sflag:s15], $0x3E80  }
0x1c0: {  	[sflag:s15] =	ssyncset.done $0x0  }
0x1c1: {  	[sflag:s15] =	ssyncadd.s32 $0xFFFFC180  }
0x1c2: {  	[spmem:s3] =	stream.indirect.scatter.add.f32 [tilespmem:s13], [sflag:$0x3], $0x80, s17, s11, $0xb8;
	[tilespmem:$0x1D000] =	vst v63  }
0x1c3: {  	_ =	swait.ge [sflag:s9], $0x3E80  }
0x1c4: {  	[sflag:s9] =	ssyncset.done $0x0  }
0x1c5: {  	[sflag:s9] =	ssyncadd.s32 $0xFFFFC180  }
0x1c6: {  	[tilespmem:s13], [sflag:$0x2] =	stream.indirect.gather [hbm4b:s2+s11], $0x80, s18, s11, $0xb8;
	[tilespmem:$0x1D000] =	vst v63  }
0x1c7: {  	_ =	swait.ge [sflag:s14], $0x3E80  }
0x1c8: {  	[sflag:s14] =	ssyncset.done $0x0  }
0x1c9: {  	[sflag:s14] =	ssyncadd.s32 $0xFFFFC180  }
0x1ca: {  	[spmem:s3] =	stream.indirect.scatter.add.f32 [tilespmem:s12], [sflag:$0x3], $0x80, s19, s11, $0xb8;
	[tilespmem:$0x1D000] =	vst v63  }
0x1cb: {  	_ =	swait.ge [sflag:s9], $0x3E80  }
0x1cc: {  	[sflag:s9] =	ssyncset.done $0x0  }
0x1cd: {  	[sflag:s9] =	ssyncadd.s32 $0xFFFFC180  }
0x1ce: {  	[tilespmem:s12], [sflag:$0x1] =	stream.indirect.gather [hbm4b:s2+s11], $0x80, s20, s11, $0xb8;
	[tilespmem:$0x1D000] =	vst v63  }
0x1cf: {  	_ =	swait.ge [sflag:s15], $0x3E80  }
0x1d0: {  	[sflag:s15] =	ssyncset.done $0x0  }
0x1d1: {  	[sflag:s15] =	ssyncadd.s32 $0xFFFFC180  }
0x1d2: {  	[spmem:s3] =	stream.indirect.scatter.add.f32 [tilespmem:s13], [sflag:$0x3], $0x80, s21, s11, $0xb8;
	[tilespmem:$0x1D000] =	vst v63  }
0x1d3: {  	_ =	swait.ge [sflag:s9], $0x3E80  }
0x1d4: {  	[sflag:s9] =	ssyncset.done $0x0  }
0x1d5: {  	[sflag:s9] =	ssyncadd.s32 $0xFFFFC180  }
0x1d6: {  	[tilespmem:s13], [sflag:$0x2] =	stream.indirect.gather [hbm4b:s2+s11], $0x80, s22, s11, $0xb8;
	[tilespmem:$0x1D000] =	vst v63  }
0x1d7: {  	_ =	swait.ge [sflag:s14], $0x3E80  }
0x1d8: {  	[sflag:s14] =	ssyncset.done $0x0  }
0x1d9: {  	[sflag:s14] =	ssyncadd.s32 $0xFFFFC180  }
0x1da: {  	[spmem:s3] =	stream.indirect.scatter.add.f32 [tilespmem:s12], [sflag:$0x3], $0x80, s23, s11, $0xb8;
	[tilespmem:$0x1D000] =	vst v63  }
0x1db: {  	_ =	swait.ge [sflag:s9], $0x3E80  }
0x1dc: {  	[sflag:s9] =	ssyncset.done $0x0  }
0x1dd: {  	[sflag:s9] =	ssyncadd.s32 $0xFFFFC180  }
0x1de: {  	[tilespmem:s12], [sflag:$0x1] =	stream.indirect.gather [hbm4b:s2+s11], $0x80, s24, s11, $0xb8;
	[tilespmem:$0x1D000] =	vst v63  }
0x1df: {  	_ =	swait.ge [sflag:s15], $0x3E80  }
0x1e0: {  	[sflag:s15] =	ssyncset.done $0x0  }
0x1e1: {  	[sflag:s15] =	ssyncadd.s32 $0xFFFFC180  }
0x1e2: {  	[spmem:s3] =	stream.indirect.scatter.add.f32 [tilespmem:s13], [sflag:$0x3], $0x80, s25, s11, $0xb8;
	[tilespmem:$0x1D000] =	vst v63  }
0x1e3: {  	_ =	swait.ge [sflag:s9], $0x3E80  }
0x1e4: {  	[sflag:s9] =	ssyncset.done $0x0  }
0x1e5: {  	[sflag:s9] =	ssyncadd.s32 $0xFFFFC180  }
0x1e6: {  	[tilespmem:s13], [sflag:$0x2] =	stream.indirect.gather [hbm4b:s2+s11], $0x80, s26, s11, $0xb8;
	[tilespmem:$0x1D000] =	vst v63  }
0x1e7: {  	_ =	swait.ge [sflag:s14], $0x3E80  }
0x1e8: {  	[sflag:s14] =	ssyncset.done $0x0  }
0x1e9: {  	[sflag:s14] =	ssyncadd.s32 $0xFFFFC180  }
0x1ea: {  	[spmem:s3] =	stream.indirect.scatter.add.f32 [tilespmem:s12], [sflag:$0x3], $0x80, s28, s11, $0xb8;
	[tilespmem:$0x1D000] =	vst v63  }
0x1eb: {  	_ =	swait.ge [sflag:s9], $0x3E80  }
0x1ec: {  	[sflag:s9] =	ssyncset.done $0x0  }
0x1ed: {  	[sflag:s9] =	ssyncadd.s32 $0xFFFFC180  }
0x1ee: {  	[tilespmem:s12], [sflag:$0x1] =	stream.indirect.gather [hbm4b:s2+s11], $0x80, s29, s11, $0xb8;
	[tilespmem:$0x1D000] =	vst v63  }
0x1ef: {  	_ =	swait.ge [sflag:s15], $0x3E80  }
0x1f0: {  	[sflag:s15] =	ssyncset.done $0x0  }
0x1f1: {  	[sflag:s15] =	ssyncadd.s32 $0xFFFFC180  }
0x1f2: {  	[spmem:s3] =	stream.indirect.scatter.add.f32 [tilespmem:s13], [sflag:$0x3], $0x80, s30, s11, $0xb8;
	[tilespmem:$0x1D000] =	vst v63  }
0x1f3: {  	_ =	swait.ge [sflag:s9], $0x3E80  }
0x1f4: {  	[sflag:s9] =	ssyncset.done $0x0  }
0x1f5: {  	[sflag:s9] =	ssyncadd.s32 $0xFFFFC180  }
0x1f6: {  	[tilespmem:s13], [sflag:$0x2] =	stream.indirect.gather [hbm4b:s2+s11], $0x80, s31, s11, $0xb8;
	[tilespmem:$0x1D000] =	vst v63  }
0x1f7: {  	_ =	swait.ge [sflag:s14], $0x3E80  }
0x1f8: {  	[sflag:s14] =	ssyncset.done $0x0  }
0x1f9: {  	[sflag:s14] =	ssyncadd.s32 $0xFFFFC180  }
0x1fa: {  	[spmem:s3] =	stream.indirect.scatter.add.f32 [tilespmem:s12], [sflag:$0x3], $0x80, s1, s11, $0xb8;
	[tilespmem:$0x1D000] =	vst v63  }
0x1fb: {  	_ =	swait.ge [sflag:s9], $0x3E80  }
0x1fc: {  	[sflag:s9] =	ssyncset.done $0x0  }
0x1fd: {  	[sflag:s9] =	ssyncadd.s32 $0xFFFFC180  }
0x1fe: {  	_ =	swait.ge [sflag:s15], $0x3E80  }
0x1ff: {  	[sflag:s15] =	ssyncset.done $0x0  }
0x200: {  	[sflag:s15] =	ssyncadd.s32 $0xFFFFC180  }
0x201: {  	[spmem:s3] =	stream.indirect.scatter.add.f32 [tilespmem:s13], [sflag:$0x3], $0x80, s0, s11, $0xb8;
	[tilespmem:$0x1D000] =	vst v63  }
0x202: {  	_ =	swait.ge [sflag:s9], $0x3E80  }
0x203: {  	[sflag:s9] =	ssyncset.done $0x0  }
0x204: {  	s8 =	stileid.u32;
	[sflag:s9] =	ssyncadd.s32 $0xFFFFC180  }
0x205: {  	s6 =	sshll.u32 s8, $0x6;
	[bflag:$0x0] =	sbarrier.arrive $0xFFFF  }
0x206: {  	s6 =	sor.u32 $0x1C03, s6;
	s7 =	sshrl.u32 s5, $0x3;
	s8 =	rddreg [dreg:$0x13]  }
0x207: {  	[hbm:s8], [sflag:s6] =	dma.local [spmem:s7], $0x2780  }
0x208: {  	_ =	swait.ge [sflag:s9], $0x2780  }
0x209: {  	s6 =	rddreg [dreg:$0x15]  }
0x20a: {  	s8 =	rddreg [dreg:$0x14];
	s7 =	sadd.s32 $0x1, s6  }
0x20b: {  	p0 =	sne.s32 s7, s8  }
.Ltmp2:
0x20c: {  	_ = 	snop;
	(pc) =	sbr.rel @p0 .LBB2_1-.Ltmp2, $3  }
0x20d: {  	_ =	sdelay $0x1  }
0x20e: {  	[sflag:s9] =	ssyncset.done $0x0  }
0x20f: {  	[sflag:s9] =	ssyncadd.s32 $0xFFFFD880;
	s8 =	simm.s32 $0x1000  }
0x210: {  	_ =	sfence.sel $0x180000  }
0x211: {  	[bflag:$0x0] =	sbarrier.arrive $0xFFFF  }
0x212: {  	_ =	strace $0x90000050  }
0x213: {  	s0 =	stileid.u32;
	[bflag:$0x2] =	sbarrier.arrive $0xFFFF  }
0x214: {  	p0 =	sne.s32 s0, $0x0;
	s0 =	rddreg [dreg:$0x3]  }
0x215: {  	s0 =	sadd.s32 @!p0 $0x100000, s0  }
0x216: {  	[sflag:s0] =	ssyncadd.tile.s32 @!p0 $0x1;
	_ =	shalt  }
.Lfunc_end2:
_tile_overlayer_lowered:
.L_overlay_start_2:
0x217: {  	(tag) =	ssettag $0x2  }
0x218: {  	s0 =	rddreg [dreg:$0x0];
	s2 =	stileid.u32  }
0x219: {  	s1 =	rddreg [dreg:$0x1];
	p0 =	sne.s32 s2, $0x0  }
0x21a: {  	s3 =	rddreg [dreg:$0x2];
	[bflag:$0x3] =	sbarrier.arrive $0xFFFF;
	s2 =	simm.s32 @!p0 $0x1C03  }
0x21b: {  	[timem:s3], [sflag:s2] =	dma.local @!p0 [hbm:s0], s1  }
0x21c: {  	s0 =	simm.s32 @!p0 $0x3  }
0x21d: {  	_ =	swait.ge @!p0 [sflag:s0], s1  }
0x21e: {  	s1 =	ssub.s32 @!p0 $0x0, s1;
	[sflag:s0] =	ssyncset.done @!p0 $0x0  }
0x21f: {  	[sflag:s0] =	ssyncadd.s32 @!p0 s1  }
0x220: {  	[bflag:$0x3] =	sbarrier.arrive $0xFFFF  }
0x221: {  	_ =	shalt  }

</sc_bundles>
